<compile_context>
chip_gen: v7x
topology: tpu7x:2x2x1
jax: 0.10.2.dev20260603
libtpu: 0.0.44.dev20260713+nightly
codegen_flags: <defaults>
</compile_context>

<pallas_src>
import functools
import math

import jax
import jax.numpy as jnp
from jax import lax
from jax.experimental import pallas as pl
from jax.experimental.pallas import tpu as pltpu
from jax.experimental.pallas import tpu_sc as plsc

N = 10000
E = 320000
NFEAT = 128
NHIDDEN = 64
NCLASS = 40
NLAYERS = 4
LAMDA = 0.5
ALPHA = 0.1

NC = 2
NS = 16
NW = NC * NS
K = 128
NCH = 2560
CW = NCH // NS
EP = NCH * K
NPAD = 10240
NACC = 10112
ROWS_PER_TILE = NACC // NS
NB = 4
NH2 = NHIDDEN // 2
FH = NHIDDEN // NC
FH2 = FH // 2


def _spmm_sc_body(hpk_hbm, sd_hbm, w_hbm, out_hbm,
                  sd_v, src_v, dst_v, w_v, gbuf, sbuf, zero_v, w128,
                  acc_sh, h_sh,
                  gsem0, gsem1, gsem2, gsem3, ssem0, ssem1, ssem2, ssem3):
  cid = lax.axis_index("c")
  sid = lax.axis_index("s")
  base = sid * ROWS_PER_TILE

  evens = lax.iota(jnp.int32, 16) * 2
  odds = evens + 1

  stage_s = pltpu.async_copy(sd_hbm.at[pl.ds(sid * CW, CW)], sd_v, gsem0)
  stage_w = pltpu.async_copy(w_hbm.at[pl.ds(sid * CW, CW)], w_v, ssem0)
  stage_h = pltpu.async_copy(
      hpk_hbm.at[pl.ds(base, ROWS_PER_TILE), pl.ds(cid * FH2, FH2)],
      h_sh.at[pl.ds(base, ROWS_PER_TILE)], ssem1)

  def zero_row(r, _):
    for j in range(FH // 16):
      zero_v[r, pl.ds(j * 16, 16)] = jnp.zeros((16,), jnp.float32)
    return 0
  lax.fori_loop(0, K, zero_row, 0)
  for off in range(0, ROWS_PER_TILE, K):
    n = min(K, ROWS_PER_TILE - off)
    pltpu.sync_copy(zero_v.at[pl.ds(0, n)], acc_sh.at[pl.ds(base + off, n)])
  stage_s.wait()
  mask14 = jnp.full((16,), 16383, jnp.int32)
  def unpack_edges(q, _):
    for j in range(K // 16):
      v = sd_v[q, pl.ds(j * 16, 16)]
      src_v[q, pl.ds(j * 16, 16)] = v & mask14
      dst_v[q, pl.ds(j * 16, 16)] = lax.shift_right_logical(
          v, jnp.full((16,), 14, jnp.int32))
    return 0
  lax.fori_loop(0, CW, unpack_edges, 0)
  stage_w.wait()
  stage_h.wait()
  plsc.subcore_barrier()

  gbufs = [gbuf.at[b] for b in range(NB)]
  sbufs = [sbuf.at[b] for b in range(NB)]
  gsems = [gsem0, gsem1, gsem2, gsem3]
  ssems = [ssem0, ssem1, ssem2, ssem3]

  def scale(gb_ref, sb_ref, c):
    for j in range(K // 32):
      wa, wb = plsc.unpack(w_v[c, pl.ds(32 * j, 32)],
                           format=plsc.PackFormat.INTERLEAVED)
      plsc.store_scatter(w128, [evens + 32 * j], wa)
      plsc.store_scatter(w128, [odds + 32 * j], wb)

    def eb_body(eb, _):
      rows = [eb * 8 + k for k in range(8)]
      wvs = [plsc.load_gather(w128, [jnp.full((16,), r, jnp.int32)])
             for r in rows]
      loads = [gb_ref[r, pl.ds(0, FH2)] for r in rows]
      unp = [plsc.unpack(plsc.bitcast(v, jnp.bfloat16),
                         format=plsc.PackFormat.INTERLEAVED)
             for v in loads]
      for i, r in enumerate(rows):
        rsp = jnp.full((16,), r, jnp.int32)
        ga, gb = unp[i]
        plsc.store_scatter(sb_ref, [rsp, evens], ga * wvs[i])
        plsc.store_scatter(sb_ref, [rsp, odds], gb * wvs[i])
      return 0
    lax.fori_loop(0, K // 8, eb_body, 0)

  for b in range(NB - 1):
    pltpu.async_copy(h_sh.at[src_v.at[b]], gbufs[b], gsems[b])

  def quad_body(it, _):
    for b in range(NB):
      c = NB * it + b
      pltpu.make_async_copy(h_sh.at[src_v.at[c]], gbufs[b], gsems[b]).wait()
      bn = (b + NB - 1) % NB
      cn = jnp.minimum(c + NB - 1, CW - 1)
      pltpu.async_copy(h_sh.at[src_v.at[cn]], gbufs[bn], gsems[bn])

      @pl.when(it > 0)
      def _():
        pltpu.make_async_copy(sbufs[b], acc_sh.at[dst_v.at[c]],
                              ssems[b]).wait()
      scale(gbufs[b], sbufs[b], c)
      pltpu.async_copy(sbufs[b], acc_sh.at[dst_v.at[c]], ssems[b], add=True)
    return 0
  lax.fori_loop(0, CW // NB, quad_body, 0)
  for b in range(NB):
    pltpu.make_async_copy(sbufs[b], acc_sh.at[dst_v.at[0]], ssems[b]).wait()
  for b in range(NB - 1):
    pltpu.make_async_copy(h_sh.at[src_v.at[0]], gbufs[b], gsems[b]).wait()
  plsc.subcore_barrier()

  for off in range(0, ROWS_PER_TILE, K):
    n = min(K, ROWS_PER_TILE - off)
    pltpu.sync_copy(acc_sh.at[pl.ds(base + off, n)],
                    out_hbm.at[cid, pl.ds(base + off, n)])


@jax.jit
def _spmm_sc(hpk, sd2d, w2d):
  mesh = plsc.VectorSubcoreMesh(core_axis_name="c", subcore_axis_name="s")
  f = pl.kernel(
      _spmm_sc_body,
      out_type=jax.ShapeDtypeStruct((NC, NPAD, FH), jnp.float32),
      mesh=mesh,
      compiler_params=pltpu.CompilerParams(use_tc_tiling_on_sc=False,
                                           needs_layout_passes=False),
      scratch_types=[
          pltpu.VMEM((CW, K), jnp.int32),
          pltpu.VMEM((CW, K), jnp.int32),
          pltpu.VMEM((CW, K), jnp.int32),
          pltpu.VMEM((CW, K), jnp.bfloat16),
          pltpu.VMEM((NB, K, FH2), jnp.int32),
          pltpu.VMEM((NB, K, FH), jnp.float32),
          pltpu.VMEM((K, FH), jnp.float32),
          pltpu.VMEM((K,), jnp.float32),
          pltpu.VMEM_SHARED((NACC, FH), jnp.float32),
          pltpu.VMEM_SHARED((NACC, FH2), jnp.int32),
          pltpu.SemaphoreType.DMA,
          pltpu.SemaphoreType.DMA,
          pltpu.SemaphoreType.DMA,
          pltpu.SemaphoreType.DMA,
          pltpu.SemaphoreType.DMA,
          pltpu.SemaphoreType.DMA,
          pltpu.SemaphoreType.DMA,
          pltpu.SemaphoreType.DMA,
      ],
  )
  return f(hpk, sd2d, w2d)


def _pack_h(h):
  hb = h.astype(jnp.bfloat16).reshape(NPAD, NH2, 2)
  return jax.lax.bitcast_convert_type(hb, jnp.int32)


def _tc_input_body(x_ref, w_ref, b_ref, o_ref):
  o_ref[pl.ds(0, N)] = jnp.maximum(
      jnp.dot(x_ref[...], w_ref[...], preferred_element_type=jnp.float32)
      + b_ref[...][None, :], 0.0)


def _tc_layer_body(p_ref, h0_ref, w_ref, o_ref, *, theta):
  hi = jnp.concatenate([p_ref[0, :N], p_ref[1, :N]], axis=1)
  support = (1.0 - ALPHA) * hi + ALPHA * h0_ref[:N]
  out = theta * jnp.dot(support, w_ref[...],
                        preferred_element_type=jnp.float32) \
      + (1.0 - theta) * support
  o_ref[pl.ds(0, N)] = jnp.maximum(out, 0.0)


def _tc_final_body(h_ref, w_ref, b_ref, o_ref):
  logits = jnp.dot(h_ref[:N], w_ref[...],
                   preferred_element_type=jnp.float32) + b_ref[...][None, :]
  m = jnp.max(logits, axis=1, keepdims=True)
  shifted = logits - m
  lse = jnp.log(jnp.sum(jnp.exp(shifted), axis=1, keepdims=True))
  o_ref[...] = shifted - lse


@jax.jit
def kernel(x, edge_index, edge_weight, W0, b0, Wc, W1, b1):
  dst = edge_index[0]
  src = edge_index[1]
  pad = EP - E
  sd = src | (dst << 14)
  sd2d = jnp.concatenate([sd, jnp.zeros((pad,), jnp.int32)]).reshape(
      NCH, K)
  w2d = jnp.concatenate(
      [edge_weight, jnp.zeros((pad,), jnp.float32)]).astype(
          jnp.bfloat16).reshape(NCH, K)

  h0 = pl.pallas_call(
      _tc_input_body,
      out_shape=jax.ShapeDtypeStruct((NPAD, NHIDDEN), jnp.float32),
  )(x, W0, b0)

  layer_inner = h0
  layers_out = [h0]
  for i in range(NLAYERS):
    theta = math.log(LAMDA / (i + 1) + 1.0)
    partials = _spmm_sc(_pack_h(layer_inner), sd2d, w2d)
    layer_inner = pl.pallas_call(
        functools.partial(_tc_layer_body, theta=theta),
        out_shape=jax.ShapeDtypeStruct((NPAD, NHIDDEN), jnp.float32),
    )(partials, h0, Wc[i])
    if i % 2 == 0:
      layers_out.append(layer_inner)

  logp = pl.pallas_call(
      _tc_final_body,
      out_shape=jax.ShapeDtypeStruct((N, NCLASS), jnp.float32),
  )(layer_inner, W1, b1)
  return (logp, *[h[:N] for h in layers_out])

# --- scband reference (transcript-rebuilt; emitter-appended) ---
"""Pipeline reference for scband-gcnii-88923002896511 (READ-ONLY COPY).

The authoritative reference and input builder live on the scoring server;
editing this copy changes nothing except your own understanding.
"""

import jax, jax.numpy as jnp
import numpy as np
import math

N = 10000
E = 320000
NFEAT = 128
NHIDDEN = 64
NCLASS = 40
NLAYERS = 4
LAMDA = 0.5
ALPHA = 0.1


def setup_inputs(seed: int = 0) -> dict:
    key = jax.random.key(seed)
    ks = jax.random.split(key, 8)
    x = jax.random.normal(ks[0], (N, NFEAT), dtype=jnp.float32)
    edge_index = jax.random.randint(ks[1], (2, E), 0, N, dtype=jnp.int32)
    edge_weight = jax.random.uniform(ks[2], (E,), dtype=jnp.float32)
    W0 = jax.random.normal(ks[3], (NFEAT, NHIDDEN), dtype=jnp.float32) * 0.05
    b0 = jnp.zeros((NHIDDEN,), dtype=jnp.float32)
    Wc = jax.random.normal(ks[4], (NLAYERS, NHIDDEN, NHIDDEN), dtype=jnp.float32) * 0.05
    W1 = jax.random.normal(ks[5], (NHIDDEN, NCLASS), dtype=jnp.float32) * 0.05
    b1 = jnp.zeros((NCLASS,), dtype=jnp.float32)
    return {"x": x, "edge_index": edge_index, "edge_weight": edge_weight,
            "W0": W0, "b0": b0, "Wc": Wc, "W1": W1, "b1": b1}


def _spmm(edge_index, edge_weight, h):
    # sparse adj @ h: hi[dst] = sum_e w_e * h[src_e]
    dst = edge_index[0]
    src = edge_index[1]
    msgs = jnp.take(h, src, axis=0) * edge_weight[:, None]
    return jax.ops.segment_sum(msgs, dst, num_segments=N)


def reference(x, edge_index, edge_weight, W0, b0, Wc, W1, b1):
    # dropout is identity in eval mode
    layer_inner = jax.nn.relu(x @ W0 + b0)
    h0 = layer_inner
    layers_out = [layer_inner]
    for i in range(NLAYERS):
        theta = math.log(LAMDA / (i + 1) + 1.0)
        hi = _spmm(edge_index, edge_weight, layer_inner)
        support = (1.0 - ALPHA) * hi + ALPHA * h0  # variant=False
        r = support
        out = theta * (support @ Wc[i]) + (1.0 - theta) * r
        layer_inner = jax.nn.relu(out)
        if i % 2 == 0:
            layers_out.append(layer_inner)
    logits = layer_inner @ W1 + b1
    logp = jax.nn.log_softmax(logits, axis=1)
    return (logp, *layers_out)

if __name__ == "__main__":
    import jax
    _d = setup_inputs()
    print(jax.jit(kernel)(*tuple(_d.values())))

</pallas_src>

<mosaic_0001>
#map = affine_map<(d0, d1) -> (0, 0)>
#map1 = affine_map<(d0, d1) -> (0, 0, 0)>
module attributes {stable_mosaic.version = 14 : i64} {
  func.func @_spmm_sc_body(%arg0: i32, %arg1: i32, %arg2: memref<10240x32xi32, #tpu.memory_space<hbm>>, %arg3: memref<2560x128xi32, #tpu.memory_space<hbm>>, %arg4: memref<2560x128xbf16, #tpu.memory_space<hbm>>, %arg5: memref<2x10240x32xf32, #tpu.memory_space<hbm>>, %arg6: memref<160x128xi32, #tpu.memory_space<vmem>>, %arg7: memref<160x128xi32, #tpu.memory_space<vmem>>, %arg8: memref<160x128xi32, #tpu.memory_space<vmem>>, %arg9: memref<160x128xbf16, #tpu.memory_space<vmem>>, %arg10: memref<4x128x16xi32, #tpu.memory_space<vmem>>, %arg11: memref<4x128x32xf32, #tpu.memory_space<vmem>>, %arg12: memref<128x32xf32, #tpu.memory_space<vmem>>, %arg13: memref<128xf32, #tpu.memory_space<vmem>>, %arg14: memref<10112x32xf32, #tpu.memory_space<vmem_shared>>, %arg15: memref<10112x16xi32, #tpu.memory_space<vmem_shared>>, %arg16: memref<!tpu.dma_semaphore, #tpu.memory_space<semaphore_mem>>, %arg17: memref<!tpu.dma_semaphore, #tpu.memory_space<semaphore_mem>>, %arg18: memref<!tpu.dma_semaphore, #tpu.memory_space<semaphore_mem>>, %arg19: memref<!tpu.dma_semaphore, #tpu.memory_space<semaphore_mem>>, %arg20: memref<!tpu.dma_semaphore, #tpu.memory_space<semaphore_mem>>, %arg21: memref<!tpu.dma_semaphore, #tpu.memory_space<semaphore_mem>>, %arg22: memref<!tpu.dma_semaphore, #tpu.memory_space<semaphore_mem>>, %arg23: memref<!tpu.dma_semaphore, #tpu.memory_space<semaphore_mem>>) attributes {dimension_semantics = [#tpu.dimension_semantics<core_parallel>, #tpu.dimension_semantics<subcore_parallel>], iteration_bounds = array<i64: 2, 16>, scalar_prefetch = 0 : i64, scratch_operands = 18 : i64, tpu.core_type = #tpu.core_type<sc_vector_subcore>, window_params = [{transform_indices = #map}, {transform_indices = #map}, {transform_indices = #map}, {transform_indices = #map1}]} {
    %mul3A = arith.constant 632 : i32
    %mul3A_0 = arith.muli %arg1, %mul3A : i32
    %iota3A = tpu.iota {dimensions = array<i32: 0>} : vector<16xi32>
    %mul3A_1 = arith.constant 2 : i32
    %mul3A_2 = vector.broadcast %mul3A_1 : i32 to vector<16xi32>
    %mul3A_3 = arith.muli %iota3A, %mul3A_2 : vector<16xi32>
    %add3A = arith.constant 1 : i32
    %add3A_4 = vector.broadcast %add3A : i32 to vector<16xi32>
    %add3A_5 = arith.addi %mul3A_3, %add3A_4 : vector<16xi32>
    %mul3A_6 = arith.constant 160 : i32
    %mul3A_7 = arith.muli %arg1, %mul3A_6 : i32
    %dma_start3A = arith.constant 0 : i32
    %dma_start3A_8 = tpu.memref_slice %arg3[%mul3A_7, %dma_start3A] : memref<2560x128xi32, #tpu.memory_space<hbm>> -> memref<160x128xi32, #tpu.memory_space<hbm>>
    %dma_start3A_9 = arith.constant 0 : i32
    %dma_start3A_10 = tpu.memref_slice %arg3[%mul3A_7, %dma_start3A_9] : memref<2560x128xi32, #tpu.memory_space<hbm>> -> memref<160x128xi32, #tpu.memory_space<hbm>>
    tpu.enqueue_dma source(%dma_start3A_10 : memref<160x128xi32, #tpu.memory_space<hbm>>) target(%arg6 : memref<160x128xi32, #tpu.memory_space<vmem>>) target_semaphore(%arg16 : memref<!tpu.dma_semaphore, #tpu.memory_space<semaphore_mem>>)
    %mul3A_11 = arith.constant 160 : i32
    %mul3A_12 = arith.muli %arg1, %mul3A_11 : i32
    %dma_start3A_13 = arith.constant 0 : i32
    %dma_start3A_14 = tpu.memref_slice %arg4[%mul3A_12, %dma_start3A_13] : memref<2560x128xbf16, #tpu.memory_space<hbm>> -> memref<160x128xbf16, #tpu.memory_space<hbm>>
    %dma_start3A_15 = arith.constant 0 : i32
    %dma_start3A_16 = tpu.memref_slice %arg4[%mul3A_12, %dma_start3A_15] : memref<2560x128xbf16, #tpu.memory_space<hbm>> -> memref<160x128xbf16, #tpu.memory_space<hbm>>
    tpu.enqueue_dma source(%dma_start3A_16 : memref<160x128xbf16, #tpu.memory_space<hbm>>) target(%arg9 : memref<160x128xbf16, #tpu.memory_space<vmem>>) target_semaphore(%arg20 : memref<!tpu.dma_semaphore, #tpu.memory_space<semaphore_mem>>)
    %mul3A_17 = arith.constant 16 : i32
    %mul3A_18 = arith.muli %arg0, %mul3A_17 : i32
    %dma_start3A_19 = arith.constant 0 : i32
    %dma_start3A_20 = tpu.memref_slice %arg15[%mul3A_0, %dma_start3A_19] : memref<10112x16xi32, #tpu.memory_space<vmem_shared>> -> memref<632x16xi32, #tpu.memory_space<vmem_shared>>
    %dma_start3A_21 = tpu.memref_slice %arg2[%mul3A_0, %mul3A_18] : memref<10240x32xi32, #tpu.memory_space<hbm>> -> memref<632x16xi32, #tpu.memory_space<hbm>>
    tpu.enqueue_dma source(%dma_start3A_21 : memref<632x16xi32, #tpu.memory_space<hbm>>) target(%dma_start3A_20 : memref<632x16xi32, #tpu.memory_space<vmem_shared>>) target_semaphore(%arg21 : memref<!tpu.dma_semaphore, #tpu.memory_space<semaphore_mem>>)
    %scan3A = arith.constant 0 : i32
    %scan3A_22 = arith.constant 0 : i32
    %scan3A_23 = arith.constant 128 : i32
    %scan3A_24 = arith.addi %scan3A_22, %scan3A_23 : i32
    %scan3A_25 = arith.constant 1 : i32
    %scan3A_26 = scf.for %scan3A_212 = %scan3A_22 to %scan3A_24 step %scan3A_25 iter_args(%scan3A_213 = %scan3A) -> (i32)  : i32 {
      %broadcast_in_dim3A_214 = arith.constant 0.000000e+00 : f32
      %broadcast_in_dim3A_215 = vector.broadcast %broadcast_in_dim3A_214 : f32 to vector<16xf32>
      %swap3A = arith.index_cast %scan3A_212 : i32 to index
      %swap3A_216 = arith.constant 0 : index
      %swap3A_217 = tpu.vector_load %arg12[%swap3A, %swap3A_216] {strides = array<i32>} : memref<128x32xf32, #tpu.memory_space<vmem>>, vector<16xf32>,
      tpu.vector_store %arg12[%swap3A, %swap3A_216], %broadcast_in_dim3A_215 {strides = array<i32>} : memref<128x32xf32, #tpu.memory_space<vmem>>, vector<16xf32>,
      %broadcast_in_dim3A_218 = arith.constant 0.000000e+00 : f32
      %broadcast_in_dim3A_219 = vector.broadcast %broadcast_in_dim3A_218 : f32 to vector<16xf32>
      %swap3A_220 = arith.index_cast %scan3A_212 : i32 to index
      %swap3A_221 = arith.constant 16 : index
      %swap3A_222 = tpu.vector_load %arg12[%swap3A_220, %swap3A_221] {strides = array<i32>} : memref<128x32xf32, #tpu.memory_space<vmem>>, vector<16xf32>,
      tpu.vector_store %arg12[%swap3A_220, %swap3A_221], %broadcast_in_dim3A_219 {strides = array<i32>} : memref<128x32xf32, #tpu.memory_space<vmem>>, vector<16xf32>,
      %scan3A_223 = arith.constant 0 : i32
      scf.yield %scan3A_223 : i32
    }
    %scan3A_27 = arith.constant 128 : i32
    %add3A_28 = arith.constant 0 : i32
    %add3A_29 = arith.addi %mul3A_0, %add3A_28 : i32
    "tpu.region"() ({
      %run_scoped3A = tpu.sem_alloc : memref<!tpu.dma_semaphore, #tpu.memory_space<semaphore_mem>>
      %dma_start3A_212 = arith.constant 0 : i32
      %dma_start3A_213 = arith.constant 0 : i32
      %dma_start3A_214 = tpu.memref_slice %arg12[%dma_start3A_212, %dma_start3A_213] : memref<128x32xf32, #tpu.memory_space<vmem>> -> memref<128x32xf32, #tpu.memory_space<vmem>>
      %dma_start3A_215 = arith.constant 0 : i32
      %dma_start3A_216 = tpu.memref_slice %arg14[%add3A_29, %dma_start3A_215] : memref<10112x32xf32, #tpu.memory_space<vmem_shared>> -> memref<128x32xf32, #tpu.memory_space<vmem_shared>>
      %dma_start3A_217 = arith.constant 0 : i32
      %dma_start3A_218 = tpu.memref_slice %arg14[%add3A_29, %dma_start3A_217] : memref<10112x32xf32, #tpu.memory_space<vmem_shared>> -> memref<128x32xf32, #tpu.memory_space<vmem_shared>>
      %dma_start3A_219 = arith.constant 0 : i32
      %dma_start3A_220 = arith.constant 0 : i32
      %dma_start3A_221 = tpu.memref_slice %arg12[%dma_start3A_219, %dma_start3A_220] : memref<128x32xf32, #tpu.memory_space<vmem>> -> memref<128x32xf32, #tpu.memory_space<vmem>>
      tpu.enqueue_dma source(%dma_start3A_221 : memref<128x32xf32, #tpu.memory_space<vmem>>) target(%dma_start3A_218 : memref<128x32xf32, #tpu.memory_space<vmem_shared>>) target_semaphore(%run_scoped3A : memref<!tpu.dma_semaphore, #tpu.memory_space<semaphore_mem>>)
      %dma_wait3A_222 = arith.constant 0 : i32
      %dma_wait3A_223 = arith.constant 0 : i32
      %dma_wait3A_224 = tpu.memref_slice %arg12[%dma_wait3A_222, %dma_wait3A_223] : memref<128x32xf32, #tpu.memory_space<vmem>> -> memref<128x32xf32, #tpu.memory_space<vmem>>
      %dma_wait3A_225 = arith.constant 0 : i32
      %dma_wait3A_226 = tpu.memref_slice %arg14[%add3A_29, %dma_wait3A_225] : memref<10112x32xf32, #tpu.memory_space<vmem_shared>> -> memref<128x32xf32, #tpu.memory_space<vmem_shared>>
      %dma_wait3A_227 = arith.constant 0 : i32
      %dma_wait3A_228 = tpu.memref_slice %arg14[%add3A_29, %dma_wait3A_227] : memref<10112x32xf32, #tpu.memory_space<vmem_shared>> -> memref<128x32xf32, #tpu.memory_space<vmem_shared>>
      %dma_wait3A_229 = arith.constant 0 : i32
      %dma_wait3A_230 = arith.constant 0 : i32
      %dma_wait3A_231 = tpu.memref_slice %arg12[%dma_wait3A_229, %dma_wait3A_230] : memref<128x32xf32, #tpu.memory_space<vmem>> -> memref<128x32xf32, #tpu.memory_space<vmem>>
      tpu.wait_dma2 semaphore(%run_scoped3A : memref<!tpu.dma_semaphore, #tpu.memory_space<semaphore_mem>>) src(%dma_wait3A_231 : memref<128x32xf32, #tpu.memory_space<vmem>>) dst(%dma_wait3A_228 : memref<128x32xf32, #tpu.memory_space<vmem_shared>>)
      tpu.yield
    }) : () -> ()
    %add3A_30 = arith.constant 128 : i32
    %add3A_31 = arith.addi %mul3A_0, %add3A_30 : i32
    "tpu.region"() ({
      %run_scoped3A = tpu.sem_alloc : memref<!tpu.dma_semaphore, #tpu.memory_space<semaphore_mem>>
      %dma_start3A_212 = arith.constant 0 : i32
      %dma_start3A_213 = arith.constant 0 : i32
      %dma_start3A_214 = tpu.memref_slice %arg12[%dma_start3A_212, %dma_start3A_213] : memref<128x32xf32, #tpu.memory_space<vmem>> -> memref<128x32xf32, #tpu.memory_space<vmem>>
      %dma_start3A_215 = arith.constant 0 : i32
      %dma_start3A_216 = tpu.memref_slice %arg14[%add3A_31, %dma_start3A_215] : memref<10112x32xf32, #tpu.memory_space<vmem_shared>> -> memref<128x32xf32, #tpu.memory_space<vmem_shared>>
      %dma_start3A_217 = arith.constant 0 : i32
      %dma_start3A_218 = tpu.memref_slice %arg14[%add3A_31, %dma_start3A_217] : memref<10112x32xf32, #tpu.memory_space<vmem_shared>> -> memref<128x32xf32, #tpu.memory_space<vmem_shared>>
      %dma_start3A_219 = arith.constant 0 : i32
      %dma_start3A_220 = arith.constant 0 : i32
      %dma_start3A_221 = tpu.memref_slice %arg12[%dma_start3A_219, %dma_start3A_220] : memref<128x32xf32, #tpu.memory_space<vmem>> -> memref<128x32xf32, #tpu.memory_space<vmem>>
      tpu.enqueue_dma source(%dma_start3A_221 : memref<128x32xf32, #tpu.memory_space<vmem>>) target(%dma_start3A_218 : memref<128x32xf32, #tpu.memory_space<vmem_shared>>) target_semaphore(%run_scoped3A : memref<!tpu.dma_semaphore, #tpu.memory_space<semaphore_mem>>)
      %dma_wait3A_222 = arith.constant 0 : i32
      %dma_wait3A_223 = arith.constant 0 : i32
      %dma_wait3A_224 = tpu.memref_slice %arg12[%dma_wait3A_222, %dma_wait3A_223] : memref<128x32xf32, #tpu.memory_space<vmem>> -> memref<128x32xf32, #tpu.memory_space<vmem>>
      %dma_wait3A_225 = arith.constant 0 : i32
      %dma_wait3A_226 = tpu.memref_slice %arg14[%add3A_31, %dma_wait3A_225] : memref<10112x32xf32, #tpu.memory_space<vmem_shared>> -> memref<128x32xf32, #tpu.memory_space<vmem_shared>>
      %dma_wait3A_227 = arith.constant 0 : i32
      %dma_wait3A_228 = tpu.memref_slice %arg14[%add3A_31, %dma_wait3A_227] : memref<10112x32xf32, #tpu.memory_space<vmem_shared>> -> memref<128x32xf32, #tpu.memory_space<vmem_shared>>
      %dma_wait3A_229 = arith.constant 0 : i32
      %dma_wait3A_230 = arith.constant 0 : i32
      %dma_wait3A_231 = tpu.memref_slice %arg12[%dma_wait3A_229, %dma_wait3A_230] : memref<128x32xf32, #tpu.memory_space<vmem>> -> memref<128x32xf32, #tpu.memory_space<vmem>>
      tpu.wait_dma2 semaphore(%run_scoped3A : memref<!tpu.dma_semaphore, #tpu.memory_space<semaphore_mem>>) src(%dma_wait3A_231 : memref<128x32xf32, #tpu.memory_space<vmem>>) dst(%dma_wait3A_228 : memref<128x32xf32, #tpu.memory_space<vmem_shared>>)
      tpu.yield
    }) : () -> ()
    %add3A_32 = arith.constant 256 : i32
    %add3A_33 = arith.addi %mul3A_0, %add3A_32 : i32
    "tpu.region"() ({
      %run_scoped3A = tpu.sem_alloc : memref<!tpu.dma_semaphore, #tpu.memory_space<semaphore_mem>>
      %dma_start3A_212 = arith.constant 0 : i32
      %dma_start3A_213 = arith.constant 0 : i32
      %dma_start3A_214 = tpu.memref_slice %arg12[%dma_start3A_212, %dma_start3A_213] : memref<128x32xf32, #tpu.memory_space<vmem>> -> memref<128x32xf32, #tpu.memory_space<vmem>>
      %dma_start3A_215 = arith.constant 0 : i32
      %dma_start3A_216 = tpu.memref_slice %arg14[%add3A_33, %dma_start3A_215] : memref<10112x32xf32, #tpu.memory_space<vmem_shared>> -> memref<128x32xf32, #tpu.memory_space<vmem_shared>>
      %dma_start3A_217 = arith.constant 0 : i32
      %dma_start3A_218 = tpu.memref_slice %arg14[%add3A_33, %dma_start3A_217] : memref<10112x32xf32, #tpu.memory_space<vmem_shared>> -> memref<128x32xf32, #tpu.memory_space<vmem_shared>>
      %dma_start3A_219 = arith.constant 0 : i32
      %dma_start3A_220 = arith.constant 0 : i32
      %dma_start3A_221 = tpu.memref_slice %arg12[%dma_start3A_219, %dma_start3A_220] : memref<128x32xf32, #tpu.memory_space<vmem>> -> memref<128x32xf32, #tpu.memory_space<vmem>>
      tpu.enqueue_dma source(%dma_start3A_221 : memref<128x32xf32, #tpu.memory_space<vmem>>) target(%dma_start3A_218 : memref<128x32xf32, #tpu.memory_space<vmem_shared>>) target_semaphore(%run_scoped3A : memref<!tpu.dma_semaphore, #tpu.memory_space<semaphore_mem>>)
      %dma_wait3A_222 = arith.constant 0 : i32
      %dma_wait3A_223 = arith.constant 0 : i32
      %dma_wait3A_224 = tpu.memref_slice %arg12[%dma_wait3A_222, %dma_wait3A_223] : memref<128x32xf32, #tpu.memory_space<vmem>> -> memref<128x32xf32, #tpu.memory_space<vmem>>
      %dma_wait3A_225 = arith.constant 0 : i32
      %dma_wait3A_226 = tpu.memref_slice %arg14[%add3A_33, %dma_wait3A_225] : memref<10112x32xf32, #tpu.memory_space<vmem_shared>> -> memref<128x32xf32, #tpu.memory_space<vmem_shared>>
      %dma_wait3A_227 = arith.constant 0 : i32
      %dma_wait3A_228 = tpu.memref_slice %arg14[%add3A_33, %dma_wait3A_227] : memref<10112x32xf32, #tpu.memory_space<vmem_shared>> -> memref<128x32xf32, #tpu.memory_space<vmem_shared>>
      %dma_wait3A_229 = arith.constant 0 : i32
      %dma_wait3A_230 = arith.constant 0 : i32
      %dma_wait3A_231 = tpu.memref_slice %arg12[%dma_wait3A_229, %dma_wait3A_230] : memref<128x32xf32, #tpu.memory_space<vmem>> -> memref<128x32xf32, #tpu.memory_space<vmem>>
      tpu.wait_dma2 semaphore(%run_scoped3A : memref<!tpu.dma_semaphore, #tpu.memory_space<semaphore_mem>>) src(%dma_wait3A_231 : memref<128x32xf32, #tpu.memory_space<vmem>>) dst(%dma_wait3A_228 : memref<128x32xf32, #tpu.memory_space<vmem_shared>>)
      tpu.yield
    }) : () -> ()
    %add3A_34 = arith.constant 384 : i32
    %add3A_35 = arith.addi %mul3A_0, %add3A_34 : i32
    "tpu.region"() ({
      %run_scoped3A = tpu.sem_alloc : memref<!tpu.dma_semaphore, #tpu.memory_space<semaphore_mem>>
      %dma_start3A_212 = arith.constant 0 : i32
      %dma_start3A_213 = arith.constant 0 : i32
      %dma_start3A_214 = tpu.memref_slice %arg12[%dma_start3A_212, %dma_start3A_213] : memref<128x32xf32, #tpu.memory_space<vmem>> -> memref<128x32xf32, #tpu.memory_space<vmem>>
      %dma_start3A_215 = arith.constant 0 : i32
      %dma_start3A_216 = tpu.memref_slice %arg14[%add3A_35, %dma_start3A_215] : memref<10112x32xf32, #tpu.memory_space<vmem_shared>> -> memref<128x32xf32, #tpu.memory_space<vmem_shared>>
      %dma_start3A_217 = arith.constant 0 : i32
      %dma_start3A_218 = tpu.memref_slice %arg14[%add3A_35, %dma_start3A_217] : memref<10112x32xf32, #tpu.memory_space<vmem_shared>> -> memref<128x32xf32, #tpu.memory_space<vmem_shared>>
      %dma_start3A_219 = arith.constant 0 : i32
      %dma_start3A_220 = arith.constant 0 : i32
      %dma_start3A_221 = tpu.memref_slice %arg12[%dma_start3A_219, %dma_start3A_220] : memref<128x32xf32, #tpu.memory_space<vmem>> -> memref<128x32xf32, #tpu.memory_space<vmem>>
      tpu.enqueue_dma source(%dma_start3A_221 : memref<128x32xf32, #tpu.memory_space<vmem>>) target(%dma_start3A_218 : memref<128x32xf32, #tpu.memory_space<vmem_shared>>) target_semaphore(%run_scoped3A : memref<!tpu.dma_semaphore, #tpu.memory_space<semaphore_mem>>)
      %dma_wait3A_222 = arith.constant 0 : i32
      %dma_wait3A_223 = arith.constant 0 : i32
      %dma_wait3A_224 = tpu.memref_slice %arg12[%dma_wait3A_222, %dma_wait3A_223] : memref<128x32xf32, #tpu.memory_space<vmem>> -> memref<128x32xf32, #tpu.memory_space<vmem>>
      %dma_wait3A_225 = arith.constant 0 : i32
      %dma_wait3A_226 = tpu.memref_slice %arg14[%add3A_35, %dma_wait3A_225] : memref<10112x32xf32, #tpu.memory_space<vmem_shared>> -> memref<128x32xf32, #tpu.memory_space<vmem_shared>>
      %dma_wait3A_227 = arith.constant 0 : i32
      %dma_wait3A_228 = tpu.memref_slice %arg14[%add3A_35, %dma_wait3A_227] : memref<10112x32xf32, #tpu.memory_space<vmem_shared>> -> memref<128x32xf32, #tpu.memory_space<vmem_shared>>
      %dma_wait3A_229 = arith.constant 0 : i32
      %dma_wait3A_230 = arith.constant 0 : i32
      %dma_wait3A_231 = tpu.memref_slice %arg12[%dma_wait3A_229, %dma_wait3A_230] : memref<128x32xf32, #tpu.memory_space<vmem>> -> memref<128x32xf32, #tpu.memory_space<vmem>>
      tpu.wait_dma2 semaphore(%run_scoped3A : memref<!tpu.dma_semaphore, #tpu.memory_space<semaphore_mem>>) src(%dma_wait3A_231 : memref<128x32xf32, #tpu.memory_space<vmem>>) dst(%dma_wait3A_228 : memref<128x32xf32, #tpu.memory_space<vmem_shared>>)
      tpu.yield
    }) : () -> ()
    %add3A_36 = arith.constant 512 : i32
    %add3A_37 = arith.addi %mul3A_0, %add3A_36 : i32
    "tpu.region"() ({
      %run_scoped3A = tpu.sem_alloc : memref<!tpu.dma_semaphore, #tpu.memory_space<semaphore_mem>>
      %dma_start3A_212 = arith.constant 0 : i32
      %dma_start3A_213 = arith.constant 0 : i32
      %dma_start3A_214 = tpu.memref_slice %arg12[%dma_start3A_212, %dma_start3A_213] : memref<128x32xf32, #tpu.memory_space<vmem>> -> memref<120x32xf32, #tpu.memory_space<vmem>>
      %dma_start3A_215 = arith.constant 0 : i32
      %dma_start3A_216 = tpu.memref_slice %arg14[%add3A_37, %dma_start3A_215] : memref<10112x32xf32, #tpu.memory_space<vmem_shared>> -> memref<120x32xf32, #tpu.memory_space<vmem_shared>>
      %dma_start3A_217 = arith.constant 0 : i32
      %dma_start3A_218 = tpu.memref_slice %arg14[%add3A_37, %dma_start3A_217] : memref<10112x32xf32, #tpu.memory_space<vmem_shared>> -> memref<120x32xf32, #tpu.memory_space<vmem_shared>>
      %dma_start3A_219 = arith.constant 0 : i32
      %dma_start3A_220 = arith.constant 0 : i32
      %dma_start3A_221 = tpu.memref_slice %arg12[%dma_start3A_219, %dma_start3A_220] : memref<128x32xf32, #tpu.memory_space<vmem>> -> memref<120x32xf32, #tpu.memory_space<vmem>>
      tpu.enqueue_dma source(%dma_start3A_221 : memref<120x32xf32, #tpu.memory_space<vmem>>) target(%dma_start3A_218 : memref<120x32xf32, #tpu.memory_space<vmem_shared>>) target_semaphore(%run_scoped3A : memref<!tpu.dma_semaphore, #tpu.memory_space<semaphore_mem>>)
      %dma_wait3A_222 = arith.constant 0 : i32
      %dma_wait3A_223 = arith.constant 0 : i32
      %dma_wait3A_224 = tpu.memref_slice %arg12[%dma_wait3A_222, %dma_wait3A_223] : memref<128x32xf32, #tpu.memory_space<vmem>> -> memref<120x32xf32, #tpu.memory_space<vmem>>
      %dma_wait3A_225 = arith.constant 0 : i32
      %dma_wait3A_226 = tpu.memref_slice %arg14[%add3A_37, %dma_wait3A_225] : memref<10112x32xf32, #tpu.memory_space<vmem_shared>> -> memref<120x32xf32, #tpu.memory_space<vmem_shared>>
      %dma_wait3A_227 = arith.constant 0 : i32
      %dma_wait3A_228 = tpu.memref_slice %arg14[%add3A_37, %dma_wait3A_227] : memref<10112x32xf32, #tpu.memory_space<vmem_shared>> -> memref<120x32xf32, #tpu.memory_space<vmem_shared>>
      %dma_wait3A_229 = arith.constant 0 : i32
      %dma_wait3A_230 = arith.constant 0 : i32
      %dma_wait3A_231 = tpu.memref_slice %arg12[%dma_wait3A_229, %dma_wait3A_230] : memref<128x32xf32, #tpu.memory_space<vmem>> -> memref<120x32xf32, #tpu.memory_space<vmem>>
      tpu.wait_dma2 semaphore(%run_scoped3A : memref<!tpu.dma_semaphore, #tpu.memory_space<semaphore_mem>>) src(%dma_wait3A_231 : memref<120x32xf32, #tpu.memory_space<vmem>>) dst(%dma_wait3A_228 : memref<120x32xf32, #tpu.memory_space<vmem_shared>>)
      tpu.yield
    }) : () -> ()
    %dma_wait3A = arith.constant 0 : i32
    %dma_wait3A_38 = tpu.memref_slice %arg3[%mul3A_7, %dma_wait3A] : memref<2560x128xi32, #tpu.memory_space<hbm>> -> memref<160x128xi32, #tpu.memory_space<hbm>>
    %dma_wait3A_39 = arith.constant 0 : i32
    %dma_wait3A_40 = tpu.memref_slice %arg3[%mul3A_7, %dma_wait3A_39] : memref<2560x128xi32, #tpu.memory_space<hbm>> -> memref<160x128xi32, #tpu.memory_space<hbm>>
    tpu.wait_dma2 semaphore(%arg16 : memref<!tpu.dma_semaphore, #tpu.memory_space<semaphore_mem>>) src(%dma_wait3A_40 : memref<160x128xi32, #tpu.memory_space<hbm>>) dst(%arg6 : memref<160x128xi32, #tpu.memory_space<vmem>>)
    %broadcast_in_dim3A = arith.constant 16383 : i32
    %broadcast_in_dim3A_41 = vector.broadcast %broadcast_in_dim3A : i32 to vector<16xi32>
    %scan3A_42 = arith.constant 0 : i32
    %scan3A_43 = arith.constant 0 : i32
    %scan3A_44 = arith.constant 160 : i32
    %scan3A_45 = arith.addi %scan3A_43, %scan3A_44 : i32
    %scan3A_46 = arith.constant 1 : i32
    %scan3A_47 = scf.for %scan3A_212 = %scan3A_43 to %scan3A_45 step %scan3A_46 iter_args(%scan3A_213 = %scan3A_42) -> (i32)  : i32 {
      %get3A = arith.index_cast %scan3A_212 : i32 to index
      %get3A_214 = arith.constant 0 : index
      %get3A_215 = tpu.vector_load %arg6[%get3A, %get3A_214] {strides = array<i32>} : memref<160x128xi32, #tpu.memory_space<vmem>>, vector<16xi32>,
      %and3A = arith.andi %get3A_215, %broadcast_in_dim3A_41 : vector<16xi32>
      %swap3A = arith.index_cast %scan3A_212 : i32 to index
      %swap3A_216 = arith.constant 0 : index
      %swap3A_217 = tpu.vector_load %arg7[%swap3A, %swap3A_216] {strides = array<i32>} : memref<160x128xi32, #tpu.memory_space<vmem>>, vector<16xi32>,
      tpu.vector_store %arg7[%swap3A, %swap3A_216], %and3A {strides = array<i32>} : memref<160x128xi32, #tpu.memory_space<vmem>>, vector<16xi32>,
      %broadcast_in_dim3A_218 = arith.constant 14 : i32
      %broadcast_in_dim3A_219 = vector.broadcast %broadcast_in_dim3A_218 : i32 to vector<16xi32>
      %shift_right_logical3A = arith.shrui %get3A_215, %broadcast_in_dim3A_219 : vector<16xi32>
      %swap3A_220 = arith.index_cast %scan3A_212 : i32 to index
      %swap3A_221 = arith.constant 0 : index
      %swap3A_222 = tpu.vector_load %arg8[%swap3A_220, %swap3A_221] {strides = array<i32>} : memref<160x128xi32, #tpu.memory_space<vmem>>, vector<16xi32>,
      tpu.vector_store %arg8[%swap3A_220, %swap3A_221], %shift_right_logical3A {strides = array<i32>} : memref<160x128xi32, #tpu.memory_space<vmem>>, vector<16xi32>,
      %get3A_223 = arith.index_cast %scan3A_212 : i32 to index
      %get3A_224 = arith.constant 16 : index
      %get3A_225 = tpu.vector_load %arg6[%get3A_223, %get3A_224] {strides = array<i32>} : memref<160x128xi32, #tpu.memory_space<vmem>>, vector<16xi32>,
      %and3A_226 = arith.andi %get3A_225, %broadcast_in_dim3A_41 : vector<16xi32>
      %swap3A_227 = arith.index_cast %scan3A_212 : i32 to index
      %swap3A_228 = arith.constant 16 : index
      %swap3A_229 = tpu.vector_load %arg7[%swap3A_227, %swap3A_228] {strides = array<i32>} : memref<160x128xi32, #tpu.memory_space<vmem>>, vector<16xi32>,
      tpu.vector_store %arg7[%swap3A_227, %swap3A_228], %and3A_226 {strides = array<i32>} : memref<160x128xi32, #tpu.memory_space<vmem>>, vector<16xi32>,
      %broadcast_in_dim3A_230 = arith.constant 14 : i32
      %broadcast_in_dim3A_231 = vector.broadcast %broadcast_in_dim3A_230 : i32 to vector<16xi32>
      %shift_right_logical3A_232 = arith.shrui %get3A_225, %broadcast_in_dim3A_231 : vector<16xi32>
      %swap3A_233 = arith.index_cast %scan3A_212 : i32 to index
      %swap3A_234 = arith.constant 16 : index
      %swap3A_235 = tpu.vector_load %arg8[%swap3A_233, %swap3A_234] {strides = array<i32>} : memref<160x128xi32, #tpu.memory_space<vmem>>, vector<16xi32>,
      tpu.vector_store %arg8[%swap3A_233, %swap3A_234], %shift_right_logical3A_232 {strides = array<i32>} : memref<160x128xi32, #tpu.memory_space<vmem>>, vector<16xi32>,
      %get3A_236 = arith.index_cast %scan3A_212 : i32 to index
      %get3A_237 = arith.constant 32 : index
      %get3A_238 = tpu.vector_load %arg6[%get3A_236, %get3A_237] {strides = array<i32>} : memref<160x128xi32, #tpu.memory_space<vmem>>, vector<16xi32>,
      %and3A_239 = arith.andi %get3A_238, %broadcast_in_dim3A_41 : vector<16xi32>
      %swap3A_240 = arith.index_cast %scan3A_212 : i32 to index
      %swap3A_241 = arith.constant 32 : index
      %swap3A_242 = tpu.vector_load %arg7[%swap3A_240, %swap3A_241] {strides = array<i32>} : memref<160x128xi32, #tpu.memory_space<vmem>>, vector<16xi32>,
      tpu.vector_store %arg7[%swap3A_240, %swap3A_241], %and3A_239 {strides = array<i32>} : memref<160x128xi32, #tpu.memory_space<vmem>>, vector<16xi32>,
      %broadcast_in_dim3A_243 = arith.constant 14 : i32
      %broadcast_in_dim3A_244 = vector.broadcast %broadcast_in_dim3A_243 : i32 to vector<16xi32>
      %shift_right_logical3A_245 = arith.shrui %get3A_238, %broadcast_in_dim3A_244 : vector<16xi32>
      %swap3A_246 = arith.index_cast %scan3A_212 : i32 to index
      %swap3A_247 = arith.constant 32 : index
      %swap3A_248 = tpu.vector_load %arg8[%swap3A_246, %swap3A_247] {strides = array<i32>} : memref<160x128xi32, #tpu.memory_space<vmem>>, vector<16xi32>,
      tpu.vector_store %arg8[%swap3A_246, %swap3A_247], %shift_right_logical3A_245 {strides = array<i32>} : memref<160x128xi32, #tpu.memory_space<vmem>>, vector<16xi32>,
      %get3A_249 = arith.index_cast %scan3A_212 : i32 to index
      %get3A_250 = arith.constant 48 : index
      %get3A_251 = tpu.vector_load %arg6[%get3A_249, %get3A_250] {strides = array<i32>} : memref<160x128xi32, #tpu.memory_space<vmem>>, vector<16xi32>,
      %and3A_252 = arith.andi %get3A_251, %broadcast_in_dim3A_41 : vector<16xi32>
      %swap3A_253 = arith.index_cast %scan3A_212 : i32 to index
      %swap3A_254 = arith.constant 48 : index
      %swap3A_255 = tpu.vector_load %arg7[%swap3A_253, %swap3A_254] {strides = array<i32>} : memref<160x128xi32, #tpu.memory_space<vmem>>, vector<16xi32>,
      tpu.vector_store %arg7[%swap3A_253, %swap3A_254], %and3A_252 {strides = array<i32>} : memref<160x128xi32, #tpu.memory_space<vmem>>, vector<16xi32>,
      %broadcast_in_dim3A_256 = arith.constant 14 : i32
      %broadcast_in_dim3A_257 = vector.broadcast %broadcast_in_dim3A_256 : i32 to vector<16xi32>
      %shift_right_logical3A_258 = arith.shrui %get3A_251, %broadcast_in_dim3A_257 : vector<16xi32>
      %swap3A_259 = arith.index_cast %scan3A_212 : i32 to index
      %swap3A_260 = arith.constant 48 : index
      %swap3A_261 = tpu.vector_load %arg8[%swap3A_259, %swap3A_260] {strides = array<i32>} : memref<160x128xi32, #tpu.memory_space<vmem>>, vector<16xi32>,
      tpu.vector_store %arg8[%swap3A_259, %swap3A_260], %shift_right_logical3A_258 {strides = array<i32>} : memref<160x128xi32, #tpu.memory_space<vmem>>, vector<16xi32>,
      %get3A_262 = arith.index_cast %scan3A_212 : i32 to index
      %get3A_263 = arith.constant 64 : index
      %get3A_264 = tpu.vector_load %arg6[%get3A_262, %get3A_263] {strides = array<i32>} : memref<160x128xi32, #tpu.memory_space<vmem>>, vector<16xi32>,
      %and3A_265 = arith.andi %get3A_264, %broadcast_in_dim3A_41 : vector<16xi32>
      %swap3A_266 = arith.index_cast %scan3A_212 : i32 to index
      %swap3A_267 = arith.constant 64 : index
      %swap3A_268 = tpu.vector_load %arg7[%swap3A_266, %swap3A_267] {strides = array<i32>} : memref<160x128xi32, #tpu.memory_space<vmem>>, vector<16xi32>,
      tpu.vector_store %arg7[%swap3A_266, %swap3A_267], %and3A_265 {strides = array<i32>} : memref<160x128xi32, #tpu.memory_space<vmem>>, vector<16xi32>,
      %broadcast_in_dim3A_269 = arith.constant 14 : i32
      %broadcast_in_dim3A_270 = vector.broadcast %broadcast_in_dim3A_269 : i32 to vector<16xi32>
      %shift_right_logical3A_271 = arith.shrui %get3A_264, %broadcast_in_dim3A_270 : vector<16xi32>
      %swap3A_272 = arith.index_cast %scan3A_212 : i32 to index
      %swap3A_273 = arith.constant 64 : index
      %swap3A_274 = tpu.vector_load %arg8[%swap3A_272, %swap3A_273] {strides = array<i32>} : memref<160x128xi32, #tpu.memory_space<vmem>>, vector<16xi32>,
      tpu.vector_store %arg8[%swap3A_272, %swap3A_273], %shift_right_logical3A_271 {strides = array<i32>} : memref<160x128xi32, #tpu.memory_space<vmem>>, vector<16xi32>,
      %get3A_275 = arith.index_cast %scan3A_212 : i32 to index
      %get3A_276 = arith.constant 80 : index
      %get3A_277 = tpu.vector_load %arg6[%get3A_275, %get3A_276] {strides = array<i32>} : memref<160x128xi32, #tpu.memory_space<vmem>>, vector<16xi32>,
      %and3A_278 = arith.andi %get3A_277, %broadcast_in_dim3A_41 : vector<16xi32>
      %swap3A_279 = arith.index_cast %scan3A_212 : i32 to index
      %swap3A_280 = arith.constant 80 : index
      %swap3A_281 = tpu.vector_load %arg7[%swap3A_279, %swap3A_280] {strides = array<i32>} : memref<160x128xi32, #tpu.memory_space<vmem>>, vector<16xi32>,
      tpu.vector_store %arg7[%swap3A_279, %swap3A_280], %and3A_278 {strides = array<i32>} : memref<160x128xi32, #tpu.memory_space<vmem>>, vector<16xi32>,
      %broadcast_in_dim3A_282 = arith.constant 14 : i32
      %broadcast_in_dim3A_283 = vector.broadcast %broadcast_in_dim3A_282 : i32 to vector<16xi32>
      %shift_right_logical3A_284 = arith.shrui %get3A_277, %broadcast_in_dim3A_283 : vector<16xi32>
      %swap3A_285 = arith.index_cast %scan3A_212 : i32 to index
      %swap3A_286 = arith.constant 80 : index
      %swap3A_287 = tpu.vector_load %arg8[%swap3A_285, %swap3A_286] {strides = array<i32>} : memref<160x128xi32, #tpu.memory_space<vmem>>, vector<16xi32>,
      tpu.vector_store %arg8[%swap3A_285, %swap3A_286], %shift_right_logical3A_284 {strides = array<i32>} : memref<160x128xi32, #tpu.memory_space<vmem>>, vector<16xi32>,
      %get3A_288 = arith.index_cast %scan3A_212 : i32 to index
      %get3A_289 = arith.constant 96 : index
      %get3A_290 = tpu.vector_load %arg6[%get3A_288, %get3A_289] {strides = array<i32>} : memref<160x128xi32, #tpu.memory_space<vmem>>, vector<16xi32>,
      %and3A_291 = arith.andi %get3A_290, %broadcast_in_dim3A_41 : vector<16xi32>
      %swap3A_292 = arith.index_cast %scan3A_212 : i32 to index
      %swap3A_293 = arith.constant 96 : index
      %swap3A_294 = tpu.vector_load %arg7[%swap3A_292, %swap3A_293] {strides = array<i32>} : memref<160x128xi32, #tpu.memory_space<vmem>>, vector<16xi32>,
      tpu.vector_store %arg7[%swap3A_292, %swap3A_293], %and3A_291 {strides = array<i32>} : memref<160x128xi32, #tpu.memory_space<vmem>>, vector<16xi32>,
      %broadcast_in_dim3A_295 = arith.constant 14 : i32
      %broadcast_in_dim3A_296 = vector.broadcast %broadcast_in_dim3A_295 : i32 to vector<16xi32>
      %shift_right_logical3A_297 = arith.shrui %get3A_290, %broadcast_in_dim3A_296 : vector<16xi32>
      %swap3A_298 = arith.index_cast %scan3A_212 : i32 to index
      %swap3A_299 = arith.constant 96 : index
      %swap3A_300 = tpu.vector_load %arg8[%swap3A_298, %swap3A_299] {strides = array<i32>} : memref<160x128xi32, #tpu.memory_space<vmem>>, vector<16xi32>,
      tpu.vector_store %arg8[%swap3A_298, %swap3A_299], %shift_right_logical3A_297 {strides = array<i32>} : memref<160x128xi32, #tpu.memory_space<vmem>>, vector<16xi32>,
      %get3A_301 = arith.index_cast %scan3A_212 : i32 to index
      %get3A_302 = arith.constant 112 : index
      %get3A_303 = tpu.vector_load %arg6[%get3A_301, %get3A_302] {strides = array<i32>} : memref<160x128xi32, #tpu.memory_space<vmem>>, vector<16xi32>,
      %and3A_304 = arith.andi %get3A_303, %broadcast_in_dim3A_41 : vector<16xi32>
      %swap3A_305 = arith.index_cast %scan3A_212 : i32 to index
      %swap3A_306 = arith.constant 112 : index
      %swap3A_307 = tpu.vector_load %arg7[%swap3A_305, %swap3A_306] {strides = array<i32>} : memref<160x128xi32, #tpu.memory_space<vmem>>, vector<16xi32>,
      tpu.vector_store %arg7[%swap3A_305, %swap3A_306], %and3A_304 {strides = array<i32>} : memref<160x128xi32, #tpu.memory_space<vmem>>, vector<16xi32>,
      %broadcast_in_dim3A_308 = arith.constant 14 : i32
      %broadcast_in_dim3A_309 = vector.broadcast %broadcast_in_dim3A_308 : i32 to vector<16xi32>
      %shift_right_logical3A_310 = arith.shrui %get3A_303, %broadcast_in_dim3A_309 : vector<16xi32>
      %swap3A_311 = arith.index_cast %scan3A_212 : i32 to index
      %swap3A_312 = arith.constant 112 : index
      %swap3A_313 = tpu.vector_load %arg8[%swap3A_311, %swap3A_312] {strides = array<i32>} : memref<160x128xi32, #tpu.memory_space<vmem>>, vector<16xi32>,
      tpu.vector_store %arg8[%swap3A_311, %swap3A_312], %shift_right_logical3A_310 {strides = array<i32>} : memref<160x128xi32, #tpu.memory_space<vmem>>, vector<16xi32>,
      %scan3A_314 = arith.constant 0 : i32
      scf.yield %scan3A_314 : i32
    }
    %scan3A_48 = arith.constant 160 : i32
    %dma_wait3A_49 = arith.constant 0 : i32
    %dma_wait3A_50 = tpu.memref_slice %arg4[%mul3A_12, %dma_wait3A_49] : memref<2560x128xbf16, #tpu.memory_space<hbm>> -> memref<160x128xbf16, #tpu.memory_space<hbm>>
    %dma_wait3A_51 = arith.constant 0 : i32
    %dma_wait3A_52 = tpu.memref_slice %arg4[%mul3A_12, %dma_wait3A_51] : memref<2560x128xbf16, #tpu.memory_space<hbm>> -> memref<160x128xbf16, #tpu.memory_space<hbm>>
    tpu.wait_dma2 semaphore(%arg20 : memref<!tpu.dma_semaphore, #tpu.memory_space<semaphore_mem>>) src(%dma_wait3A_52 : memref<160x128xbf16, #tpu.memory_space<hbm>>) dst(%arg9 : memref<160x128xbf16, #tpu.memory_space<vmem>>)
    %dma_wait3A_53 = arith.constant 0 : i32
    %dma_wait3A_54 = tpu.memref_slice %arg15[%mul3A_0, %dma_wait3A_53] : memref<10112x16xi32, #tpu.memory_space<vmem_shared>> -> memref<632x16xi32, #tpu.memory_space<vmem_shared>>
    %dma_wait3A_55 = tpu.memref_slice %arg2[%mul3A_0, %mul3A_18] : memref<10240x32xi32, #tpu.memory_space<hbm>> -> memref<632x16xi32, #tpu.memory_space<hbm>>
    tpu.wait_dma2 semaphore(%arg21 : memref<!tpu.dma_semaphore, #tpu.memory_space<semaphore_mem>>) src(%dma_wait3A_55 : memref<632x16xi32, #tpu.memory_space<hbm>>) dst(%dma_wait3A_54 : memref<632x16xi32, #tpu.memory_space<vmem_shared>>)
    %barrier3A = arith.constant 0 : index
    tpu.barrier barrier_id(%barrier3A)
    %dma_start3A_56 = arith.constant 0 : i32
    %dma_start3A_57 = arith.constant 0 : i32
    %dma_start3A_58 = arith.constant 0 : i32
    %dma_start3A_59 = arith.constant 0 : i32
    %dma_start3A_60 = tpu.memref_slice %arg10[%dma_start3A_57, %dma_start3A_58, %dma_start3A_59] : memref<4x128x16xi32, #tpu.memory_space<vmem>> -> memref<1x128x16xi32, #tpu.memory_space<vmem>>
    %dma_start3A_61 = tpu.memref_squeeze %dma_start3A_60 : memref<1x128x16xi32, #tpu.memory_space<vmem>> -> memref<128x16xi32, #tpu.memory_space<vmem>>
    %dma_start3A_62 = arith.constant 0 : i32
    %dma_start3A_63 = tpu.memref_slice %arg7[%dma_start3A_56, %dma_start3A_62] : memref<160x128xi32, #tpu.memory_space<vmem>> -> memref<1x128xi32, #tpu.memory_space<vmem>>
    %dma_start3A_64 = tpu.memref_squeeze %dma_start3A_63 : memref<1x128xi32, #tpu.memory_space<vmem>> -> memref<128xi32, #tpu.memory_space<vmem>>
    %dma_start3A_65 = arith.constant 0 : i32
    %dma_start3A_66 = arith.constant 0 : i32
    %dma_start3A_67 = tpu.memref_slice %arg15[%dma_start3A_65, %dma_start3A_66] : memref<10112x16xi32, #tpu.memory_space<vmem_shared>> -> memref<10112x16xi32, #tpu.memory_space<vmem_shared>>
    tpu.enqueue_indirect_dma source(%dma_start3A_67 : memref<10112x16xi32, #tpu.memory_space<vmem_shared>>) target(%dma_start3A_61 : memref<128x16xi32, #tpu.memory_space<vmem>>) offsets(%dma_start3A_64 : memref<128xi32, #tpu.memory_space<vmem>>) semaphore(%arg16 : memref<!tpu.dma_semaphore, #tpu.memory_space<semaphore_mem>>)
    %dma_start3A_68 = arith.constant 1 : i32
    %dma_start3A_69 = arith.constant 1 : i32
    %dma_start3A_70 = arith.constant 0 : i32
    %dma_start3A_71 = arith.constant 0 : i32
    %dma_start3A_72 = tpu.memref_slice %arg10[%dma_start3A_69, %dma_start3A_70, %dma_start3A_71] : memref<4x128x16xi32, #tpu.memory_space<vmem>> -> memref<1x128x16xi32, #tpu.memory_space<vmem>>
    %dma_start3A_73 = tpu.memref_squeeze %dma_start3A_72 : memref<1x128x16xi32, #tpu.memory_space<vmem>> -> memref<128x16xi32, #tpu.memory_space<vmem>>
    %dma_start3A_74 = arith.constant 0 : i32
    %dma_start3A_75 = tpu.memref_slice %arg7[%dma_start3A_68, %dma_start3A_74] : memref<160x128xi32, #tpu.memory_space<vmem>> -> memref<1x128xi32, #tpu.memory_space<vmem>>
    %dma_start3A_76 = tpu.memref_squeeze %dma_start3A_75 : memref<1x128xi32, #tpu.memory_space<vmem>> -> memref<128xi32, #tpu.memory_space<vmem>>
    %dma_start3A_77 = arith.constant 0 : i32
    %dma_start3A_78 = arith.constant 0 : i32
    %dma_start3A_79 = tpu.memref_slice %arg15[%dma_start3A_77, %dma_start3A_78] : memref<10112x16xi32, #tpu.memory_space<vmem_shared>> -> memref<10112x16xi32, #tpu.memory_space<vmem_shared>>
    tpu.enqueue_indirect_dma source(%dma_start3A_79 : memref<10112x16xi32, #tpu.memory_space<vmem_shared>>) target(%dma_start3A_73 : memref<128x16xi32, #tpu.memory_space<vmem>>) offsets(%dma_start3A_76 : memref<128xi32, #tpu.memory_space<vmem>>) semaphore(%arg17 : memref<!tpu.dma_semaphore, #tpu.memory_space<semaphore_mem>>)
    %dma_start3A_80 = arith.constant 2 : i32
    %dma_start3A_81 = arith.constant 2 : i32
    %dma_start3A_82 = arith.constant 0 : i32
    %dma_start3A_83 = arith.constant 0 : i32
    %dma_start3A_84 = tpu.memref_slice %arg10[%dma_start3A_81, %dma_start3A_82, %dma_start3A_83] : memref<4x128x16xi32, #tpu.memory_space<vmem>> -> memref<1x128x16xi32, #tpu.memory_space<vmem>>
    %dma_start3A_85 = tpu.memref_squeeze %dma_start3A_84 : memref<1x128x16xi32, #tpu.memory_space<vmem>> -> memref<128x16xi32, #tpu.memory_space<vmem>>
    %dma_start3A_86 = arith.constant 0 : i32
    %dma_start3A_87 = tpu.memref_slice %arg7[%dma_start3A_80, %dma_start3A_86] : memref<160x128xi32, #tpu.memory_space<vmem>> -> memref<1x128xi32, #tpu.memory_space<vmem>>
    %dma_start3A_88 = tpu.memref_squeeze %dma_start3A_87 : memref<1x128xi32, #tpu.memory_space<vmem>> -> memref<128xi32, #tpu.memory_space<vmem>>
    %dma_start3A_89 = arith.constant 0 : i32
    %dma_start3A_90 = arith.constant 0 : i32
    %dma_start3A_91 = tpu.memref_slice %arg15[%dma_start3A_89, %dma_start3A_90] : memref<10112x16xi32, #tpu.memory_space<vmem_shared>> -> memref<10112x16xi32, #tpu.memory_space<vmem_shared>>
    tpu.enqueue_indirect_dma source(%dma_start3A_91 : memref<10112x16xi32, #tpu.memory_space<vmem_shared>>) target(%dma_start3A_85 : memref<128x16xi32, #tpu.memory_space<vmem>>) offsets(%dma_start3A_88 : memref<128xi32, #tpu.memory_space<vmem>>) semaphore(%arg18 : memref<!tpu.dma_semaphore, #tpu.memory_space<semaphore_mem>>)
    %scan3A_92 = arith.constant 0 : i32
    %scan3A_93 = arith.constant 3 : i32
    %scan3A_94 = arith.constant 0 : i32
    %scan3A_95 = arith.constant 1 : i32
    %scan3A_96 = arith.constant 1 : i32
    %scan3A_97 = arith.constant 2 : i32
    %scan3A_98 = arith.constant 2 : i32
    %scan3A_99 = arith.constant 3 : i32
    %scan3A_100 = arith.constant 0 : i32
    %scan3A_101 = arith.constant 0 : i32
    %scan3A_102 = arith.constant 40 : i32
    %scan3A_103 = arith.addi %scan3A_101, %scan3A_102 : i32
    %scan3A_104 = arith.constant 1 : i32
    %scan3A_105 = scf.for %scan3A_212 = %scan3A_101 to %scan3A_103 step %scan3A_104 iter_args(%scan3A_213 = %scan3A_100) -> (i32)  : i32 {
      %mul3A_214 = arith.constant 4 : i32
      %mul3A_215 = arith.muli %mul3A_214, %scan3A_212 : i32
      %add3A_216 = arith.constant 0 : i32
      %add3A_217 = arith.addi %mul3A_215, %add3A_216 : i32
      %dma_wait3A_218 = arith.constant 0 : i32
      %dma_wait3A_219 = arith.constant 0 : i32
      %dma_wait3A_220 = tpu.memref_slice %arg10[%scan3A_92, %dma_wait3A_218, %dma_wait3A_219] : memref<4x128x16xi32, #tpu.memory_space<vmem>> -> memref<1x128x16xi32, #tpu.memory_space<vmem>>
      %dma_wait3A_221 = tpu.memref_squeeze %dma_wait3A_220 : memref<1x128x16xi32, #tpu.memory_space<vmem>> -> memref<128x16xi32, #tpu.memory_space<vmem>>
      %dma_wait3A_222 = arith.constant 0 : i32
      %dma_wait3A_223 = tpu.memref_slice %arg7[%add3A_217, %dma_wait3A_222] : memref<160x128xi32, #tpu.memory_space<vmem>> -> memref<1x128xi32, #tpu.memory_space<vmem>>
      %dma_wait3A_224 = tpu.memref_squeeze %dma_wait3A_223 : memref<1x128xi32, #tpu.memory_space<vmem>> -> memref<128xi32, #tpu.memory_space<vmem>>
      %dma_wait3A_225 = arith.constant 0 : i32
      %dma_wait3A_226 = arith.constant 0 : i32
      %dma_wait3A_227 = tpu.memref_slice %arg15[%dma_wait3A_225, %dma_wait3A_226] : memref<10112x16xi32, #tpu.memory_space<vmem_shared>> -> memref<10112x16xi32, #tpu.memory_space<vmem_shared>>
      tpu.wait_indirect_dma semaphore(%arg16 : memref<!tpu.dma_semaphore, #tpu.memory_space<semaphore_mem>>) src(%dma_wait3A_227 : memref<10112x16xi32, #tpu.memory_space<vmem_shared>>) dst(%dma_wait3A_221 : memref<128x16xi32, #tpu.memory_space<vmem>>)
      %add3A_228 = arith.constant 4 : i32
      %add3A_229 = arith.addi %add3A_217, %add3A_228 : i32
      %sub3A = arith.constant 1 : i32
      %sub3A_230 = arith.subi %add3A_229, %sub3A : i32
      %min3A = arith.constant 159 : i32
      %min3A_231 = arith.minsi %sub3A_230, %min3A : i32
      %dma_start3A_232 = arith.constant 0 : i32
      %dma_start3A_233 = arith.constant 0 : i32
      %dma_start3A_234 = tpu.memref_slice %arg10[%scan3A_93, %dma_start3A_232, %dma_start3A_233] : memref<4x128x16xi32, #tpu.memory_space<vmem>> -> memref<1x128x16xi32, #tpu.memory_space<vmem>>
      %dma_start3A_235 = tpu.memref_squeeze %dma_start3A_234 : memref<1x128x16xi32, #tpu.memory_space<vmem>> -> memref<128x16xi32, #tpu.memory_space<vmem>>
      %dma_start3A_236 = arith.constant 0 : i32
      %dma_start3A_237 = tpu.memref_slice %arg7[%min3A_231, %dma_start3A_236] : memref<160x128xi32, #tpu.memory_space<vmem>> -> memref<1x128xi32, #tpu.memory_space<vmem>>
      %dma_start3A_238 = tpu.memref_squeeze %dma_start3A_237 : memref<1x128xi32, #tpu.memory_space<vmem>> -> memref<128xi32, #tpu.memory_space<vmem>>
      %dma_start3A_239 = arith.constant 0 : i32
      %dma_start3A_240 = arith.constant 0 : i32
      %dma_start3A_241 = tpu.memref_slice %arg15[%dma_start3A_239, %dma_start3A_240] : memref<10112x16xi32, #tpu.memory_space<vmem_shared>> -> memref<10112x16xi32, #tpu.memory_space<vmem_shared>>
      tpu.enqueue_indirect_dma source(%dma_start3A_241 : memref<10112x16xi32, #tpu.memory_space<vmem_shared>>) target(%dma_start3A_235 : memref<128x16xi32, #tpu.memory_space<vmem>>) offsets(%dma_start3A_238 : memref<128xi32, #tpu.memory_space<vmem>>) semaphore(%arg19 : memref<!tpu.dma_semaphore, #tpu.memory_space<semaphore_mem>>)
      %gt3A = arith.constant 0 : i32
      %gt3A_242 = arith.cmpi sgt, %scan3A_212, %gt3A : i32
      %convert_element_type3A = arith.extui %gt3A_242 : i1 to i32
      %cond3A = arith.constant 0 : i32
      %cond3A_243 = arith.cmpi ne, %convert_element_type3A, %cond3A : i32
      scf.if %cond3A_243 {
        %dma_wait3A_592 = arith.constant 0 : i32
        %dma_wait3A_593 = arith.constant 0 : i32
        %dma_wait3A_594 = tpu.memref_slice %arg11[%scan3A_94, %dma_wait3A_592, %dma_wait3A_593] : memref<4x128x32xf32, #tpu.memory_space<vmem>> -> memref<1x128x32xf32, #tpu.memory_space<vmem>>
        %dma_wait3A_595 = tpu.memref_squeeze %dma_wait3A_594 : memref<1x128x32xf32, #tpu.memory_space<vmem>> -> memref<128x32xf32, #tpu.memory_space<vmem>>
        %dma_wait3A_596 = arith.constant 0 : i32
        %dma_wait3A_597 = tpu.memref_slice %arg8[%add3A_217, %dma_wait3A_596] : memref<160x128xi32, #tpu.memory_space<vmem>> -> memref<1x128xi32, #tpu.memory_space<vmem>>
        %dma_wait3A_598 = tpu.memref_squeeze %dma_wait3A_597 : memref<1x128xi32, #tpu.memory_space<vmem>> -> memref<128xi32, #tpu.memory_space<vmem>>
        %dma_wait3A_599 = arith.constant 0 : i32
        %dma_wait3A_600 = arith.constant 0 : i32
        %dma_wait3A_601 = tpu.memref_slice %arg14[%dma_wait3A_599, %dma_wait3A_600] : memref<10112x32xf32, #tpu.memory_space<vmem_shared>> -> memref<10112x32xf32, #tpu.memory_space<vmem_shared>>
        tpu.wait_indirect_dma semaphore(%arg20 : memref<!tpu.dma_semaphore, #tpu.memory_space<semaphore_mem>>) src(%dma_wait3A_595 : memref<128x32xf32, #tpu.memory_space<vmem>>) dst(%dma_wait3A_601 : memref<10112x32xf32, #tpu.memory_space<vmem_shared>>)
      } else {
      }
      %get3A = arith.index_cast %add3A_217 : i32 to index
      %get3A_244 = arith.constant 0 : index
      %get3A_245 = tpu.vector_load %arg9[%get3A, %get3A_244] {strides = array<i32>} : memref<160x128xbf16, #tpu.memory_space<vmem>>, vector<32xbf16>,
      %unpack3A = tpu.unpack_subelements %get3A_245, 0 {pack_format = #tpu.pack_format<interleaved>} : vector<32xbf16> -> vector<16xf32>
      %unpack3A_246 = tpu.unpack_subelements %get3A_245, 1 {pack_format = #tpu.pack_format<interleaved>} : vector<32xbf16> -> vector<16xf32>
      %add3A_247 = arith.constant 0 : i32
      %add3A_248 = vector.broadcast %add3A_247 : i32 to vector<16xi32>
      %add3A_249 = arith.addi %mul3A_3, %add3A_248 : vector<16xi32>
      tpu.vector_store_idx %arg13[%add3A_249], %unpack3A : memref<128xf32, #tpu.memory_space<vmem>>[vector<16xi32>], vector<16xf32>,
      %add3A_250 = arith.constant 0 : i32
      %add3A_251 = vector.broadcast %add3A_250 : i32 to vector<16xi32>
      %add3A_252 = arith.addi %add3A_5, %add3A_251 : vector<16xi32>
      tpu.vector_store_idx %arg13[%add3A_252], %unpack3A_246 : memref<128xf32, #tpu.memory_space<vmem>>[vector<16xi32>], vector<16xf32>,
      %get3A_253 = arith.index_cast %add3A_217 : i32 to index
      %get3A_254 = arith.constant 32 : index
      %get3A_255 = tpu.vector_load %arg9[%get3A_253, %get3A_254] {strides = array<i32>} : memref<160x128xbf16, #tpu.memory_space<vmem>>, vector<32xbf16>,
      %unpack3A_256 = tpu.unpack_subelements %get3A_255, 0 {pack_format = #tpu.pack_format<interleaved>} : vector<32xbf16> -> vector<16xf32>
      %unpack3A_257 = tpu.unpack_subelements %get3A_255, 1 {pack_format = #tpu.pack_format<interleaved>} : vector<32xbf16> -> vector<16xf32>
      %add3A_258 = arith.constant 32 : i32
      %add3A_259 = vector.broadcast %add3A_258 : i32 to vector<16xi32>
      %add3A_260 = arith.addi %mul3A_3, %add3A_259 : vector<16xi32>
      tpu.vector_store_idx %arg13[%add3A_260], %unpack3A_256 : memref<128xf32, #tpu.memory_space<vmem>>[vector<16xi32>], vector<16xf32>,
      %add3A_261 = arith.constant 32 : i32
      %add3A_262 = vector.broadcast %add3A_261 : i32 to vector<16xi32>
      %add3A_263 = arith.addi %add3A_5, %add3A_262 : vector<16xi32>
      tpu.vector_store_idx %arg13[%add3A_263], %unpack3A_257 : memref<128xf32, #tpu.memory_space<vmem>>[vector<16xi32>], vector<16xf32>,
      %get3A_264 = arith.index_cast %add3A_217 : i32 to index
      %get3A_265 = arith.constant 64 : index
      %get3A_266 = tpu.vector_load %arg9[%get3A_264, %get3A_265] {strides = array<i32>} : memref<160x128xbf16, #tpu.memory_space<vmem>>, vector<32xbf16>,
      %unpack3A_267 = tpu.unpack_subelements %get3A_266, 0 {pack_format = #tpu.pack_format<interleaved>} : vector<32xbf16> -> vector<16xf32>
      %unpack3A_268 = tpu.unpack_subelements %get3A_266, 1 {pack_format = #tpu.pack_format<interleaved>} : vector<32xbf16> -> vector<16xf32>
      %add3A_269 = arith.constant 64 : i32
      %add3A_270 = vector.broadcast %add3A_269 : i32 to vector<16xi32>
      %add3A_271 = arith.addi %mul3A_3, %add3A_270 : vector<16xi32>
      tpu.vector_store_idx %arg13[%add3A_271], %unpack3A_267 : memref<128xf32, #tpu.memory_space<vmem>>[vector<16xi32>], vector<16xf32>,
      %add3A_272 = arith.constant 64 : i32
      %add3A_273 = vector.broadcast %add3A_272 : i32 to vector<16xi32>
      %add3A_274 = arith.addi %add3A_5, %add3A_273 : vector<16xi32>
      tpu.vector_store_idx %arg13[%add3A_274], %unpack3A_268 : memref<128xf32, #tpu.memory_space<vmem>>[vector<16xi32>], vector<16xf32>,
      %get3A_275 = arith.index_cast %add3A_217 : i32 to index
      %get3A_276 = arith.constant 96 : index
      %get3A_277 = tpu.vector_load %arg9[%get3A_275, %get3A_276] {strides = array<i32>} : memref<160x128xbf16, #tpu.memory_space<vmem>>, vector<32xbf16>,
      %unpack3A_278 = tpu.unpack_subelements %get3A_277, 0 {pack_format = #tpu.pack_format<interleaved>} : vector<32xbf16> -> vector<16xf32>
      %unpack3A_279 = tpu.unpack_subelements %get3A_277, 1 {pack_format = #tpu.pack_format<interleaved>} : vector<32xbf16> -> vector<16xf32>
      %add3A_280 = arith.constant 96 : i32
      %add3A_281 = vector.broadcast %add3A_280 : i32 to vector<16xi32>
      %add3A_282 = arith.addi %mul3A_3, %add3A_281 : vector<16xi32>
      tpu.vector_store_idx %arg13[%add3A_282], %unpack3A_278 : memref<128xf32, #tpu.memory_space<vmem>>[vector<16xi32>], vector<16xf32>,
      %add3A_283 = arith.constant 96 : i32
      %add3A_284 = vector.broadcast %add3A_283 : i32 to vector<16xi32>
      %add3A_285 = arith.addi %add3A_5, %add3A_284 : vector<16xi32>
      tpu.vector_store_idx %arg13[%add3A_285], %unpack3A_279 : memref<128xf32, #tpu.memory_space<vmem>>[vector<16xi32>], vector<16xf32>,
      %scan3A_286 = arith.constant 0 : i32
      %scan3A_287 = arith.constant 0 : i32
      %scan3A_288 = arith.constant 16 : i32
      %scan3A_289 = arith.addi %scan3A_287, %scan3A_288 : i32
      %scan3A_290 = arith.constant 1 : i32
      %scan3A_291 = scf.for %scan3A_592 = %scan3A_287 to %scan3A_289 step %scan3A_290 iter_args(%scan3A_593 = %scan3A_286) -> (i32)  : i32 {
        %mul3A_594 = arith.constant 8 : i32
        %mul3A_595 = arith.muli %scan3A_592, %mul3A_594 : i32
        %add3A_596 = arith.constant 0 : i32
        %add3A_597 = arith.addi %mul3A_595, %add3A_596 : i32
        %mul3A_598 = arith.constant 8 : i32
        %mul3A_599 = arith.muli %scan3A_592, %mul3A_598 : i32
        %add3A_600 = arith.constant 1 : i32
        %add3A_601 = arith.addi %mul3A_599, %add3A_600 : i32
        %mul3A_602 = arith.constant 8 : i32
        %mul3A_603 = arith.muli %scan3A_592, %mul3A_602 : i32
        %add3A_604 = arith.constant 2 : i32
        %add3A_605 = arith.addi %mul3A_603, %add3A_604 : i32
        %mul3A_606 = arith.constant 8 : i32
        %mul3A_607 = arith.muli %scan3A_592, %mul3A_606 : i32
        %add3A_608 = arith.constant 3 : i32
        %add3A_609 = arith.addi %mul3A_607, %add3A_608 : i32
        %mul3A_610 = arith.constant 8 : i32
        %mul3A_611 = arith.muli %scan3A_592, %mul3A_610 : i32
        %add3A_612 = arith.constant 4 : i32
        %add3A_613 = arith.addi %mul3A_611, %add3A_612 : i32
        %mul3A_614 = arith.constant 8 : i32
        %mul3A_615 = arith.muli %scan3A_592, %mul3A_614 : i32
        %add3A_616 = arith.constant 5 : i32
        %add3A_617 = arith.addi %mul3A_615, %add3A_616 : i32
        %mul3A_618 = arith.constant 8 : i32
        %mul3A_619 = arith.muli %scan3A_592, %mul3A_618 : i32
        %add3A_620 = arith.constant 6 : i32
        %add3A_621 = arith.addi %mul3A_619, %add3A_620 : i32
        %mul3A_622 = arith.constant 8 : i32
        %mul3A_623 = arith.muli %scan3A_592, %mul3A_622 : i32
        %add3A_624 = arith.constant 7 : i32
        %add3A_625 = arith.addi %mul3A_623, %add3A_624 : i32
        %broadcast_in_dim3A_626 = vector.broadcast %add3A_597 : i32 to vector<16xi32>
        %gather3A = tpu.vector_load_idx %arg13[%broadcast_in_dim3A_626] : memref<128xf32, #tpu.memory_space<vmem>>[vector<16xi32>], vector<16xf32>,
        %broadcast_in_dim3A_627 = vector.broadcast %add3A_601 : i32 to vector<16xi32>
        %gather3A_628 = tpu.vector_load_idx %arg13[%broadcast_in_dim3A_627] : memref<128xf32, #tpu.memory_space<vmem>>[vector<16xi32>], vector<16xf32>,
        %broadcast_in_dim3A_629 = vector.broadcast %add3A_605 : i32 to vector<16xi32>
        %gather3A_630 = tpu.vector_load_idx %arg13[%broadcast_in_dim3A_629] : memref<128xf32, #tpu.memory_space<vmem>>[vector<16xi32>], vector<16xf32>,
        %broadcast_in_dim3A_631 = vector.broadcast %add3A_609 : i32 to vector<16xi32>
        %gather3A_632 = tpu.vector_load_idx %arg13[%broadcast_in_dim3A_631] : memref<128xf32, #tpu.memory_space<vmem>>[vector<16xi32>], vector<16xf32>,
        %broadcast_in_dim3A_633 = vector.broadcast %add3A_613 : i32 to vector<16xi32>
        %gather3A_634 = tpu.vector_load_idx %arg13[%broadcast_in_dim3A_633] : memref<128xf32, #tpu.memory_space<vmem>>[vector<16xi32>], vector<16xf32>,
        %broadcast_in_dim3A_635 = vector.broadcast %add3A_617 : i32 to vector<16xi32>
        %gather3A_636 = tpu.vector_load_idx %arg13[%broadcast_in_dim3A_635] : memref<128xf32, #tpu.memory_space<vmem>>[vector<16xi32>], vector<16xf32>,
        %broadcast_in_dim3A_637 = vector.broadcast %add3A_621 : i32 to vector<16xi32>
        %gather3A_638 = tpu.vector_load_idx %arg13[%broadcast_in_dim3A_637] : memref<128xf32, #tpu.memory_space<vmem>>[vector<16xi32>], vector<16xf32>,
        %broadcast_in_dim3A_639 = vector.broadcast %add3A_625 : i32 to vector<16xi32>
        %gather3A_640 = tpu.vector_load_idx %arg13[%broadcast_in_dim3A_639] : memref<128xf32, #tpu.memory_space<vmem>>[vector<16xi32>], vector<16xf32>,
        %get3A_641 = arith.constant 0 : i32
        %get3A_642 = arith.constant 0 : i32
        %get3A_643 = tpu.memref_slice %arg10[%scan3A_92, %get3A_641, %get3A_642] : memref<4x128x16xi32, #tpu.memory_space<vmem>> -> memref<1x128x16xi32, #tpu.memory_space<vmem>>
        %get3A_644 = tpu.memref_squeeze %get3A_643 : memref<1x128x16xi32, #tpu.memory_space<vmem>> -> memref<128x16xi32, #tpu.memory_space<vmem>>
        %get3A_645 = arith.index_cast %add3A_597 : i32 to index
        %get3A_646 = arith.constant 0 : index
        %get3A_647 = tpu.vector_load %get3A_644[%get3A_645, %get3A_646] {strides = array<i32>} : memref<128x16xi32, #tpu.memory_space<vmem>>, vector<16xi32>,
        %get3A_648 = arith.constant 0 : i32
        %get3A_649 = arith.constant 0 : i32
        %get3A_650 = tpu.memref_slice %arg10[%scan3A_92, %get3A_648, %get3A_649] : memref<4x128x16xi32, #tpu.memory_space<vmem>> -> memref<1x128x16xi32, #tpu.memory_space<vmem>>
        %get3A_651 = tpu.memref_squeeze %get3A_650 : memref<1x128x16xi32, #tpu.memory_space<vmem>> -> memref<128x16xi32, #tpu.memory_space<vmem>>
        %get3A_652 = arith.index_cast %add3A_601 : i32 to index
        %get3A_653 = arith.constant 0 : index
        %get3A_654 = tpu.vector_load %get3A_651[%get3A_652, %get3A_653] {strides = array<i32>} : memref<128x16xi32, #tpu.memory_space<vmem>>, vector<16xi32>,
        %get3A_655 = arith.constant 0 : i32
        %get3A_656 = arith.constant 0 : i32
        %get3A_657 = tpu.memref_slice %arg10[%scan3A_92, %get3A_655, %get3A_656] : memref<4x128x16xi32, #tpu.memory_space<vmem>> -> memref<1x128x16xi32, #tpu.memory_space<vmem>>
        %get3A_658 = tpu.memref_squeeze %get3A_657 : memref<1x128x16xi32, #tpu.memory_space<vmem>> -> memref<128x16xi32, #tpu.memory_space<vmem>>
        %get3A_659 = arith.index_cast %add3A_605 : i32 to index
        %get3A_660 = arith.constant 0 : index
        %get3A_661 = tpu.vector_load %get3A_658[%get3A_659, %get3A_660] {strides = array<i32>} : memref<128x16xi32, #tpu.memory_space<vmem>>, vector<16xi32>,
        %get3A_662 = arith.constant 0 : i32
        %get3A_663 = arith.constant 0 : i32
        %get3A_664 = tpu.memref_slice %arg10[%scan3A_92, %get3A_662, %get3A_663] : memref<4x128x16xi32, #tpu.memory_space<vmem>> -> memref<1x128x16xi32, #tpu.memory_space<vmem>>
        %get3A_665 = tpu.memref_squeeze %get3A_664 : memref<1x128x16xi32, #tpu.memory_space<vmem>> -> memref<128x16xi32, #tpu.memory_space<vmem>>
        %get3A_666 = arith.index_cast %add3A_609 : i32 to index
        %get3A_667 = arith.constant 0 : index
        %get3A_668 = tpu.vector_load %get3A_665[%get3A_666, %get3A_667] {strides = array<i32>} : memref<128x16xi32, #tpu.memory_space<vmem>>, vector<16xi32>,
        %get3A_669 = arith.constant 0 : i32
        %get3A_670 = arith.constant 0 : i32
        %get3A_671 = tpu.memref_slice %arg10[%scan3A_92, %get3A_669, %get3A_670] : memref<4x128x16xi32, #tpu.memory_space<vmem>> -> memref<1x128x16xi32, #tpu.memory_space<vmem>>
        %get3A_672 = tpu.memref_squeeze %get3A_671 : memref<1x128x16xi32, #tpu.memory_space<vmem>> -> memref<128x16xi32, #tpu.memory_space<vmem>>
        %get3A_673 = arith.index_cast %add3A_613 : i32 to index
        %get3A_674 = arith.constant 0 : index
        %get3A_675 = tpu.vector_load %get3A_672[%get3A_673, %get3A_674] {strides = array<i32>} : memref<128x16xi32, #tpu.memory_space<vmem>>, vector<16xi32>,
        %get3A_676 = arith.constant 0 : i32
        %get3A_677 = arith.constant 0 : i32
        %get3A_678 = tpu.memref_slice %arg10[%scan3A_92, %get3A_676, %get3A_677] : memref<4x128x16xi32, #tpu.memory_space<vmem>> -> memref<1x128x16xi32, #tpu.memory_space<vmem>>
        %get3A_679 = tpu.memref_squeeze %get3A_678 : memref<1x128x16xi32, #tpu.memory_space<vmem>> -> memref<128x16xi32, #tpu.memory_space<vmem>>
        %get3A_680 = arith.index_cast %add3A_617 : i32 to index
        %get3A_681 = arith.constant 0 : index
        %get3A_682 = tpu.vector_load %get3A_679[%get3A_680, %get3A_681] {strides = array<i32>} : memref<128x16xi32, #tpu.memory_space<vmem>>, vector<16xi32>,
        %get3A_683 = arith.constant 0 : i32
        %get3A_684 = arith.constant 0 : i32
        %get3A_685 = tpu.memref_slice %arg10[%scan3A_92, %get3A_683, %get3A_684] : memref<4x128x16xi32, #tpu.memory_space<vmem>> -> memref<1x128x16xi32, #tpu.memory_space<vmem>>
        %get3A_686 = tpu.memref_squeeze %get3A_685 : memref<1x128x16xi32, #tpu.memory_space<vmem>> -> memref<128x16xi32, #tpu.memory_space<vmem>>
        %get3A_687 = arith.index_cast %add3A_621 : i32 to index
        %get3A_688 = arith.constant 0 : index
        %get3A_689 = tpu.vector_load %get3A_686[%get3A_687, %get3A_688] {strides = array<i32>} : memref<128x16xi32, #tpu.memory_space<vmem>>, vector<16xi32>,
        %get3A_690 = arith.constant 0 : i32
        %get3A_691 = arith.constant 0 : i32
        %get3A_692 = tpu.memref_slice %arg10[%scan3A_92, %get3A_690, %get3A_691] : memref<4x128x16xi32, #tpu.memory_space<vmem>> -> memref<1x128x16xi32, #tpu.memory_space<vmem>>
        %get3A_693 = tpu.memref_squeeze %get3A_692 : memref<1x128x16xi32, #tpu.memory_space<vmem>> -> memref<128x16xi32, #tpu.memory_space<vmem>>
        %get3A_694 = arith.index_cast %add3A_625 : i32 to index
        %get3A_695 = arith.constant 0 : index
        %get3A_696 = tpu.vector_load %get3A_693[%get3A_694, %get3A_695] {strides = array<i32>} : memref<128x16xi32, #tpu.memory_space<vmem>>, vector<16xi32>,
        %bitcast3A = vector.bitcast %get3A_647 : vector<16xi32> to vector<32xbf16>
        %unpack3A_697 = tpu.unpack_subelements %bitcast3A, 0 {pack_format = #tpu.pack_format<interleaved>} : vector<32xbf16> -> vector<16xf32>
        %unpack3A_698 = tpu.unpack_subelements %bitcast3A, 1 {pack_format = #tpu.pack_format<interleaved>} : vector<32xbf16> -> vector<16xf32>
        %bitcast3A_699 = vector.bitcast %get3A_654 : vector<16xi32> to vector<32xbf16>
        %unpack3A_700 = tpu.unpack_subelements %bitcast3A_699, 0 {pack_format = #tpu.pack_format<interleaved>} : vector<32xbf16> -> vector<16xf32>
        %unpack3A_701 = tpu.unpack_subelements %bitcast3A_699, 1 {pack_format = #tpu.pack_format<interleaved>} : vector<32xbf16> -> vector<16xf32>
        %bitcast3A_702 = vector.bitcast %get3A_661 : vector<16xi32> to vector<32xbf16>
        %unpack3A_703 = tpu.unpack_subelements %bitcast3A_702, 0 {pack_format = #tpu.pack_format<interleaved>} : vector<32xbf16> -> vector<16xf32>
        %unpack3A_704 = tpu.unpack_subelements %bitcast3A_702, 1 {pack_format = #tpu.pack_format<interleaved>} : vector<32xbf16> -> vector<16xf32>
        %bitcast3A_705 = vector.bitcast %get3A_668 : vector<16xi32> to vector<32xbf16>
        %unpack3A_706 = tpu.unpack_subelements %bitcast3A_705, 0 {pack_format = #tpu.pack_format<interleaved>} : vector<32xbf16> -> vector<16xf32>
        %unpack3A_707 = tpu.unpack_subelements %bitcast3A_705, 1 {pack_format = #tpu.pack_format<interleaved>} : vector<32xbf16> -> vector<16xf32>
        %bitcast3A_708 = vector.bitcast %get3A_675 : vector<16xi32> to vector<32xbf16>
        %unpack3A_709 = tpu.unpack_subelements %bitcast3A_708, 0 {pack_format = #tpu.pack_format<interleaved>} : vector<32xbf16> -> vector<16xf32>
        %unpack3A_710 = tpu.unpack_subelements %bitcast3A_708, 1 {pack_format = #tpu.pack_format<interleaved>} : vector<32xbf16> -> vector<16xf32>
        %bitcast3A_711 = vector.bitcast %get3A_682 : vector<16xi32> to vector<32xbf16>
        %unpack3A_712 = tpu.unpack_subelements %bitcast3A_711, 0 {pack_format = #tpu.pack_format<interleaved>} : vector<32xbf16> -> vector<16xf32>
        %unpack3A_713 = tpu.unpack_subelements %bitcast3A_711, 1 {pack_format = #tpu.pack_format<interleaved>} : vector<32xbf16> -> vector<16xf32>
        %bitcast3A_714 = vector.bitcast %get3A_689 : vector<16xi32> to vector<32xbf16>
        %unpack3A_715 = tpu.unpack_subelements %bitcast3A_714, 0 {pack_format = #tpu.pack_format<interleaved>} : vector<32xbf16> -> vector<16xf32>
        %unpack3A_716 = tpu.unpack_subelements %bitcast3A_714, 1 {pack_format = #tpu.pack_format<interleaved>} : vector<32xbf16> -> vector<16xf32>
        %bitcast3A_717 = vector.bitcast %get3A_696 : vector<16xi32> to vector<32xbf16>
        %unpack3A_718 = tpu.unpack_subelements %bitcast3A_717, 0 {pack_format = #tpu.pack_format<interleaved>} : vector<32xbf16> -> vector<16xf32>
        %unpack3A_719 = tpu.unpack_subelements %bitcast3A_717, 1 {pack_format = #tpu.pack_format<interleaved>} : vector<32xbf16> -> vector<16xf32>
        %broadcast_in_dim3A_720 = vector.broadcast %add3A_597 : i32 to vector<16xi32>
        %mul3A_721 = arith.mulf %unpack3A_697, %gather3A : vector<16xf32>
        %scatter3A = arith.constant 0 : i32
        %scatter3A_722 = arith.constant 0 : i32
        %scatter3A_723 = tpu.memref_slice %arg11[%scan3A_94, %scatter3A, %scatter3A_722] : memref<4x128x32xf32, #tpu.memory_space<vmem>> -> memref<1x128x32xf32, #tpu.memory_space<vmem>>
        %scatter3A_724 = tpu.memref_squeeze %scatter3A_723 : memref<1x128x32xf32, #tpu.memory_space<vmem>> -> memref<128x32xf32, #tpu.memory_space<vmem>>
        tpu.vector_store_idx %scatter3A_724[%broadcast_in_dim3A_720, %mul3A_3], %mul3A_721 : memref<128x32xf32, #tpu.memory_space<vmem>>[vector<16xi32>, vector<16xi32>], vector<16xf32>,
        %mul3A_725 = arith.mulf %unpack3A_698, %gather3A : vector<16xf32>
        %scatter3A_726 = arith.constant 0 : i32
        %scatter3A_727 = arith.constant 0 : i32
        %scatter3A_728 = tpu.memref_slice %arg11[%scan3A_94, %scatter3A_726, %scatter3A_727] : memref<4x128x32xf32, #tpu.memory_space<vmem>> -> memref<1x128x32xf32, #tpu.memory_space<vmem>>
        %scatter3A_729 = tpu.memref_squeeze %scatter3A_728 : memref<1x128x32xf32, #tpu.memory_space<vmem>> -> memref<128x32xf32, #tpu.memory_space<vmem>>
        tpu.vector_store_idx %scatter3A_729[%broadcast_in_dim3A_720, %add3A_5], %mul3A_725 : memref<128x32xf32, #tpu.memory_space<vmem>>[vector<16xi32>, vector<16xi32>], vector<16xf32>,
        %broadcast_in_dim3A_730 = vector.broadcast %add3A_601 : i32 to vector<16xi32>
        %mul3A_731 = arith.mulf %unpack3A_700, %gather3A_628 : vector<16xf32>
        %scatter3A_732 = arith.constant 0 : i32
        %scatter3A_733 = arith.constant 0 : i32
        %scatter3A_734 = tpu.memref_slice %arg11[%scan3A_94, %scatter3A_732, %scatter3A_733] : memref<4x128x32xf32, #tpu.memory_space<vmem>> -> memref<1x128x32xf32, #tpu.memory_space<vmem>>
        %scatter3A_735 = tpu.memref_squeeze %scatter3A_734 : memref<1x128x32xf32, #tpu.memory_space<vmem>> -> memref<128x32xf32, #tpu.memory_space<vmem>>
        tpu.vector_store_idx %scatter3A_735[%broadcast_in_dim3A_730, %mul3A_3], %mul3A_731 : memref<128x32xf32, #tpu.memory_space<vmem>>[vector<16xi32>, vector<16xi32>], vector<16xf32>,
        %mul3A_736 = arith.mulf %unpack3A_701, %gather3A_628 : vector<16xf32>
        %scatter3A_737 = arith.constant 0 : i32
        %scatter3A_738 = arith.constant 0 : i32
        %scatter3A_739 = tpu.memref_slice %arg11[%scan3A_94, %scatter3A_737, %scatter3A_738] : memref<4x128x32xf32, #tpu.memory_space<vmem>> -> memref<1x128x32xf32, #tpu.memory_space<vmem>>
        %scatter3A_740 = tpu.memref_squeeze %scatter3A_739 : memref<1x128x32xf32, #tpu.memory_space<vmem>> -> memref<128x32xf32, #tpu.memory_space<vmem>>
        tpu.vector_store_idx %scatter3A_740[%broadcast_in_dim3A_730, %add3A_5], %mul3A_736 : memref<128x32xf32, #tpu.memory_space<vmem>>[vector<16xi32>, vector<16xi32>], vector<16xf32>,
        %broadcast_in_dim3A_741 = vector.broadcast %add3A_605 : i32 to vector<16xi32>
        %mul3A_742 = arith.mulf %unpack3A_703, %gather3A_630 : vector<16xf32>
        %scatter3A_743 = arith.constant 0 : i32
        %scatter3A_744 = arith.constant 0 : i32
        %scatter3A_745 = tpu.memref_slice %arg11[%scan3A_94, %scatter3A_743, %scatter3A_744] : memref<4x128x32xf32, #tpu.memory_space<vmem>> -> memref<1x128x32xf32, #tpu.memory_space<vmem>>
        %scatter3A_746 = tpu.memref_squeeze %scatter3A_745 : memref<1x128x32xf32, #tpu.memory_space<vmem>> -> memref<128x32xf32, #tpu.memory_space<vmem>>
        tpu.vector_store_idx %scatter3A_746[%broadcast_in_dim3A_741, %mul3A_3], %mul3A_742 : memref<128x32xf32, #tpu.memory_space<vmem>>[vector<16xi32>, vector<16xi32>], vector<16xf32>,
        %mul3A_747 = arith.mulf %unpack3A_704, %gather3A_630 : vector<16xf32>
        %scatter3A_748 = arith.constant 0 : i32
        %scatter3A_749 = arith.constant 0 : i32
        %scatter3A_750 = tpu.memref_slice %arg11[%scan3A_94, %scatter3A_748, %scatter3A_749] : memref<4x128x32xf32, #tpu.memory_space<vmem>> -> memref<1x128x32xf32, #tpu.memory_space<vmem>>
        %scatter3A_751 = tpu.memref_squeeze %scatter3A_750 : memref<1x128x32xf32, #tpu.memory_space<vmem>> -> memref<128x32xf32, #tpu.memory_space<vmem>>
        tpu.vector_store_idx %scatter3A_751[%broadcast_in_dim3A_741, %add3A_5], %mul3A_747 : memref<128x32xf32, #tpu.memory_space<vmem>>[vector<16xi32>, vector<16xi32>], vector<16xf32>,
        %broadcast_in_dim3A_752 = vector.broadcast %add3A_609 : i32 to vector<16xi32>
        %mul3A_753 = arith.mulf %unpack3A_706, %gather3A_632 : vector<16xf32>
        %scatter3A_754 = arith.constant 0 : i32
        %scatter3A_755 = arith.constant 0 : i32
        %scatter3A_756 = tpu.memref_slice %arg11[%scan3A_94, %scatter3A_754, %scatter3A_755] : memref<4x128x32xf32, #tpu.memory_space<vmem>> -> memref<1x128x32xf32, #tpu.memory_space<vmem>>
        %scatter3A_757 = tpu.memref_squeeze %scatter3A_756 : memref<1x128x32xf32, #tpu.memory_space<vmem>> -> memref<128x32xf32, #tpu.memory_space<vmem>>
        tpu.vector_store_idx %scatter3A_757[%broadcast_in_dim3A_752, %mul3A_3], %mul3A_753 : memref<128x32xf32, #tpu.memory_space<vmem>>[vector<16xi32>, vector<16xi32>], vector<16xf32>,
        %mul3A_758 = arith.mulf %unpack3A_707, %gather3A_632 : vector<16xf32>
        %scatter3A_759 = arith.constant 0 : i32
        %scatter3A_760 = arith.constant 0 : i32
        %scatter3A_761 = tpu.memref_slice %arg11[%scan3A_94, %scatter3A_759, %scatter3A_760] : memref<4x128x32xf32, #tpu.memory_space<vmem>> -> memref<1x128x32xf32, #tpu.memory_space<vmem>>
        %scatter3A_762 = tpu.memref_squeeze %scatter3A_761 : memref<1x128x32xf32, #tpu.memory_space<vmem>> -> memref<128x32xf32, #tpu.memory_space<vmem>>
        tpu.vector_store_idx %scatter3A_762[%broadcast_in_dim3A_752, %add3A_5], %mul3A_758 : memref<128x32xf32, #tpu.memory_space<vmem>>[vector<16xi32>, vector<16xi32>], vector<16xf32>,
        %broadcast_in_dim3A_763 = vector.broadcast %add3A_613 : i32 to vector<16xi32>
        %mul3A_764 = arith.mulf %unpack3A_709, %gather3A_634 : vector<16xf32>
        %scatter3A_765 = arith.constant 0 : i32
        %scatter3A_766 = arith.constant 0 : i32
        %scatter3A_767 = tpu.memref_slice %arg11[%scan3A_94, %scatter3A_765, %scatter3A_766] : memref<4x128x32xf32, #tpu.memory_space<vmem>> -> memref<1x128x32xf32, #tpu.memory_space<vmem>>
        %scatter3A_768 = tpu.memref_squeeze %scatter3A_767 : memref<1x128x32xf32, #tpu.memory_space<vmem>> -> memref<128x32xf32, #tpu.memory_space<vmem>>
        tpu.vector_store_idx %scatter3A_768[%broadcast_in_dim3A_763, %mul3A_3], %mul3A_764 : memref<128x32xf32, #tpu.memory_space<vmem>>[vector<16xi32>, vector<16xi32>], vector<16xf32>,
        %mul3A_769 = arith.mulf %unpack3A_710, %gather3A_634 : vector<16xf32>
        %scatter3A_770 = arith.constant 0 : i32
        %scatter3A_771 = arith.constant 0 : i32
        %scatter3A_772 = tpu.memref_slice %arg11[%scan3A_94, %scatter3A_770, %scatter3A_771] : memref<4x128x32xf32, #tpu.memory_space<vmem>> -> memref<1x128x32xf32, #tpu.memory_space<vmem>>
        %scatter3A_773 = tpu.memref_squeeze %scatter3A_772 : memref<1x128x32xf32, #tpu.memory_space<vmem>> -> memref<128x32xf32, #tpu.memory_space<vmem>>
        tpu.vector_store_idx %scatter3A_773[%broadcast_in_dim3A_763, %add3A_5], %mul3A_769 : memref<128x32xf32, #tpu.memory_space<vmem>>[vector<16xi32>, vector<16xi32>], vector<16xf32>,
        %broadcast_in_dim3A_774 = vector.broadcast %add3A_617 : i32 to vector<16xi32>
        %mul3A_775 = arith.mulf %unpack3A_712, %gather3A_636 : vector<16xf32>
        %scatter3A_776 = arith.constant 0 : i32
        %scatter3A_777 = arith.constant 0 : i32
        %scatter3A_778 = tpu.memref_slice %arg11[%scan3A_94, %scatter3A_776, %scatter3A_777] : memref<4x128x32xf32, #tpu.memory_space<vmem>> -> memref<1x128x32xf32, #tpu.memory_space<vmem>>
        %scatter3A_779 = tpu.memref_squeeze %scatter3A_778 : memref<1x128x32xf32, #tpu.memory_space<vmem>> -> memref<128x32xf32, #tpu.memory_space<vmem>>
        tpu.vector_store_idx %scatter3A_779[%broadcast_in_dim3A_774, %mul3A_3], %mul3A_775 : memref<128x32xf32, #tpu.memory_space<vmem>>[vector<16xi32>, vector<16xi32>], vector<16xf32>,
        %mul3A_780 = arith.mulf %unpack3A_713, %gather3A_636 : vector<16xf32>
        %scatter3A_781 = arith.constant 0 : i32
        %scatter3A_782 = arith.constant 0 : i32
        %scatter3A_783 = tpu.memref_slice %arg11[%scan3A_94, %scatter3A_781, %scatter3A_782] : memref<4x128x32xf32, #tpu.memory_space<vmem>> -> memref<1x128x32xf32, #tpu.memory_space<vmem>>
        %scatter3A_784 = tpu.memref_squeeze %scatter3A_783 : memref<1x128x32xf32, #tpu.memory_space<vmem>> -> memref<128x32xf32, #tpu.memory_space<vmem>>
        tpu.vector_store_idx %scatter3A_784[%broadcast_in_dim3A_774, %add3A_5], %mul3A_780 : memref<128x32xf32, #tpu.memory_space<vmem>>[vector<16xi32>, vector<16xi32>], vector<16xf32>,
        %broadcast_in_dim3A_785 = vector.broadcast %add3A_621 : i32 to vector<16xi32>
        %mul3A_786 = arith.mulf %unpack3A_715, %gather3A_638 : vector<16xf32>
        %scatter3A_787 = arith.constant 0 : i32
        %scatter3A_788 = arith.constant 0 : i32
        %scatter3A_789 = tpu.memref_slice %arg11[%scan3A_94, %scatter3A_787, %scatter3A_788] : memref<4x128x32xf32, #tpu.memory_space<vmem>> -> memref<1x128x32xf32, #tpu.memory_space<vmem>>
        %scatter3A_790 = tpu.memref_squeeze %scatter3A_789 : memref<1x128x32xf32, #tpu.memory_space<vmem>> -> memref<128x32xf32, #tpu.memory_space<vmem>>
        tpu.vector_store_idx %scatter3A_790[%broadcast_in_dim3A_785, %mul3A_3], %mul3A_786 : memref<128x32xf32, #tpu.memory_space<vmem>>[vector<16xi32>, vector<16xi32>], vector<16xf32>,
        %mul3A_791 = arith.mulf %unpack3A_716, %gather3A_638 : vector<16xf32>
        %scatter3A_792 = arith.constant 0 : i32
        %scatter3A_793 = arith.constant 0 : i32
        %scatter3A_794 = tpu.memref_slice %arg11[%scan3A_94, %scatter3A_792, %scatter3A_793] : memref<4x128x32xf32, #tpu.memory_space<vmem>> -> memref<1x128x32xf32, #tpu.memory_space<vmem>>
        %scatter3A_795 = tpu.memref_squeeze %scatter3A_794 : memref<1x128x32xf32, #tpu.memory_space<vmem>> -> memref<128x32xf32, #tpu.memory_space<vmem>>
        tpu.vector_store_idx %scatter3A_795[%broadcast_in_dim3A_785, %add3A_5], %mul3A_791 : memref<128x32xf32, #tpu.memory_space<vmem>>[vector<16xi32>, vector<16xi32>], vector<16xf32>,
        %broadcast_in_dim3A_796 = vector.broadcast %add3A_625 : i32 to vector<16xi32>
        %mul3A_797 = arith.mulf %unpack3A_718, %gather3A_640 : vector<16xf32>
        %scatter3A_798 = arith.constant 0 : i32
        %scatter3A_799 = arith.constant 0 : i32
        %scatter3A_800 = tpu.memref_slice %arg11[%scan3A_94, %scatter3A_798, %scatter3A_799] : memref<4x128x32xf32, #tpu.memory_space<vmem>> -> memref<1x128x32xf32, #tpu.memory_space<vmem>>
        %scatter3A_801 = tpu.memref_squeeze %scatter3A_800 : memref<1x128x32xf32, #tpu.memory_space<vmem>> -> memref<128x32xf32, #tpu.memory_space<vmem>>
        tpu.vector_store_idx %scatter3A_801[%broadcast_in_dim3A_796, %mul3A_3], %mul3A_797 : memref<128x32xf32, #tpu.memory_space<vmem>>[vector<16xi32>, vector<16xi32>], vector<16xf32>,
        %mul3A_802 = arith.mulf %unpack3A_719, %gather3A_640 : vector<16xf32>
        %scatter3A_803 = arith.constant 0 : i32
        %scatter3A_804 = arith.constant 0 : i32
        %scatter3A_805 = tpu.memref_slice %arg11[%scan3A_94, %scatter3A_803, %scatter3A_804] : memref<4x128x32xf32, #tpu.memory_space<vmem>> -> memref<1x128x32xf32, #tpu.memory_space<vmem>>
        %scatter3A_806 = tpu.memref_squeeze %scatter3A_805 : memref<1x128x32xf32, #tpu.memory_space<vmem>> -> memref<128x32xf32, #tpu.memory_space<vmem>>
        tpu.vector_store_idx %scatter3A_806[%broadcast_in_dim3A_796, %add3A_5], %mul3A_802 : memref<128x32xf32, #tpu.memory_space<vmem>>[vector<16xi32>, vector<16xi32>], vector<16xf32>,
        %scan3A_807 = arith.constant 0 : i32
        scf.yield %scan3A_807 : i32
      }
      %scan3A_292 = arith.constant 16 : i32
      %dma_start3A_293 = arith.constant 0 : i32
      %dma_start3A_294 = arith.constant 0 : i32
      %dma_start3A_295 = tpu.memref_slice %arg11[%scan3A_94, %dma_start3A_293, %dma_start3A_294] : memref<4x128x32xf32, #tpu.memory_space<vmem>> -> memref<1x128x32xf32, #tpu.memory_space<vmem>>
      %dma_start3A_296 = tpu.memref_squeeze %dma_start3A_295 : memref<1x128x32xf32, #tpu.memory_space<vmem>> -> memref<128x32xf32, #tpu.memory_space<vmem>>
      %dma_start3A_297 = arith.constant 0 : i32
      %dma_start3A_298 = tpu.memref_slice %arg8[%add3A_217, %dma_start3A_297] : memref<160x128xi32, #tpu.memory_space<vmem>> -> memref<1x128xi32, #tpu.memory_space<vmem>>
      %dma_start3A_299 = tpu.memref_squeeze %dma_start3A_298 : memref<1x128xi32, #tpu.memory_space<vmem>> -> memref<128xi32, #tpu.memory_space<vmem>>
      %dma_start3A_300 = arith.constant 0 : i32
      %dma_start3A_301 = arith.constant 0 : i32
      %dma_start3A_302 = tpu.memref_slice %arg14[%dma_start3A_300, %dma_start3A_301] : memref<10112x32xf32, #tpu.memory_space<vmem_shared>> -> memref<10112x32xf32, #tpu.memory_space<vmem_shared>>
      tpu.enqueue_indirect_dma source(%dma_start3A_296 : memref<128x32xf32, #tpu.memory_space<vmem>>) target(%dma_start3A_302 : memref<10112x32xf32, #tpu.memory_space<vmem_shared>>) offsets(%dma_start3A_299 : memref<128xi32, #tpu.memory_space<vmem>>) semaphore(%arg20 : memref<!tpu.dma_semaphore, #tpu.memory_space<semaphore_mem>>) {add = true}
      %mul3A_303 = arith.constant 4 : i32
      %mul3A_304 = arith.muli %mul3A_303, %scan3A_212 : i32
      %add3A_305 = arith.constant 1 : i32
      %add3A_306 = arith.addi %mul3A_304, %add3A_305 : i32
      %dma_wait3A_307 = arith.constant 0 : i32
      %dma_wait3A_308 = arith.constant 0 : i32
      %dma_wait3A_309 = tpu.memref_slice %arg10[%scan3A_95, %dma_wait3A_307, %dma_wait3A_308] : memref<4x128x16xi32, #tpu.memory_space<vmem>> -> memref<1x128x16xi32, #tpu.memory_space<vmem>>
      %dma_wait3A_310 = tpu.memref_squeeze %dma_wait3A_309 : memref<1x128x16xi32, #tpu.memory_space<vmem>> -> memref<128x16xi32, #tpu.memory_space<vmem>>
      %dma_wait3A_311 = arith.constant 0 : i32
      %dma_wait3A_312 = tpu.memref_slice %arg7[%add3A_306, %dma_wait3A_311] : memref<160x128xi32, #tpu.memory_space<vmem>> -> memref<1x128xi32, #tpu.memory_space<vmem>>
      %dma_wait3A_313 = tpu.memref_squeeze %dma_wait3A_312 : memref<1x128xi32, #tpu.memory_space<vmem>> -> memref<128xi32, #tpu.memory_space<vmem>>
      %dma_wait3A_314 = arith.constant 0 : i32
      %dma_wait3A_315 = arith.constant 0 : i32
      %dma_wait3A_316 = tpu.memref_slice %arg15[%dma_wait3A_314, %dma_wait3A_315] : memref<10112x16xi32, #tpu.memory_space<vmem_shared>> -> memref<10112x16xi32, #tpu.memory_space<vmem_shared>>
      tpu.wait_indirect_dma semaphore(%arg17 : memref<!tpu.dma_semaphore, #tpu.memory_space<semaphore_mem>>) src(%dma_wait3A_316 : memref<10112x16xi32, #tpu.memory_space<vmem_shared>>) dst(%dma_wait3A_310 : memref<128x16xi32, #tpu.memory_space<vmem>>)
      %add3A_317 = arith.constant 4 : i32
      %add3A_318 = arith.addi %add3A_306, %add3A_317 : i32
      %sub3A_319 = arith.constant 1 : i32
      %sub3A_320 = arith.subi %add3A_318, %sub3A_319 : i32
      %min3A_321 = arith.constant 159 : i32
      %min3A_322 = arith.minsi %sub3A_320, %min3A_321 : i32
      %dma_start3A_323 = arith.constant 0 : i32
      %dma_start3A_324 = arith.constant 0 : i32
      %dma_start3A_325 = tpu.memref_slice %arg10[%scan3A_92, %dma_start3A_323, %dma_start3A_324] : memref<4x128x16xi32, #tpu.memory_space<vmem>> -> memref<1x128x16xi32, #tpu.memory_space<vmem>>
      %dma_start3A_326 = tpu.memref_squeeze %dma_start3A_325 : memref<1x128x16xi32, #tpu.memory_space<vmem>> -> memref<128x16xi32, #tpu.memory_space<vmem>>
      %dma_start3A_327 = arith.constant 0 : i32
      %dma_start3A_328 = tpu.memref_slice %arg7[%min3A_322, %dma_start3A_327] : memref<160x128xi32, #tpu.memory_space<vmem>> -> memref<1x128xi32, #tpu.memory_space<vmem>>
      %dma_start3A_329 = tpu.memref_squeeze %dma_start3A_328 : memref<1x128xi32, #tpu.memory_space<vmem>> -> memref<128xi32, #tpu.memory_space<vmem>>
      %dma_start3A_330 = arith.constant 0 : i32
      %dma_start3A_331 = arith.constant 0 : i32
      %dma_start3A_332 = tpu.memref_slice %arg15[%dma_start3A_330, %dma_start3A_331] : memref<10112x16xi32, #tpu.memory_space<vmem_shared>> -> memref<10112x16xi32, #tpu.memory_space<vmem_shared>>
      tpu.enqueue_indirect_dma source(%dma_start3A_332 : memref<10112x16xi32, #tpu.memory_space<vmem_shared>>) target(%dma_start3A_326 : memref<128x16xi32, #tpu.memory_space<vmem>>) offsets(%dma_start3A_329 : memref<128xi32, #tpu.memory_space<vmem>>) semaphore(%arg16 : memref<!tpu.dma_semaphore, #tpu.memory_space<semaphore_mem>>)
      %gt3A_333 = arith.constant 0 : i32
      %gt3A_334 = arith.cmpi sgt, %scan3A_212, %gt3A_333 : i32
      %convert_element_type3A_335 = arith.extui %gt3A_334 : i1 to i32
      %cond3A_336 = arith.constant 0 : i32
      %cond3A_337 = arith.cmpi ne, %convert_element_type3A_335, %cond3A_336 : i32
      scf.if %cond3A_337 {
        %dma_wait3A_592 = arith.constant 0 : i32
        %dma_wait3A_593 = arith.constant 0 : i32
        %dma_wait3A_594 = tpu.memref_slice %arg11[%scan3A_96, %dma_wait3A_592, %dma_wait3A_593] : memref<4x128x32xf32, #tpu.memory_space<vmem>> -> memref<1x128x32xf32, #tpu.memory_space<vmem>>
        %dma_wait3A_595 = tpu.memref_squeeze %dma_wait3A_594 : memref<1x128x32xf32, #tpu.memory_space<vmem>> -> memref<128x32xf32, #tpu.memory_space<vmem>>
        %dma_wait3A_596 = arith.constant 0 : i32
        %dma_wait3A_597 = tpu.memref_slice %arg8[%add3A_306, %dma_wait3A_596] : memref<160x128xi32, #tpu.memory_space<vmem>> -> memref<1x128xi32, #tpu.memory_space<vmem>>
        %dma_wait3A_598 = tpu.memref_squeeze %dma_wait3A_597 : memref<1x128xi32, #tpu.memory_space<vmem>> -> memref<128xi32, #tpu.memory_space<vmem>>
        %dma_wait3A_599 = arith.constant 0 : i32
        %dma_wait3A_600 = arith.constant 0 : i32
        %dma_wait3A_601 = tpu.memref_slice %arg14[%dma_wait3A_599, %dma_wait3A_600] : memref<10112x32xf32, #tpu.memory_space<vmem_shared>> -> memref<10112x32xf32, #tpu.memory_space<vmem_shared>>
        tpu.wait_indirect_dma semaphore(%arg21 : memref<!tpu.dma_semaphore, #tpu.memory_space<semaphore_mem>>) src(%dma_wait3A_595 : memref<128x32xf32, #tpu.memory_space<vmem>>) dst(%dma_wait3A_601 : memref<10112x32xf32, #tpu.memory_space<vmem_shared>>)
      } else {
      }
      %get3A_338 = arith.index_cast %add3A_306 : i32 to index
      %get3A_339 = arith.constant 0 : index
      %get3A_340 = tpu.vector_load %arg9[%get3A_338, %get3A_339] {strides = array<i32>} : memref<160x128xbf16, #tpu.memory_space<vmem>>, vector<32xbf16>,
      %unpack3A_341 = tpu.unpack_subelements %get3A_340, 0 {pack_format = #tpu.pack_format<interleaved>} : vector<32xbf16> -> vector<16xf32>
      %unpack3A_342 = tpu.unpack_subelements %get3A_340, 1 {pack_format = #tpu.pack_format<interleaved>} : vector<32xbf16> -> vector<16xf32>
      %add3A_343 = arith.constant 0 : i32
      %add3A_344 = vector.broadcast %add3A_343 : i32 to vector<16xi32>
      %add3A_345 = arith.addi %mul3A_3, %add3A_344 : vector<16xi32>
      tpu.vector_store_idx %arg13[%add3A_345], %unpack3A_341 : memref<128xf32, #tpu.memory_space<vmem>>[vector<16xi32>], vector<16xf32>,
      %add3A_346 = arith.constant 0 : i32
      %add3A_347 = vector.broadcast %add3A_346 : i32 to vector<16xi32>
      %add3A_348 = arith.addi %add3A_5, %add3A_347 : vector<16xi32>
      tpu.vector_store_idx %arg13[%add3A_348], %unpack3A_342 : memref<128xf32, #tpu.memory_space<vmem>>[vector<16xi32>], vector<16xf32>,
      %get3A_349 = arith.index_cast %add3A_306 : i32 to index
      %get3A_350 = arith.constant 32 : index
      %get3A_351 = tpu.vector_load %arg9[%get3A_349, %get3A_350] {strides = array<i32>} : memref<160x128xbf16, #tpu.memory_space<vmem>>, vector<32xbf16>,
      %unpack3A_352 = tpu.unpack_subelements %get3A_351, 0 {pack_format = #tpu.pack_format<interleaved>} : vector<32xbf16> -> vector<16xf32>
      %unpack3A_353 = tpu.unpack_subelements %get3A_351, 1 {pack_format = #tpu.pack_format<interleaved>} : vector<32xbf16> -> vector<16xf32>
      %add3A_354 = arith.constant 32 : i32
      %add3A_355 = vector.broadcast %add3A_354 : i32 to vector<16xi32>
      %add3A_356 = arith.addi %mul3A_3, %add3A_355 : vector<16xi32>
      tpu.vector_store_idx %arg13[%add3A_356], %unpack3A_352 : memref<128xf32, #tpu.memory_space<vmem>>[vector<16xi32>], vector<16xf32>,
      %add3A_357 = arith.constant 32 : i32
      %add3A_358 = vector.broadcast %add3A_357 : i32 to vector<16xi32>
      %add3A_359 = arith.addi %add3A_5, %add3A_358 : vector<16xi32>
      tpu.vector_store_idx %arg13[%add3A_359], %unpack3A_353 : memref<128xf32, #tpu.memory_space<vmem>>[vector<16xi32>], vector<16xf32>,
      %get3A_360 = arith.index_cast %add3A_306 : i32 to index
      %get3A_361 = arith.constant 64 : index
      %get3A_362 = tpu.vector_load %arg9[%get3A_360, %get3A_361] {strides = array<i32>} : memref<160x128xbf16, #tpu.memory_space<vmem>>, vector<32xbf16>,
      %unpack3A_363 = tpu.unpack_subelements %get3A_362, 0 {pack_format = #tpu.pack_format<interleaved>} : vector<32xbf16> -> vector<16xf32>
      %unpack3A_364 = tpu.unpack_subelements %get3A_362, 1 {pack_format = #tpu.pack_format<interleaved>} : vector<32xbf16> -> vector<16xf32>
      %add3A_365 = arith.constant 64 : i32
      %add3A_366 = vector.broadcast %add3A_365 : i32 to vector<16xi32>
      %add3A_367 = arith.addi %mul3A_3, %add3A_366 : vector<16xi32>
      tpu.vector_store_idx %arg13[%add3A_367], %unpack3A_363 : memref<128xf32, #tpu.memory_space<vmem>>[vector<16xi32>], vector<16xf32>,
      %add3A_368 = arith.constant 64 : i32
      %add3A_369 = vector.broadcast %add3A_368 : i32 to vector<16xi32>
      %add3A_370 = arith.addi %add3A_5, %add3A_369 : vector<16xi32>
      tpu.vector_store_idx %arg13[%add3A_370], %unpack3A_364 : memref<128xf32, #tpu.memory_space<vmem>>[vector<16xi32>], vector<16xf32>,
      %get3A_371 = arith.index_cast %add3A_306 : i32 to index
      %get3A_372 = arith.constant 96 : index
      %get3A_373 = tpu.vector_load %arg9[%get3A_371, %get3A_372] {strides = array<i32>} : memref<160x128xbf16, #tpu.memory_space<vmem>>, vector<32xbf16>,
      %unpack3A_374 = tpu.unpack_subelements %get3A_373, 0 {pack_format = #tpu.pack_format<interleaved>} : vector<32xbf16> -> vector<16xf32>
      %unpack3A_375 = tpu.unpack_subelements %get3A_373, 1 {pack_format = #tpu.pack_format<interleaved>} : vector<32xbf16> -> vector<16xf32>
      %add3A_376 = arith.constant 96 : i32
      %add3A_377 = vector.broadcast %add3A_376 : i32 to vector<16xi32>
      %add3A_378 = arith.addi %mul3A_3, %add3A_377 : vector<16xi32>
      tpu.vector_store_idx %arg13[%add3A_378], %unpack3A_374 : memref<128xf32, #tpu.memory_space<vmem>>[vector<16xi32>], vector<16xf32>,
      %add3A_379 = arith.constant 96 : i32
      %add3A_380 = vector.broadcast %add3A_379 : i32 to vector<16xi32>
      %add3A_381 = arith.addi %add3A_5, %add3A_380 : vector<16xi32>
      tpu.vector_store_idx %arg13[%add3A_381], %unpack3A_375 : memref<128xf32, #tpu.memory_space<vmem>>[vector<16xi32>], vector<16xf32>,
      %scan3A_382 = arith.constant 0 : i32
      %scan3A_383 = arith.constant 0 : i32
      %scan3A_384 = arith.constant 16 : i32
      %scan3A_385 = arith.addi %scan3A_383, %scan3A_384 : i32
      %scan3A_386 = arith.constant 1 : i32
      %scan3A_387 = scf.for %scan3A_592 = %scan3A_383 to %scan3A_385 step %scan3A_386 iter_args(%scan3A_593 = %scan3A_382) -> (i32)  : i32 {
        %mul3A_594 = arith.constant 8 : i32
        %mul3A_595 = arith.muli %scan3A_592, %mul3A_594 : i32
        %add3A_596 = arith.constant 0 : i32
        %add3A_597 = arith.addi %mul3A_595, %add3A_596 : i32
        %mul3A_598 = arith.constant 8 : i32
        %mul3A_599 = arith.muli %scan3A_592, %mul3A_598 : i32
        %add3A_600 = arith.constant 1 : i32
        %add3A_601 = arith.addi %mul3A_599, %add3A_600 : i32
        %mul3A_602 = arith.constant 8 : i32
        %mul3A_603 = arith.muli %scan3A_592, %mul3A_602 : i32
        %add3A_604 = arith.constant 2 : i32
        %add3A_605 = arith.addi %mul3A_603, %add3A_604 : i32
        %mul3A_606 = arith.constant 8 : i32
        %mul3A_607 = arith.muli %scan3A_592, %mul3A_606 : i32
        %add3A_608 = arith.constant 3 : i32
        %add3A_609 = arith.addi %mul3A_607, %add3A_608 : i32
        %mul3A_610 = arith.constant 8 : i32
        %mul3A_611 = arith.muli %scan3A_592, %mul3A_610 : i32
        %add3A_612 = arith.constant 4 : i32
        %add3A_613 = arith.addi %mul3A_611, %add3A_612 : i32
        %mul3A_614 = arith.constant 8 : i32
        %mul3A_615 = arith.muli %scan3A_592, %mul3A_614 : i32
        %add3A_616 = arith.constant 5 : i32
        %add3A_617 = arith.addi %mul3A_615, %add3A_616 : i32
        %mul3A_618 = arith.constant 8 : i32
        %mul3A_619 = arith.muli %scan3A_592, %mul3A_618 : i32
        %add3A_620 = arith.constant 6 : i32
        %add3A_621 = arith.addi %mul3A_619, %add3A_620 : i32
        %mul3A_622 = arith.constant 8 : i32
        %mul3A_623 = arith.muli %scan3A_592, %mul3A_622 : i32
        %add3A_624 = arith.constant 7 : i32
        %add3A_625 = arith.addi %mul3A_623, %add3A_624 : i32
        %broadcast_in_dim3A_626 = vector.broadcast %add3A_597 : i32 to vector<16xi32>
        %gather3A = tpu.vector_load_idx %arg13[%broadcast_in_dim3A_626] : memref<128xf32, #tpu.memory_space<vmem>>[vector<16xi32>], vector<16xf32>,
        %broadcast_in_dim3A_627 = vector.broadcast %add3A_601 : i32 to vector<16xi32>
        %gather3A_628 = tpu.vector_load_idx %arg13[%broadcast_in_dim3A_627] : memref<128xf32, #tpu.memory_space<vmem>>[vector<16xi32>], vector<16xf32>,
        %broadcast_in_dim3A_629 = vector.broadcast %add3A_605 : i32 to vector<16xi32>
        %gather3A_630 = tpu.vector_load_idx %arg13[%broadcast_in_dim3A_629] : memref<128xf32, #tpu.memory_space<vmem>>[vector<16xi32>], vector<16xf32>,
        %broadcast_in_dim3A_631 = vector.broadcast %add3A_609 : i32 to vector<16xi32>
        %gather3A_632 = tpu.vector_load_idx %arg13[%broadcast_in_dim3A_631] : memref<128xf32, #tpu.memory_space<vmem>>[vector<16xi32>], vector<16xf32>,
        %broadcast_in_dim3A_633 = vector.broadcast %add3A_613 : i32 to vector<16xi32>
        %gather3A_634 = tpu.vector_load_idx %arg13[%broadcast_in_dim3A_633] : memref<128xf32, #tpu.memory_space<vmem>>[vector<16xi32>], vector<16xf32>,
        %broadcast_in_dim3A_635 = vector.broadcast %add3A_617 : i32 to vector<16xi32>
        %gather3A_636 = tpu.vector_load_idx %arg13[%broadcast_in_dim3A_635] : memref<128xf32, #tpu.memory_space<vmem>>[vector<16xi32>], vector<16xf32>,
        %broadcast_in_dim3A_637 = vector.broadcast %add3A_621 : i32 to vector<16xi32>
        %gather3A_638 = tpu.vector_load_idx %arg13[%broadcast_in_dim3A_637] : memref<128xf32, #tpu.memory_space<vmem>>[vector<16xi32>], vector<16xf32>,
        %broadcast_in_dim3A_639 = vector.broadcast %add3A_625 : i32 to vector<16xi32>
        %gather3A_640 = tpu.vector_load_idx %arg13[%broadcast_in_dim3A_639] : memref<128xf32, #tpu.memory_space<vmem>>[vector<16xi32>], vector<16xf32>,
        %get3A_641 = arith.constant 0 : i32
        %get3A_642 = arith.constant 0 : i32
        %get3A_643 = tpu.memref_slice %arg10[%scan3A_95, %get3A_641, %get3A_642] : memref<4x128x16xi32, #tpu.memory_space<vmem>> -> memref<1x128x16xi32, #tpu.memory_space<vmem>>
        %get3A_644 = tpu.memref_squeeze %get3A_643 : memref<1x128x16xi32, #tpu.memory_space<vmem>> -> memref<128x16xi32, #tpu.memory_space<vmem>>
        %get3A_645 = arith.index_cast %add3A_597 : i32 to index
        %get3A_646 = arith.constant 0 : index
        %get3A_647 = tpu.vector_load %get3A_644[%get3A_645, %get3A_646] {strides = array<i32>} : memref<128x16xi32, #tpu.memory_space<vmem>>, vector<16xi32>,
        %get3A_648 = arith.constant 0 : i32
        %get3A_649 = arith.constant 0 : i32
        %get3A_650 = tpu.memref_slice %arg10[%scan3A_95, %get3A_648, %get3A_649] : memref<4x128x16xi32, #tpu.memory_space<vmem>> -> memref<1x128x16xi32, #tpu.memory_space<vmem>>
        %get3A_651 = tpu.memref_squeeze %get3A_650 : memref<1x128x16xi32, #tpu.memory_space<vmem>> -> memref<128x16xi32, #tpu.memory_space<vmem>>
        %get3A_652 = arith.index_cast %add3A_601 : i32 to index
        %get3A_653 = arith.constant 0 : index
        %get3A_654 = tpu.vector_load %get3A_651[%get3A_652, %get3A_653] {strides = array<i32>} : memref<128x16xi32, #tpu.memory_space<vmem>>, vector<16xi32>,
        %get3A_655 = arith.constant 0 : i32
        %get3A_656 = arith.constant 0 : i32
        %get3A_657 = tpu.memref_slice %arg10[%scan3A_95, %get3A_655, %get3A_656] : memref<4x128x16xi32, #tpu.memory_space<vmem>> -> memref<1x128x16xi32, #tpu.memory_space<vmem>>
        %get3A_658 = tpu.memref_squeeze %get3A_657 : memref<1x128x16xi32, #tpu.memory_space<vmem>> -> memref<128x16xi32, #tpu.memory_space<vmem>>
        %get3A_659 = arith.index_cast %add3A_605 : i32 to index
        %get3A_660 = arith.constant 0 : index
        %get3A_661 = tpu.vector_load %get3A_658[%get3A_659, %get3A_660] {strides = array<i32>} : memref<128x16xi32, #tpu.memory_space<vmem>>, vector<16xi32>,
        %get3A_662 = arith.constant 0 : i32
        %get3A_663 = arith.constant 0 : i32
        %get3A_664 = tpu.memref_slice %arg10[%scan3A_95, %get3A_662, %get3A_663] : memref<4x128x16xi32, #tpu.memory_space<vmem>> -> memref<1x128x16xi32, #tpu.memory_space<vmem>>
        %get3A_665 = tpu.memref_squeeze %get3A_664 : memref<1x128x16xi32, #tpu.memory_space<vmem>> -> memref<128x16xi32, #tpu.memory_space<vmem>>
        %get3A_666 = arith.index_cast %add3A_609 : i32 to index
        %get3A_667 = arith.constant 0 : index
        %get3A_668 = tpu.vector_load %get3A_665[%get3A_666, %get3A_667] {strides = array<i32>} : memref<128x16xi32, #tpu.memory_space<vmem>>, vector<16xi32>,
        %get3A_669 = arith.constant 0 : i32
        %get3A_670 = arith.constant 0 : i32
        %get3A_671 = tpu.memref_slice %arg10[%scan3A_95, %get3A_669, %get3A_670] : memref<4x128x16xi32, #tpu.memory_space<vmem>> -> memref<1x128x16xi32, #tpu.memory_space<vmem>>
        %get3A_672 = tpu.memref_squeeze %get3A_671 : memref<1x128x16xi32, #tpu.memory_space<vmem>> -> memref<128x16xi32, #tpu.memory_space<vmem>>
        %get3A_673 = arith.index_cast %add3A_613 : i32 to index
        %get3A_674 = arith.constant 0 : index
        %get3A_675 = tpu.vector_load %get3A_672[%get3A_673, %get3A_674] {strides = array<i32>} : memref<128x16xi32, #tpu.memory_space<vmem>>, vector<16xi32>,
        %get3A_676 = arith.constant 0 : i32
        %get3A_677 = arith.constant 0 : i32
        %get3A_678 = tpu.memref_slice %arg10[%scan3A_95, %get3A_676, %get3A_677] : memref<4x128x16xi32, #tpu.memory_space<vmem>> -> memref<1x128x16xi32, #tpu.memory_space<vmem>>
        %get3A_679 = tpu.memref_squeeze %get3A_678 : memref<1x128x16xi32, #tpu.memory_space<vmem>> -> memref<128x16xi32, #tpu.memory_space<vmem>>
        %get3A_680 = arith.index_cast %add3A_617 : i32 to index
        %get3A_681 = arith.constant 0 : index
        %get3A_682 = tpu.vector_load %get3A_679[%get3A_680, %get3A_681] {strides = array<i32>} : memref<128x16xi32, #tpu.memory_space<vmem>>, vector<16xi32>,
        %get3A_683 = arith.constant 0 : i32
        %get3A_684 = arith.constant 0 : i32
        %get3A_685 = tpu.memref_slice %arg10[%scan3A_95, %get3A_683, %get3A_684] : memref<4x128x16xi32, #tpu.memory_space<vmem>> -> memref<1x128x16xi32, #tpu.memory_space<vmem>>
        %get3A_686 = tpu.memref_squeeze %get3A_685 : memref<1x128x16xi32, #tpu.memory_space<vmem>> -> memref<128x16xi32, #tpu.memory_space<vmem>>
        %get3A_687 = arith.index_cast %add3A_621 : i32 to index
        %get3A_688 = arith.constant 0 : index
        %get3A_689 = tpu.vector_load %get3A_686[%get3A_687, %get3A_688] {strides = array<i32>} : memref<128x16xi32, #tpu.memory_space<vmem>>, vector<16xi32>,
        %get3A_690 = arith.constant 0 : i32
        %get3A_691 = arith.constant 0 : i32
        %get3A_692 = tpu.memref_slice %arg10[%scan3A_95, %get3A_690, %get3A_691] : memref<4x128x16xi32, #tpu.memory_space<vmem>> -> memref<1x128x16xi32, #tpu.memory_space<vmem>>
        %get3A_693 = tpu.memref_squeeze %get3A_692 : memref<1x128x16xi32, #tpu.memory_space<vmem>> -> memref<128x16xi32, #tpu.memory_space<vmem>>
        %get3A_694 = arith.index_cast %add3A_625 : i32 to index
        %get3A_695 = arith.constant 0 : index
        %get3A_696 = tpu.vector_load %get3A_693[%get3A_694, %get3A_695] {strides = array<i32>} : memref<128x16xi32, #tpu.memory_space<vmem>>, vector<16xi32>,
        %bitcast3A = vector.bitcast %get3A_647 : vector<16xi32> to vector<32xbf16>
        %unpack3A_697 = tpu.unpack_subelements %bitcast3A, 0 {pack_format = #tpu.pack_format<interleaved>} : vector<32xbf16> -> vector<16xf32>
        %unpack3A_698 = tpu.unpack_subelements %bitcast3A, 1 {pack_format = #tpu.pack_format<interleaved>} : vector<32xbf16> -> vector<16xf32>
        %bitcast3A_699 = vector.bitcast %get3A_654 : vector<16xi32> to vector<32xbf16>
        %unpack3A_700 = tpu.unpack_subelements %bitcast3A_699, 0 {pack_format = #tpu.pack_format<interleaved>} : vector<32xbf16> -> vector<16xf32>
        %unpack3A_701 = tpu.unpack_subelements %bitcast3A_699, 1 {pack_format = #tpu.pack_format<interleaved>} : vector<32xbf16> -> vector<16xf32>
        %bitcast3A_702 = vector.bitcast %get3A_661 : vector<16xi32> to vector<32xbf16>
        %unpack3A_703 = tpu.unpack_subelements %bitcast3A_702, 0 {pack_format = #tpu.pack_format<interleaved>} : vector<32xbf16> -> vector<16xf32>
        %unpack3A_704 = tpu.unpack_subelements %bitcast3A_702, 1 {pack_format = #tpu.pack_format<interleaved>} : vector<32xbf16> -> vector<16xf32>
        %bitcast3A_705 = vector.bitcast %get3A_668 : vector<16xi32> to vector<32xbf16>
        %unpack3A_706 = tpu.unpack_subelements %bitcast3A_705, 0 {pack_format = #tpu.pack_format<interleaved>} : vector<32xbf16> -> vector<16xf32>
        %unpack3A_707 = tpu.unpack_subelements %bitcast3A_705, 1 {pack_format = #tpu.pack_format<interleaved>} : vector<32xbf16> -> vector<16xf32>
        %bitcast3A_708 = vector.bitcast %get3A_675 : vector<16xi32> to vector<32xbf16>
        %unpack3A_709 = tpu.unpack_subelements %bitcast3A_708, 0 {pack_format = #tpu.pack_format<interleaved>} : vector<32xbf16> -> vector<16xf32>
        %unpack3A_710 = tpu.unpack_subelements %bitcast3A_708, 1 {pack_format = #tpu.pack_format<interleaved>} : vector<32xbf16> -> vector<16xf32>
        %bitcast3A_711 = vector.bitcast %get3A_682 : vector<16xi32> to vector<32xbf16>
        %unpack3A_712 = tpu.unpack_subelements %bitcast3A_711, 0 {pack_format = #tpu.pack_format<interleaved>} : vector<32xbf16> -> vector<16xf32>
        %unpack3A_713 = tpu.unpack_subelements %bitcast3A_711, 1 {pack_format = #tpu.pack_format<interleaved>} : vector<32xbf16> -> vector<16xf32>
        %bitcast3A_714 = vector.bitcast %get3A_689 : vector<16xi32> to vector<32xbf16>
        %unpack3A_715 = tpu.unpack_subelements %bitcast3A_714, 0 {pack_format = #tpu.pack_format<interleaved>} : vector<32xbf16> -> vector<16xf32>
        %unpack3A_716 = tpu.unpack_subelements %bitcast3A_714, 1 {pack_format = #tpu.pack_format<interleaved>} : vector<32xbf16> -> vector<16xf32>
        %bitcast3A_717 = vector.bitcast %get3A_696 : vector<16xi32> to vector<32xbf16>
        %unpack3A_718 = tpu.unpack_subelements %bitcast3A_717, 0 {pack_format = #tpu.pack_format<interleaved>} : vector<32xbf16> -> vector<16xf32>
        %unpack3A_719 = tpu.unpack_subelements %bitcast3A_717, 1 {pack_format = #tpu.pack_format<interleaved>} : vector<32xbf16> -> vector<16xf32>
        %broadcast_in_dim3A_720 = vector.broadcast %add3A_597 : i32 to vector<16xi32>
        %mul3A_721 = arith.mulf %unpack3A_697, %gather3A : vector<16xf32>
        %scatter3A = arith.constant 0 : i32
        %scatter3A_722 = arith.constant 0 : i32
        %scatter3A_723 = tpu.memref_slice %arg11[%scan3A_96, %scatter3A, %scatter3A_722] : memref<4x128x32xf32, #tpu.memory_space<vmem>> -> memref<1x128x32xf32, #tpu.memory_space<vmem>>
        %scatter3A_724 = tpu.memref_squeeze %scatter3A_723 : memref<1x128x32xf32, #tpu.memory_space<vmem>> -> memref<128x32xf32, #tpu.memory_space<vmem>>
        tpu.vector_store_idx %scatter3A_724[%broadcast_in_dim3A_720, %mul3A_3], %mul3A_721 : memref<128x32xf32, #tpu.memory_space<vmem>>[vector<16xi32>, vector<16xi32>], vector<16xf32>,
        %mul3A_725 = arith.mulf %unpack3A_698, %gather3A : vector<16xf32>
        %scatter3A_726 = arith.constant 0 : i32
        %scatter3A_727 = arith.constant 0 : i32
        %scatter3A_728 = tpu.memref_slice %arg11[%scan3A_96, %scatter3A_726, %scatter3A_727] : memref<4x128x32xf32, #tpu.memory_space<vmem>> -> memref<1x128x32xf32, #tpu.memory_space<vmem>>
        %scatter3A_729 = tpu.memref_squeeze %scatter3A_728 : memref<1x128x32xf32, #tpu.memory_space<vmem>> -> memref<128x32xf32, #tpu.memory_space<vmem>>
        tpu.vector_store_idx %scatter3A_729[%broadcast_in_dim3A_720, %add3A_5], %mul3A_725 : memref<128x32xf32, #tpu.memory_space<vmem>>[vector<16xi32>, vector<16xi32>], vector<16xf32>,
        %broadcast_in_dim3A_730 = vector.broadcast %add3A_601 : i32 to vector<16xi32>
        %mul3A_731 = arith.mulf %unpack3A_700, %gather3A_628 : vector<16xf32>
        %scatter3A_732 = arith.constant 0 : i32
        %scatter3A_733 = arith.constant 0 : i32
        %scatter3A_734 = tpu.memref_slice %arg11[%scan3A_96, %scatter3A_732, %scatter3A_733] : memref<4x128x32xf32, #tpu.memory_space<vmem>> -> memref<1x128x32xf32, #tpu.memory_space<vmem>>
        %scatter3A_735 = tpu.memref_squeeze %scatter3A_734 : memref<1x128x32xf32, #tpu.memory_space<vmem>> -> memref<128x32xf32, #tpu.memory_space<vmem>>
        tpu.vector_store_idx %scatter3A_735[%broadcast_in_dim3A_730, %mul3A_3], %mul3A_731 : memref<128x32xf32, #tpu.memory_space<vmem>>[vector<16xi32>, vector<16xi32>], vector<16xf32>,
        %mul3A_736 = arith.mulf %unpack3A_701, %gather3A_628 : vector<16xf32>
        %scatter3A_737 = arith.constant 0 : i32
        %scatter3A_738 = arith.constant 0 : i32
        %scatter3A_739 = tpu.memref_slice %arg11[%scan3A_96, %scatter3A_737, %scatter3A_738] : memref<4x128x32xf32, #tpu.memory_space<vmem>> -> memref<1x128x32xf32, #tpu.memory_space<vmem>>
        %scatter3A_740 = tpu.memref_squeeze %scatter3A_739 : memref<1x128x32xf32, #tpu.memory_space<vmem>> -> memref<128x32xf32, #tpu.memory_space<vmem>>
        tpu.vector_store_idx %scatter3A_740[%broadcast_in_dim3A_730, %add3A_5], %mul3A_736 : memref<128x32xf32, #tpu.memory_space<vmem>>[vector<16xi32>, vector<16xi32>], vector<16xf32>,
        %broadcast_in_dim3A_741 = vector.broadcast %add3A_605 : i32 to vector<16xi32>
        %mul3A_742 = arith.mulf %unpack3A_703, %gather3A_630 : vector<16xf32>
        %scatter3A_743 = arith.constant 0 : i32
        %scatter3A_744 = arith.constant 0 : i32
        %scatter3A_745 = tpu.memref_slice %arg11[%scan3A_96, %scatter3A_743, %scatter3A_744] : memref<4x128x32xf32, #tpu.memory_space<vmem>> -> memref<1x128x32xf32, #tpu.memory_space<vmem>>
        %scatter3A_746 = tpu.memref_squeeze %scatter3A_745 : memref<1x128x32xf32, #tpu.memory_space<vmem>> -> memref<128x32xf32, #tpu.memory_space<vmem>>
        tpu.vector_store_idx %scatter3A_746[%broadcast_in_dim3A_741, %mul3A_3], %mul3A_742 : memref<128x32xf32, #tpu.memory_space<vmem>>[vector<16xi32>, vector<16xi32>], vector<16xf32>,
        %mul3A_747 = arith.mulf %unpack3A_704, %gather3A_630 : vector<16xf32>
        %scatter3A_748 = arith.constant 0 : i32
        %scatter3A_749 = arith.constant 0 : i32
        %scatter3A_750 = tpu.memref_slice %arg11[%scan3A_96, %scatter3A_748, %scatter3A_749] : memref<4x128x32xf32, #tpu.memory_space<vmem>> -> memref<1x128x32xf32, #tpu.memory_space<vmem>>
        %scatter3A_751 = tpu.memref_squeeze %scatter3A_750 : memref<1x128x32xf32, #tpu.memory_space<vmem>> -> memref<128x32xf32, #tpu.memory_space<vmem>>
        tpu.vector_store_idx %scatter3A_751[%broadcast_in_dim3A_741, %add3A_5], %mul3A_747 : memref<128x32xf32, #tpu.memory_space<vmem>>[vector<16xi32>, vector<16xi32>], vector<16xf32>,
        %broadcast_in_dim3A_752 = vector.broadcast %add3A_609 : i32 to vector<16xi32>
        %mul3A_753 = arith.mulf %unpack3A_706, %gather3A_632 : vector<16xf32>
        %scatter3A_754 = arith.constant 0 : i32
        %scatter3A_755 = arith.constant 0 : i32
        %scatter3A_756 = tpu.memref_slice %arg11[%scan3A_96, %scatter3A_754, %scatter3A_755] : memref<4x128x32xf32, #tpu.memory_space<vmem>> -> memref<1x128x32xf32, #tpu.memory_space<vmem>>
        %scatter3A_757 = tpu.memref_squeeze %scatter3A_756 : memref<1x128x32xf32, #tpu.memory_space<vmem>> -> memref<128x32xf32, #tpu.memory_space<vmem>>
        tpu.vector_store_idx %scatter3A_757[%broadcast_in_dim3A_752, %mul3A_3], %mul3A_753 : memref<128x32xf32, #tpu.memory_space<vmem>>[vector<16xi32>, vector<16xi32>], vector<16xf32>,
        %mul3A_758 = arith.mulf %unpack3A_707, %gather3A_632 : vector<16xf32>
        %scatter3A_759 = arith.constant 0 : i32
        %scatter3A_760 = arith.constant 0 : i32
        %scatter3A_761 = tpu.memref_slice %arg11[%scan3A_96, %scatter3A_759, %scatter3A_760] : memref<4x128x32xf32, #tpu.memory_space<vmem>> -> memref<1x128x32xf32, #tpu.memory_space<vmem>>
        %scatter3A_762 = tpu.memref_squeeze %scatter3A_761 : memref<1x128x32xf32, #tpu.memory_space<vmem>> -> memref<128x32xf32, #tpu.memory_space<vmem>>
        tpu.vector_store_idx %scatter3A_762[%broadcast_in_dim3A_752, %add3A_5], %mul3A_758 : memref<128x32xf32, #tpu.memory_space<vmem>>[vector<16xi32>, vector<16xi32>], vector<16xf32>,
        %broadcast_in_dim3A_763 = vector.broadcast %add3A_613 : i32 to vector<16xi32>
        %mul3A_764 = arith.mulf %unpack3A_709, %gather3A_634 : vector<16xf32>
        %scatter3A_765 = arith.constant 0 : i32
        %scatter3A_766 = arith.constant 0 : i32
        %scatter3A_767 = tpu.memref_slice %arg11[%scan3A_96, %scatter3A_765, %scatter3A_766] : memref<4x128x32xf32, #tpu.memory_space<vmem>> -> memref<1x128x32xf32, #tpu.memory_space<vmem>>
        %scatter3A_768 = tpu.memref_squeeze %scatter3A_767 : memref<1x128x32xf32, #tpu.memory_space<vmem>> -> memref<128x32xf32, #tpu.memory_space<vmem>>
        tpu.vector_store_idx %scatter3A_768[%broadcast_in_dim3A_763, %mul3A_3], %mul3A_764 : memref<128x32xf32, #tpu.memory_space<vmem>>[vector<16xi32>, vector<16xi32>], vector<16xf32>,
        %mul3A_769 = arith.mulf %unpack3A_710, %gather3A_634 : vector<16xf32>
        %scatter3A_770 = arith.constant 0 : i32
        %scatter3A_771 = arith.constant 0 : i32
        %scatter3A_772 = tpu.memref_slice %arg11[%scan3A_96, %scatter3A_770, %scatter3A_771] : memref<4x128x32xf32, #tpu.memory_space<vmem>> -> memref<1x128x32xf32, #tpu.memory_space<vmem>>
        %scatter3A_773 = tpu.memref_squeeze %scatter3A_772 : memref<1x128x32xf32, #tpu.memory_space<vmem>> -> memref<128x32xf32, #tpu.memory_space<vmem>>
        tpu.vector_store_idx %scatter3A_773[%broadcast_in_dim3A_763, %add3A_5], %mul3A_769 : memref<128x32xf32, #tpu.memory_space<vmem>>[vector<16xi32>, vector<16xi32>], vector<16xf32>,
        %broadcast_in_dim3A_774 = vector.broadcast %add3A_617 : i32 to vector<16xi32>
        %mul3A_775 = arith.mulf %unpack3A_712, %gather3A_636 : vector<16xf32>
        %scatter3A_776 = arith.constant 0 : i32
        %scatter3A_777 = arith.constant 0 : i32
        %scatter3A_778 = tpu.memref_slice %arg11[%scan3A_96, %scatter3A_776, %scatter3A_777] : memref<4x128x32xf32, #tpu.memory_space<vmem>> -> memref<1x128x32xf32, #tpu.memory_space<vmem>>
        %scatter3A_779 = tpu.memref_squeeze %scatter3A_778 : memref<1x128x32xf32, #tpu.memory_space<vmem>> -> memref<128x32xf32, #tpu.memory_space<vmem>>
        tpu.vector_store_idx %scatter3A_779[%broadcast_in_dim3A_774, %mul3A_3], %mul3A_775 : memref<128x32xf32, #tpu.memory_space<vmem>>[vector<16xi32>, vector<16xi32>], vector<16xf32>,
        %mul3A_780 = arith.mulf %unpack3A_713, %gather3A_636 : vector<16xf32>
        %scatter3A_781 = arith.constant 0 : i32
        %scatter3A_782 = arith.constant 0 : i32
        %scatter3A_783 = tpu.memref_slice %arg11[%scan3A_96, %scatter3A_781, %scatter3A_782] : memref<4x128x32xf32, #tpu.memory_space<vmem>> -> memref<1x128x32xf32, #tpu.memory_space<vmem>>
        %scatter3A_784 = tpu.memref_squeeze %scatter3A_783 : memref<1x128x32xf32, #tpu.memory_space<vmem>> -> memref<128x32xf32, #tpu.memory_space<vmem>>
        tpu.vector_store_idx %scatter3A_784[%broadcast_in_dim3A_774, %add3A_5], %mul3A_780 : memref<128x32xf32, #tpu.memory_space<vmem>>[vector<16xi32>, vector<16xi32>], vector<16xf32>,
        %broadcast_in_dim3A_785 = vector.broadcast %add3A_621 : i32 to vector<16xi32>
        %mul3A_786 = arith.mulf %unpack3A_715, %gather3A_638 : vector<16xf32>
        %scatter3A_787 = arith.constant 0 : i32
        %scatter3A_788 = arith.constant 0 : i32
        %scatter3A_789 = tpu.memref_slice %arg11[%scan3A_96, %scatter3A_787, %scatter3A_788] : memref<4x128x32xf32, #tpu.memory_space<vmem>> -> memref<1x128x32xf32, #tpu.memory_space<vmem>>
        %scatter3A_790 = tpu.memref_squeeze %scatter3A_789 : memref<1x128x32xf32, #tpu.memory_space<vmem>> -> memref<128x32xf32, #tpu.memory_space<vmem>>
        tpu.vector_store_idx %scatter3A_790[%broadcast_in_dim3A_785, %mul3A_3], %mul3A_786 : memref<128x32xf32, #tpu.memory_space<vmem>>[vector<16xi32>, vector<16xi32>], vector<16xf32>,
        %mul3A_791 = arith.mulf %unpack3A_716, %gather3A_638 : vector<16xf32>
        %scatter3A_792 = arith.constant 0 : i32
        %scatter3A_793 = arith.constant 0 : i32
        %scatter3A_794 = tpu.memref_slice %arg11[%scan3A_96, %scatter3A_792, %scatter3A_793] : memref<4x128x32xf32, #tpu.memory_space<vmem>> -> memref<1x128x32xf32, #tpu.memory_space<vmem>>
        %scatter3A_795 = tpu.memref_squeeze %scatter3A_794 : memref<1x128x32xf32, #tpu.memory_space<vmem>> -> memref<128x32xf32, #tpu.memory_space<vmem>>
        tpu.vector_store_idx %scatter3A_795[%broadcast_in_dim3A_785, %add3A_5], %mul3A_791 : memref<128x32xf32, #tpu.memory_space<vmem>>[vector<16xi32>, vector<16xi32>], vector<16xf32>,
        %broadcast_in_dim3A_796 = vector.broadcast %add3A_625 : i32 to vector<16xi32>
        %mul3A_797 = arith.mulf %unpack3A_718, %gather3A_640 : vector<16xf32>
        %scatter3A_798 = arith.constant 0 : i32
        %scatter3A_799 = arith.constant 0 : i32
        %scatter3A_800 = tpu.memref_slice %arg11[%scan3A_96, %scatter3A_798, %scatter3A_799] : memref<4x128x32xf32, #tpu.memory_space<vmem>> -> memref<1x128x32xf32, #tpu.memory_space<vmem>>
        %scatter3A_801 = tpu.memref_squeeze %scatter3A_800 : memref<1x128x32xf32, #tpu.memory_space<vmem>> -> memref<128x32xf32, #tpu.memory_space<vmem>>
        tpu.vector_store_idx %scatter3A_801[%broadcast_in_dim3A_796, %mul3A_3], %mul3A_797 : memref<128x32xf32, #tpu.memory_space<vmem>>[vector<16xi32>, vector<16xi32>], vector<16xf32>,
        %mul3A_802 = arith.mulf %unpack3A_719, %gather3A_640 : vector<16xf32>
        %scatter3A_803 = arith.constant 0 : i32
        %scatter3A_804 = arith.constant 0 : i32
        %scatter3A_805 = tpu.memref_slice %arg11[%scan3A_96, %scatter3A_803, %scatter3A_804] : memref<4x128x32xf32, #tpu.memory_space<vmem>> -> memref<1x128x32xf32, #tpu.memory_space<vmem>>
        %scatter3A_806 = tpu.memref_squeeze %scatter3A_805 : memref<1x128x32xf32, #tpu.memory_space<vmem>> -> memref<128x32xf32, #tpu.memory_space<vmem>>
        tpu.vector_store_idx %scatter3A_806[%broadcast_in_dim3A_796, %add3A_5], %mul3A_802 : memref<128x32xf32, #tpu.memory_space<vmem>>[vector<16xi32>, vector<16xi32>], vector<16xf32>,
        %scan3A_807 = arith.constant 0 : i32
        scf.yield %scan3A_807 : i32
      }
      %scan3A_388 = arith.constant 16 : i32
      %dma_start3A_389 = arith.constant 0 : i32
      %dma_start3A_390 = arith.constant 0 : i32
      %dma_start3A_391 = tpu.memref_slice %arg11[%scan3A_96, %dma_start3A_389, %dma_start3A_390] : memref<4x128x32xf32, #tpu.memory_space<vmem>> -> memref<1x128x32xf32, #tpu.memory_space<vmem>>
      %dma_start3A_392 = tpu.memref_squeeze %dma_start3A_391 : memref<1x128x32xf32, #tpu.memory_space<vmem>> -> memref<128x32xf32, #tpu.memory_space<vmem>>
      %dma_start3A_393 = arith.constant 0 : i32
      %dma_start3A_394 = tpu.memref_slice %arg8[%add3A_306, %dma_start3A_393] : memref<160x128xi32, #tpu.memory_space<vmem>> -> memref<1x128xi32, #tpu.memory_space<vmem>>
      %dma_start3A_395 = tpu.memref_squeeze %dma_start3A_394 : memref<1x128xi32, #tpu.memory_space<vmem>> -> memref<128xi32, #tpu.memory_space<vmem>>
      %dma_start3A_396 = arith.constant 0 : i32
      %dma_start3A_397 = arith.constant 0 : i32
      %dma_start3A_398 = tpu.memref_slice %arg14[%dma_start3A_396, %dma_start3A_397] : memref<10112x32xf32, #tpu.memory_space<vmem_shared>> -> memref<10112x32xf32, #tpu.memory_space<vmem_shared>>
      tpu.enqueue_indirect_dma source(%dma_start3A_392 : memref<128x32xf32, #tpu.memory_space<vmem>>) target(%dma_start3A_398 : memref<10112x32xf32, #tpu.memory_space<vmem_shared>>) offsets(%dma_start3A_395 : memref<128xi32, #tpu.memory_space<vmem>>) semaphore(%arg21 : memref<!tpu.dma_semaphore, #tpu.memory_space<semaphore_mem>>) {add = true}
      %mul3A_399 = arith.constant 4 : i32
      %mul3A_400 = arith.muli %mul3A_399, %scan3A_212 : i32
      %add3A_401 = arith.constant 2 : i32
      %add3A_402 = arith.addi %mul3A_400, %add3A_401 : i32
      %dma_wait3A_403 = arith.constant 0 : i32
      %dma_wait3A_404 = arith.constant 0 : i32
      %dma_wait3A_405 = tpu.memref_slice %arg10[%scan3A_97, %dma_wait3A_403, %dma_wait3A_404] : memref<4x128x16xi32, #tpu.memory_space<vmem>> -> memref<1x128x16xi32, #tpu.memory_space<vmem>>
      %dma_wait3A_406 = tpu.memref_squeeze %dma_wait3A_405 : memref<1x128x16xi32, #tpu.memory_space<vmem>> -> memref<128x16xi32, #tpu.memory_space<vmem>>
      %dma_wait3A_407 = arith.constant 0 : i32
      %dma_wait3A_408 = tpu.memref_slice %arg7[%add3A_402, %dma_wait3A_407] : memref<160x128xi32, #tpu.memory_space<vmem>> -> memref<1x128xi32, #tpu.memory_space<vmem>>
      %dma_wait3A_409 = tpu.memref_squeeze %dma_wait3A_408 : memref<1x128xi32, #tpu.memory_space<vmem>> -> memref<128xi32, #tpu.memory_space<vmem>>
      %dma_wait3A_410 = arith.constant 0 : i32
      %dma_wait3A_411 = arith.constant 0 : i32
      %dma_wait3A_412 = tpu.memref_slice %arg15[%dma_wait3A_410, %dma_wait3A_411] : memref<10112x16xi32, #tpu.memory_space<vmem_shared>> -> memref<10112x16xi32, #tpu.memory_space<vmem_shared>>
      tpu.wait_indirect_dma semaphore(%arg18 : memref<!tpu.dma_semaphore, #tpu.memory_space<semaphore_mem>>) src(%dma_wait3A_412 : memref<10112x16xi32, #tpu.memory_space<vmem_shared>>) dst(%dma_wait3A_406 : memref<128x16xi32, #tpu.memory_space<vmem>>)
      %add3A_413 = arith.constant 4 : i32
      %add3A_414 = arith.addi %add3A_402, %add3A_413 : i32
      %sub3A_415 = arith.constant 1 : i32
      %sub3A_416 = arith.subi %add3A_414, %sub3A_415 : i32
      %min3A_417 = arith.constant 159 : i32
      %min3A_418 = arith.minsi %sub3A_416, %min3A_417 : i32
      %dma_start3A_419 = arith.constant 0 : i32
      %dma_start3A_420 = arith.constant 0 : i32
      %dma_start3A_421 = tpu.memref_slice %arg10[%scan3A_95, %dma_start3A_419, %dma_start3A_420] : memref<4x128x16xi32, #tpu.memory_space<vmem>> -> memref<1x128x16xi32, #tpu.memory_space<vmem>>
      %dma_start3A_422 = tpu.memref_squeeze %dma_start3A_421 : memref<1x128x16xi32, #tpu.memory_space<vmem>> -> memref<128x16xi32, #tpu.memory_space<vmem>>
      %dma_start3A_423 = arith.constant 0 : i32
      %dma_start3A_424 = tpu.memref_slice %arg7[%min3A_418, %dma_start3A_423] : memref<160x128xi32, #tpu.memory_space<vmem>> -> memref<1x128xi32, #tpu.memory_space<vmem>>
      %dma_start3A_425 = tpu.memref_squeeze %dma_start3A_424 : memref<1x128xi32, #tpu.memory_space<vmem>> -> memref<128xi32, #tpu.memory_space<vmem>>
      %dma_start3A_426 = arith.constant 0 : i32
      %dma_start3A_427 = arith.constant 0 : i32
      %dma_start3A_428 = tpu.memref_slice %arg15[%dma_start3A_426, %dma_start3A_427] : memref<10112x16xi32, #tpu.memory_space<vmem_shared>> -> memref<10112x16xi32, #tpu.memory_space<vmem_shared>>
      tpu.enqueue_indirect_dma source(%dma_start3A_428 : memref<10112x16xi32, #tpu.memory_space<vmem_shared>>) target(%dma_start3A_422 : memref<128x16xi32, #tpu.memory_space<vmem>>) offsets(%dma_start3A_425 : memref<128xi32, #tpu.memory_space<vmem>>) semaphore(%arg17 : memref<!tpu.dma_semaphore, #tpu.memory_space<semaphore_mem>>)
      %gt3A_429 = arith.constant 0 : i32
      %gt3A_430 = arith.cmpi sgt, %scan3A_212, %gt3A_429 : i32
      %convert_element_type3A_431 = arith.extui %gt3A_430 : i1 to i32
      %cond3A_432 = arith.constant 0 : i32
      %cond3A_433 = arith.cmpi ne, %convert_element_type3A_431, %cond3A_432 : i32
      scf.if %cond3A_433 {
        %dma_wait3A_592 = arith.constant 0 : i32
        %dma_wait3A_593 = arith.constant 0 : i32
        %dma_wait3A_594 = tpu.memref_slice %arg11[%scan3A_98, %dma_wait3A_592, %dma_wait3A_593] : memref<4x128x32xf32, #tpu.memory_space<vmem>> -> memref<1x128x32xf32, #tpu.memory_space<vmem>>
        %dma_wait3A_595 = tpu.memref_squeeze %dma_wait3A_594 : memref<1x128x32xf32, #tpu.memory_space<vmem>> -> memref<128x32xf32, #tpu.memory_space<vmem>>
        %dma_wait3A_596 = arith.constant 0 : i32
        %dma_wait3A_597 = tpu.memref_slice %arg8[%add3A_402, %dma_wait3A_596] : memref<160x128xi32, #tpu.memory_space<vmem>> -> memref<1x128xi32, #tpu.memory_space<vmem>>
        %dma_wait3A_598 = tpu.memref_squeeze %dma_wait3A_597 : memref<1x128xi32, #tpu.memory_space<vmem>> -> memref<128xi32, #tpu.memory_space<vmem>>
        %dma_wait3A_599 = arith.constant 0 : i32
        %dma_wait3A_600 = arith.constant 0 : i32
        %dma_wait3A_601 = tpu.memref_slice %arg14[%dma_wait3A_599, %dma_wait3A_600] : memref<10112x32xf32, #tpu.memory_space<vmem_shared>> -> memref<10112x32xf32, #tpu.memory_space<vmem_shared>>
        tpu.wait_indirect_dma semaphore(%arg22 : memref<!tpu.dma_semaphore, #tpu.memory_space<semaphore_mem>>) src(%dma_wait3A_595 : memref<128x32xf32, #tpu.memory_space<vmem>>) dst(%dma_wait3A_601 : memref<10112x32xf32, #tpu.memory_space<vmem_shared>>)
      } else {
      }
      %get3A_434 = arith.index_cast %add3A_402 : i32 to index
      %get3A_435 = arith.constant 0 : index
      %get3A_436 = tpu.vector_load %arg9[%get3A_434, %get3A_435] {strides = array<i32>} : memref<160x128xbf16, #tpu.memory_space<vmem>>, vector<32xbf16>,
      %unpack3A_437 = tpu.unpack_subelements %get3A_436, 0 {pack_format = #tpu.pack_format<interleaved>} : vector<32xbf16> -> vector<16xf32>
      %unpack3A_438 = tpu.unpack_subelements %get3A_436, 1 {pack_format = #tpu.pack_format<interleaved>} : vector<32xbf16> -> vector<16xf32>
      %add3A_439 = arith.constant 0 : i32
      %add3A_440 = vector.broadcast %add3A_439 : i32 to vector<16xi32>
      %add3A_441 = arith.addi %mul3A_3, %add3A_440 : vector<16xi32>
      tpu.vector_store_idx %arg13[%add3A_441], %unpack3A_437 : memref<128xf32, #tpu.memory_space<vmem>>[vector<16xi32>], vector<16xf32>,
      %add3A_442 = arith.constant 0 : i32
      %add3A_443 = vector.broadcast %add3A_442 : i32 to vector<16xi32>
      %add3A_444 = arith.addi %add3A_5, %add3A_443 : vector<16xi32>
      tpu.vector_store_idx %arg13[%add3A_444], %unpack3A_438 : memref<128xf32, #tpu.memory_space<vmem>>[vector<16xi32>], vector<16xf32>,
      %get3A_445 = arith.index_cast %add3A_402 : i32 to index
      %get3A_446 = arith.constant 32 : index
      %get3A_447 = tpu.vector_load %arg9[%get3A_445, %get3A_446] {strides = array<i32>} : memref<160x128xbf16, #tpu.memory_space<vmem>>, vector<32xbf16>,
      %unpack3A_448 = tpu.unpack_subelements %get3A_447, 0 {pack_format = #tpu.pack_format<interleaved>} : vector<32xbf16> -> vector<16xf32>
      %unpack3A_449 = tpu.unpack_subelements %get3A_447, 1 {pack_format = #tpu.pack_format<interleaved>} : vector<32xbf16> -> vector<16xf32>
      %add3A_450 = arith.constant 32 : i32
      %add3A_451 = vector.broadcast %add3A_450 : i32 to vector<16xi32>
      %add3A_452 = arith.addi %mul3A_3, %add3A_451 : vector<16xi32>
      tpu.vector_store_idx %arg13[%add3A_452], %unpack3A_448 : memref<128xf32, #tpu.memory_space<vmem>>[vector<16xi32>], vector<16xf32>,
      %add3A_453 = arith.constant 32 : i32
      %add3A_454 = vector.broadcast %add3A_453 : i32 to vector<16xi32>
      %add3A_455 = arith.addi %add3A_5, %add3A_454 : vector<16xi32>
      tpu.vector_store_idx %arg13[%add3A_455], %unpack3A_449 : memref<128xf32, #tpu.memory_space<vmem>>[vector<16xi32>], vector<16xf32>,
      %get3A_456 = arith.index_cast %add3A_402 : i32 to index
      %get3A_457 = arith.constant 64 : index
      %get3A_458 = tpu.vector_load %arg9[%get3A_456, %get3A_457] {strides = array<i32>} : memref<160x128xbf16, #tpu.memory_space<vmem>>, vector<32xbf16>,
      %unpack3A_459 = tpu.unpack_subelements %get3A_458, 0 {pack_format = #tpu.pack_format<interleaved>} : vector<32xbf16> -> vector<16xf32>
      %unpack3A_460 = tpu.unpack_subelements %get3A_458, 1 {pack_format = #tpu.pack_format<interleaved>} : vector<32xbf16> -> vector<16xf32>
      %add3A_461 = arith.constant 64 : i32
      %add3A_462 = vector.broadcast %add3A_461 : i32 to vector<16xi32>
      %add3A_463 = arith.addi %mul3A_3, %add3A_462 : vector<16xi32>
      tpu.vector_store_idx %arg13[%add3A_463], %unpack3A_459 : memref<128xf32, #tpu.memory_space<vmem>>[vector<16xi32>], vector<16xf32>,
      %add3A_464 = arith.constant 64 : i32
      %add3A_465 = vector.broadcast %add3A_464 : i32 to vector<16xi32>
      %add3A_466 = arith.addi %add3A_5, %add3A_465 : vector<16xi32>
      tpu.vector_store_idx %arg13[%add3A_466], %unpack3A_460 : memref<128xf32, #tpu.memory_space<vmem>>[vector<16xi32>], vector<16xf32>,
      %get3A_467 = arith.index_cast %add3A_402 : i32 to index
      %get3A_468 = arith.constant 96 : index
      %get3A_469 = tpu.vector_load %arg9[%get3A_467, %get3A_468] {strides = array<i32>} : memref<160x128xbf16, #tpu.memory_space<vmem>>, vector<32xbf16>,
      %unpack3A_470 = tpu.unpack_subelements %get3A_469, 0 {pack_format = #tpu.pack_format<interleaved>} : vector<32xbf16> -> vector<16xf32>
      %unpack3A_471 = tpu.unpack_subelements %get3A_469, 1 {pack_format = #tpu.pack_format<interleaved>} : vector<32xbf16> -> vector<16xf32>
      %add3A_472 = arith.constant 96 : i32
      %add3A_473 = vector.broadcast %add3A_472 : i32 to vector<16xi32>
      %add3A_474 = arith.addi %mul3A_3, %add3A_473 : vector<16xi32>
      tpu.vector_store_idx %arg13[%add3A_474], %unpack3A_470 : memref<128xf32, #tpu.memory_space<vmem>>[vector<16xi32>], vector<16xf32>,
      %add3A_475 = arith.constant 96 : i32
      %add3A_476 = vector.broadcast %add3A_475 : i32 to vector<16xi32>
      %add3A_477 = arith.addi %add3A_5, %add3A_476 : vector<16xi32>
      tpu.vector_store_idx %arg13[%add3A_477], %unpack3A_471 : memref<128xf32, #tpu.memory_space<vmem>>[vector<16xi32>], vector<16xf32>,
      %scan3A_478 = arith.constant 0 : i32
      %scan3A_479 = arith.constant 0 : i32
      %scan3A_480 = arith.constant 16 : i32
      %scan3A_481 = arith.addi %scan3A_479, %scan3A_480 : i32
      %scan3A_482 = arith.constant 1 : i32
      %scan3A_483 = scf.for %scan3A_592 = %scan3A_479 to %scan3A_481 step %scan3A_482 iter_args(%scan3A_593 = %scan3A_478) -> (i32)  : i32 {
        %mul3A_594 = arith.constant 8 : i32
        %mul3A_595 = arith.muli %scan3A_592, %mul3A_594 : i32
        %add3A_596 = arith.constant 0 : i32
        %add3A_597 = arith.addi %mul3A_595, %add3A_596 : i32
        %mul3A_598 = arith.constant 8 : i32
        %mul3A_599 = arith.muli %scan3A_592, %mul3A_598 : i32
        %add3A_600 = arith.constant 1 : i32
        %add3A_601 = arith.addi %mul3A_599, %add3A_600 : i32
        %mul3A_602 = arith.constant 8 : i32
        %mul3A_603 = arith.muli %scan3A_592, %mul3A_602 : i32
        %add3A_604 = arith.constant 2 : i32
        %add3A_605 = arith.addi %mul3A_603, %add3A_604 : i32
        %mul3A_606 = arith.constant 8 : i32
        %mul3A_607 = arith.muli %scan3A_592, %mul3A_606 : i32
        %add3A_608 = arith.constant 3 : i32
        %add3A_609 = arith.addi %mul3A_607, %add3A_608 : i32
        %mul3A_610 = arith.constant 8 : i32
        %mul3A_611 = arith.muli %scan3A_592, %mul3A_610 : i32
        %add3A_612 = arith.constant 4 : i32
        %add3A_613 = arith.addi %mul3A_611, %add3A_612 : i32
        %mul3A_614 = arith.constant 8 : i32
        %mul3A_615 = arith.muli %scan3A_592, %mul3A_614 : i32
        %add3A_616 = arith.constant 5 : i32
        %add3A_617 = arith.addi %mul3A_615, %add3A_616 : i32
        %mul3A_618 = arith.constant 8 : i32
        %mul3A_619 = arith.muli %scan3A_592, %mul3A_618 : i32
        %add3A_620 = arith.constant 6 : i32
        %add3A_621 = arith.addi %mul3A_619, %add3A_620 : i32
        %mul3A_622 = arith.constant 8 : i32
        %mul3A_623 = arith.muli %scan3A_592, %mul3A_622 : i32
        %add3A_624 = arith.constant 7 : i32
        %add3A_625 = arith.addi %mul3A_623, %add3A_624 : i32
        %broadcast_in_dim3A_626 = vector.broadcast %add3A_597 : i32 to vector<16xi32>
        %gather3A = tpu.vector_load_idx %arg13[%broadcast_in_dim3A_626] : memref<128xf32, #tpu.memory_space<vmem>>[vector<16xi32>], vector<16xf32>,
        %broadcast_in_dim3A_627 = vector.broadcast %add3A_601 : i32 to vector<16xi32>
        %gather3A_628 = tpu.vector_load_idx %arg13[%broadcast_in_dim3A_627] : memref<128xf32, #tpu.memory_space<vmem>>[vector<16xi32>], vector<16xf32>,
        %broadcast_in_dim3A_629 = vector.broadcast %add3A_605 : i32 to vector<16xi32>
        %gather3A_630 = tpu.vector_load_idx %arg13[%broadcast_in_dim3A_629] : memref<128xf32, #tpu.memory_space<vmem>>[vector<16xi32>], vector<16xf32>,
        %broadcast_in_dim3A_631 = vector.broadcast %add3A_609 : i32 to vector<16xi32>
        %gather3A_632 = tpu.vector_load_idx %arg13[%broadcast_in_dim3A_631] : memref<128xf32, #tpu.memory_space<vmem>>[vector<16xi32>], vector<16xf32>,
        %broadcast_in_dim3A_633 = vector.broadcast %add3A_613 : i32 to vector<16xi32>
        %gather3A_634 = tpu.vector_load_idx %arg13[%broadcast_in_dim3A_633] : memref<128xf32, #tpu.memory_space<vmem>>[vector<16xi32>], vector<16xf32>,
        %broadcast_in_dim3A_635 = vector.broadcast %add3A_617 : i32 to vector<16xi32>
        %gather3A_636 = tpu.vector_load_idx %arg13[%broadcast_in_dim3A_635] : memref<128xf32, #tpu.memory_space<vmem>>[vector<16xi32>], vector<16xf32>,
        %broadcast_in_dim3A_637 = vector.broadcast %add3A_621 : i32 to vector<16xi32>
        %gather3A_638 = tpu.vector_load_idx %arg13[%broadcast_in_dim3A_637] : memref<128xf32, #tpu.memory_space<vmem>>[vector<16xi32>], vector<16xf32>,
        %broadcast_in_dim3A_639 = vector.broadcast %add3A_625 : i32 to vector<16xi32>
        %gather3A_640 = tpu.vector_load_idx %arg13[%broadcast_in_dim3A_639] : memref<128xf32, #tpu.memory_space<vmem>>[vector<16xi32>], vector<16xf32>,
        %get3A_641 = arith.constant 0 : i32
        %get3A_642 = arith.constant 0 : i32
        %get3A_643 = tpu.memref_slice %arg10[%scan3A_97, %get3A_641, %get3A_642] : memref<4x128x16xi32, #tpu.memory_space<vmem>> -> memref<1x128x16xi32, #tpu.memory_space<vmem>>
        %get3A_644 = tpu.memref_squeeze %get3A_643 : memref<1x128x16xi32, #tpu.memory_space<vmem>> -> memref<128x16xi32, #tpu.memory_space<vmem>>
        %get3A_645 = arith.index_cast %add3A_597 : i32 to index
        %get3A_646 = arith.constant 0 : index
        %get3A_647 = tpu.vector_load %get3A_644[%get3A_645, %get3A_646] {strides = array<i32>} : memref<128x16xi32, #tpu.memory_space<vmem>>, vector<16xi32>,
        %get3A_648 = arith.constant 0 : i32
        %get3A_649 = arith.constant 0 : i32
        %get3A_650 = tpu.memref_slice %arg10[%scan3A_97, %get3A_648, %get3A_649] : memref<4x128x16xi32, #tpu.memory_space<vmem>> -> memref<1x128x16xi32, #tpu.memory_space<vmem>>
        %get3A_651 = tpu.memref_squeeze %get3A_650 : memref<1x128x16xi32, #tpu.memory_space<vmem>> -> memref<128x16xi32, #tpu.memory_space<vmem>>
        %get3A_652 = arith.index_cast %add3A_601 : i32 to index
        %get3A_653 = arith.constant 0 : index
        %get3A_654 = tpu.vector_load %get3A_651[%get3A_652, %get3A_653] {strides = array<i32>} : memref<128x16xi32, #tpu.memory_space<vmem>>, vector<16xi32>,
        %get3A_655 = arith.constant 0 : i32
        %get3A_656 = arith.constant 0 : i32
        %get3A_657 = tpu.memref_slice %arg10[%scan3A_97, %get3A_655, %get3A_656] : memref<4x128x16xi32, #tpu.memory_space<vmem>> -> memref<1x128x16xi32, #tpu.memory_space<vmem>>
        %get3A_658 = tpu.memref_squeeze %get3A_657 : memref<1x128x16xi32, #tpu.memory_space<vmem>> -> memref<128x16xi32, #tpu.memory_space<vmem>>
        %get3A_659 = arith.index_cast %add3A_605 : i32 to index
        %get3A_660 = arith.constant 0 : index
        %get3A_661 = tpu.vector_load %get3A_658[%get3A_659, %get3A_660] {strides = array<i32>} : memref<128x16xi32, #tpu.memory_space<vmem>>, vector<16xi32>,
        %get3A_662 = arith.constant 0 : i32
        %get3A_663 = arith.constant 0 : i32
        %get3A_664 = tpu.memref_slice %arg10[%scan3A_97, %get3A_662, %get3A_663] : memref<4x128x16xi32, #tpu.memory_space<vmem>> -> memref<1x128x16xi32, #tpu.memory_space<vmem>>
        %get3A_665 = tpu.memref_squeeze %get3A_664 : memref<1x128x16xi32, #tpu.memory_space<vmem>> -> memref<128x16xi32, #tpu.memory_space<vmem>>
        %get3A_666 = arith.index_cast %add3A_609 : i32 to index
        %get3A_667 = arith.constant 0 : index
        %get3A_668 = tpu.vector_load %get3A_665[%get3A_666, %get3A_667] {strides = array<i32>} : memref<128x16xi32, #tpu.memory_space<vmem>>, vector<16xi32>,
        %get3A_669 = arith.constant 0 : i32
        %get3A_670 = arith.constant 0 : i32
        %get3A_671 = tpu.memref_slice %arg10[%scan3A_97, %get3A_669, %get3A_670] : memref<4x128x16xi32, #tpu.memory_space<vmem>> -> memref<1x128x16xi32, #tpu.memory_space<vmem>>
        %get3A_672 = tpu.memref_squeeze %get3A_671 : memref<1x128x16xi32, #tpu.memory_space<vmem>> -> memref<128x16xi32, #tpu.memory_space<vmem>>
        %get3A_673 = arith.index_cast %add3A_613 : i32 to index
        %get3A_674 = arith.constant 0 : index
        %get3A_675 = tpu.vector_load %get3A_672[%get3A_673, %get3A_674] {strides = array<i32>} : memref<128x16xi32, #tpu.memory_space<vmem>>, vector<16xi32>,
        %get3A_676 = arith.constant 0 : i32
        %get3A_677 = arith.constant 0 : i32
        %get3A_678 = tpu.memref_slice %arg10[%scan3A_97, %get3A_676, %get3A_677] : memref<4x128x16xi32, #tpu.memory_space<vmem>> -> memref<1x128x16xi32, #tpu.memory_space<vmem>>
        %get3A_679 = tpu.memref_squeeze %get3A_678 : memref<1x128x16xi32, #tpu.memory_space<vmem>> -> memref<128x16xi32, #tpu.memory_space<vmem>>
        %get3A_680 = arith.index_cast %add3A_617 : i32 to index
        %get3A_681 = arith.constant 0 : index
        %get3A_682 = tpu.vector_load %get3A_679[%get3A_680, %get3A_681] {strides = array<i32>} : memref<128x16xi32, #tpu.memory_space<vmem>>, vector<16xi32>,
        %get3A_683 = arith.constant 0 : i32
        %get3A_684 = arith.constant 0 : i32
        %get3A_685 = tpu.memref_slice %arg10[%scan3A_97, %get3A_683, %get3A_684] : memref<4x128x16xi32, #tpu.memory_space<vmem>> -> memref<1x128x16xi32, #tpu.memory_space<vmem>>
        %get3A_686 = tpu.memref_squeeze %get3A_685 : memref<1x128x16xi32, #tpu.memory_space<vmem>> -> memref<128x16xi32, #tpu.memory_space<vmem>>
        %get3A_687 = arith.index_cast %add3A_621 : i32 to index
        %get3A_688 = arith.constant 0 : index
        %get3A_689 = tpu.vector_load %get3A_686[%get3A_687, %get3A_688] {strides = array<i32>} : memref<128x16xi32, #tpu.memory_space<vmem>>, vector<16xi32>,
        %get3A_690 = arith.constant 0 : i32
        %get3A_691 = arith.constant 0 : i32
        %get3A_692 = tpu.memref_slice %arg10[%scan3A_97, %get3A_690, %get3A_691] : memref<4x128x16xi32, #tpu.memory_space<vmem>> -> memref<1x128x16xi32, #tpu.memory_space<vmem>>
        %get3A_693 = tpu.memref_squeeze %get3A_692 : memref<1x128x16xi32, #tpu.memory_space<vmem>> -> memref<128x16xi32, #tpu.memory_space<vmem>>
        %get3A_694 = arith.index_cast %add3A_625 : i32 to index
        %get3A_695 = arith.constant 0 : index
        %get3A_696 = tpu.vector_load %get3A_693[%get3A_694, %get3A_695] {strides = array<i32>} : memref<128x16xi32, #tpu.memory_space<vmem>>, vector<16xi32>,
        %bitcast3A = vector.bitcast %get3A_647 : vector<16xi32> to vector<32xbf16>
        %unpack3A_697 = tpu.unpack_subelements %bitcast3A, 0 {pack_format = #tpu.pack_format<interleaved>} : vector<32xbf16> -> vector<16xf32>
        %unpack3A_698 = tpu.unpack_subelements %bitcast3A, 1 {pack_format = #tpu.pack_format<interleaved>} : vector<32xbf16> -> vector<16xf32>
        %bitcast3A_699 = vector.bitcast %get3A_654 : vector<16xi32> to vector<32xbf16>
        %unpack3A_700 = tpu.unpack_subelements %bitcast3A_699, 0 {pack_format = #tpu.pack_format<interleaved>} : vector<32xbf16> -> vector<16xf32>
        %unpack3A_701 = tpu.unpack_subelements %bitcast3A_699, 1 {pack_format = #tpu.pack_format<interleaved>} : vector<32xbf16> -> vector<16xf32>
        %bitcast3A_702 = vector.bitcast %get3A_661 : vector<16xi32> to vector<32xbf16>
        %unpack3A_703 = tpu.unpack_subelements %bitcast3A_702, 0 {pack_format = #tpu.pack_format<interleaved>} : vector<32xbf16> -> vector<16xf32>
        %unpack3A_704 = tpu.unpack_subelements %bitcast3A_702, 1 {pack_format = #tpu.pack_format<interleaved>} : vector<32xbf16> -> vector<16xf32>
        %bitcast3A_705 = vector.bitcast %get3A_668 : vector<16xi32> to vector<32xbf16>
        %unpack3A_706 = tpu.unpack_subelements %bitcast3A_705, 0 {pack_format = #tpu.pack_format<interleaved>} : vector<32xbf16> -> vector<16xf32>
        %unpack3A_707 = tpu.unpack_subelements %bitcast3A_705, 1 {pack_format = #tpu.pack_format<interleaved>} : vector<32xbf16> -> vector<16xf32>
        %bitcast3A_708 = vector.bitcast %get3A_675 : vector<16xi32> to vector<32xbf16>
        %unpack3A_709 = tpu.unpack_subelements %bitcast3A_708, 0 {pack_format = #tpu.pack_format<interleaved>} : vector<32xbf16> -> vector<16xf32>
        %unpack3A_710 = tpu.unpack_subelements %bitcast3A_708, 1 {pack_format = #tpu.pack_format<interleaved>} : vector<32xbf16> -> vector<16xf32>
        %bitcast3A_711 = vector.bitcast %get3A_682 : vector<16xi32> to vector<32xbf16>
        %unpack3A_712 = tpu.unpack_subelements %bitcast3A_711, 0 {pack_format = #tpu.pack_format<interleaved>} : vector<32xbf16> -> vector<16xf32>
        %unpack3A_713 = tpu.unpack_subelements %bitcast3A_711, 1 {pack_format = #tpu.pack_format<interleaved>} : vector<32xbf16> -> vector<16xf32>
        %bitcast3A_714 = vector.bitcast %get3A_689 : vector<16xi32> to vector<32xbf16>
        %unpack3A_715 = tpu.unpack_subelements %bitcast3A_714, 0 {pack_format = #tpu.pack_format<interleaved>} : vector<32xbf16> -> vector<16xf32>
        %unpack3A_716 = tpu.unpack_subelements %bitcast3A_714, 1 {pack_format = #tpu.pack_format<interleaved>} : vector<32xbf16> -> vector<16xf32>
        %bitcast3A_717 = vector.bitcast %get3A_696 : vector<16xi32> to vector<32xbf16>
        %unpack3A_718 = tpu.unpack_subelements %bitcast3A_717, 0 {pack_format = #tpu.pack_format<interleaved>} : vector<32xbf16> -> vector<16xf32>
        %unpack3A_719 = tpu.unpack_subelements %bitcast3A_717, 1 {pack_format = #tpu.pack_format<interleaved>} : vector<32xbf16> -> vector<16xf32>
        %broadcast_in_dim3A_720 = vector.broadcast %add3A_597 : i32 to vector<16xi32>
        %mul3A_721 = arith.mulf %unpack3A_697, %gather3A : vector<16xf32>
        %scatter3A = arith.constant 0 : i32
        %scatter3A_722 = arith.constant 0 : i32
        %scatter3A_723 = tpu.memref_slice %arg11[%scan3A_98, %scatter3A, %scatter3A_722] : memref<4x128x32xf32, #tpu.memory_space<vmem>> -> memref<1x128x32xf32, #tpu.memory_space<vmem>>
        %scatter3A_724 = tpu.memref_squeeze %scatter3A_723 : memref<1x128x32xf32, #tpu.memory_space<vmem>> -> memref<128x32xf32, #tpu.memory_space<vmem>>
        tpu.vector_store_idx %scatter3A_724[%broadcast_in_dim3A_720, %mul3A_3], %mul3A_721 : memref<128x32xf32, #tpu.memory_space<vmem>>[vector<16xi32>, vector<16xi32>], vector<16xf32>,
        %mul3A_725 = arith.mulf %unpack3A_698, %gather3A : vector<16xf32>
        %scatter3A_726 = arith.constant 0 : i32
        %scatter3A_727 = arith.constant 0 : i32
        %scatter3A_728 = tpu.memref_slice %arg11[%scan3A_98, %scatter3A_726, %scatter3A_727] : memref<4x128x32xf32, #tpu.memory_space<vmem>> -> memref<1x128x32xf32, #tpu.memory_space<vmem>>
        %scatter3A_729 = tpu.memref_squeeze %scatter3A_728 : memref<1x128x32xf32, #tpu.memory_space<vmem>> -> memref<128x32xf32, #tpu.memory_space<vmem>>
        tpu.vector_store_idx %scatter3A_729[%broadcast_in_dim3A_720, %add3A_5], %mul3A_725 : memref<128x32xf32, #tpu.memory_space<vmem>>[vector<16xi32>, vector<16xi32>], vector<16xf32>,
        %broadcast_in_dim3A_730 = vector.broadcast %add3A_601 : i32 to vector<16xi32>
        %mul3A_731 = arith.mulf %unpack3A_700, %gather3A_628 : vector<16xf32>
        %scatter3A_732 = arith.constant 0 : i32
        %scatter3A_733 = arith.constant 0 : i32
        %scatter3A_734 = tpu.memref_slice %arg11[%scan3A_98, %scatter3A_732, %scatter3A_733] : memref<4x128x32xf32, #tpu.memory_space<vmem>> -> memref<1x128x32xf32, #tpu.memory_space<vmem>>
        %scatter3A_735 = tpu.memref_squeeze %scatter3A_734 : memref<1x128x32xf32, #tpu.memory_space<vmem>> -> memref<128x32xf32, #tpu.memory_space<vmem>>
        tpu.vector_store_idx %scatter3A_735[%broadcast_in_dim3A_730, %mul3A_3], %mul3A_731 : memref<128x32xf32, #tpu.memory_space<vmem>>[vector<16xi32>, vector<16xi32>], vector<16xf32>,
        %mul3A_736 = arith.mulf %unpack3A_701, %gather3A_628 : vector<16xf32>
        %scatter3A_737 = arith.constant 0 : i32
        %scatter3A_738 = arith.constant 0 : i32
        %scatter3A_739 = tpu.memref_slice %arg11[%scan3A_98, %scatter3A_737, %scatter3A_738] : memref<4x128x32xf32, #tpu.memory_space<vmem>> -> memref<1x128x32xf32, #tpu.memory_space<vmem>>
        %scatter3A_740 = tpu.memref_squeeze %scatter3A_739 : memref<1x128x32xf32, #tpu.memory_space<vmem>> -> memref<128x32xf32, #tpu.memory_space<vmem>>
        tpu.vector_store_idx %scatter3A_740[%broadcast_in_dim3A_730, %add3A_5], %mul3A_736 : memref<128x32xf32, #tpu.memory_space<vmem>>[vector<16xi32>, vector<16xi32>], vector<16xf32>,
        %broadcast_in_dim3A_741 = vector.broadcast %add3A_605 : i32 to vector<16xi32>
        %mul3A_742 = arith.mulf %unpack3A_703, %gather3A_630 : vector<16xf32>
        %scatter3A_743 = arith.constant 0 : i32
        %scatter3A_744 = arith.constant 0 : i32
        %scatter3A_745 = tpu.memref_slice %arg11[%scan3A_98, %scatter3A_743, %scatter3A_744] : memref<4x128x32xf32, #tpu.memory_space<vmem>> -> memref<1x128x32xf32, #tpu.memory_space<vmem>>
        %scatter3A_746 = tpu.memref_squeeze %scatter3A_745 : memref<1x128x32xf32, #tpu.memory_space<vmem>> -> memref<128x32xf32, #tpu.memory_space<vmem>>
        tpu.vector_store_idx %scatter3A_746[%broadcast_in_dim3A_741, %mul3A_3], %mul3A_742 : memref<128x32xf32, #tpu.memory_space<vmem>>[vector<16xi32>, vector<16xi32>], vector<16xf32>,
        %mul3A_747 = arith.mulf %unpack3A_704, %gather3A_630 : vector<16xf32>
        %scatter3A_748 = arith.constant 0 : i32
        %scatter3A_749 = arith.constant 0 : i32
        %scatter3A_750 = tpu.memref_slice %arg11[%scan3A_98, %scatter3A_748, %scatter3A_749] : memref<4x128x32xf32, #tpu.memory_space<vmem>> -> memref<1x128x32xf32, #tpu.memory_space<vmem>>
        %scatter3A_751 = tpu.memref_squeeze %scatter3A_750 : memref<1x128x32xf32, #tpu.memory_space<vmem>> -> memref<128x32xf32, #tpu.memory_space<vmem>>
        tpu.vector_store_idx %scatter3A_751[%broadcast_in_dim3A_741, %add3A_5], %mul3A_747 : memref<128x32xf32, #tpu.memory_space<vmem>>[vector<16xi32>, vector<16xi32>], vector<16xf32>,
        %broadcast_in_dim3A_752 = vector.broadcast %add3A_609 : i32 to vector<16xi32>
        %mul3A_753 = arith.mulf %unpack3A_706, %gather3A_632 : vector<16xf32>
        %scatter3A_754 = arith.constant 0 : i32
        %scatter3A_755 = arith.constant 0 : i32
        %scatter3A_756 = tpu.memref_slice %arg11[%scan3A_98, %scatter3A_754, %scatter3A_755] : memref<4x128x32xf32, #tpu.memory_space<vmem>> -> memref<1x128x32xf32, #tpu.memory_space<vmem>>
        %scatter3A_757 = tpu.memref_squeeze %scatter3A_756 : memref<1x128x32xf32, #tpu.memory_space<vmem>> -> memref<128x32xf32, #tpu.memory_space<vmem>>
        tpu.vector_store_idx %scatter3A_757[%broadcast_in_dim3A_752, %mul3A_3], %mul3A_753 : memref<128x32xf32, #tpu.memory_space<vmem>>[vector<16xi32>, vector<16xi32>], vector<16xf32>,
        %mul3A_758 = arith.mulf %unpack3A_707, %gather3A_632 : vector<16xf32>
        %scatter3A_759 = arith.constant 0 : i32
        %scatter3A_760 = arith.constant 0 : i32
        %scatter3A_761 = tpu.memref_slice %arg11[%scan3A_98, %scatter3A_759, %scatter3A_760] : memref<4x128x32xf32, #tpu.memory_space<vmem>> -> memref<1x128x32xf32, #tpu.memory_space<vmem>>
        %scatter3A_762 = tpu.memref_squeeze %scatter3A_761 : memref<1x128x32xf32, #tpu.memory_space<vmem>> -> memref<128x32xf32, #tpu.memory_space<vmem>>
        tpu.vector_store_idx %scatter3A_762[%broadcast_in_dim3A_752, %add3A_5], %mul3A_758 : memref<128x32xf32, #tpu.memory_space<vmem>>[vector<16xi32>, vector<16xi32>], vector<16xf32>,
        %broadcast_in_dim3A_763 = vector.broadcast %add3A_613 : i32 to vector<16xi32>
        %mul3A_764 = arith.mulf %unpack3A_709, %gather3A_634 : vector<16xf32>
        %scatter3A_765 = arith.constant 0 : i32
        %scatter3A_766 = arith.constant 0 : i32
        %scatter3A_767 = tpu.memref_slice %arg11[%scan3A_98, %scatter3A_765, %scatter3A_766] : memref<4x128x32xf32, #tpu.memory_space<vmem>> -> memref<1x128x32xf32, #tpu.memory_space<vmem>>
        %scatter3A_768 = tpu.memref_squeeze %scatter3A_767 : memref<1x128x32xf32, #tpu.memory_space<vmem>> -> memref<128x32xf32, #tpu.memory_space<vmem>>
        tpu.vector_store_idx %scatter3A_768[%broadcast_in_dim3A_763, %mul3A_3], %mul3A_764 : memref<128x32xf32, #tpu.memory_space<vmem>>[vector<16xi32>, vector<16xi32>], vector<16xf32>,
        %mul3A_769 = arith.mulf %unpack3A_710, %gather3A_634 : vector<16xf32>
        %scatter3A_770 = arith.constant 0 : i32
        %scatter3A_771 = arith.constant 0 : i32
        %scatter3A_772 = tpu.memref_slice %arg11[%scan3A_98, %scatter3A_770, %scatter3A_771] : memref<4x128x32xf32, #tpu.memory_space<vmem>> -> memref<1x128x32xf32, #tpu.memory_space<vmem>>
        %scatter3A_773 = tpu.memref_squeeze %scatter3A_772 : memref<1x128x32xf32, #tpu.memory_space<vmem>> -> memref<128x32xf32, #tpu.memory_space<vmem>>
        tpu.vector_store_idx %scatter3A_773[%broadcast_in_dim3A_763, %add3A_5], %mul3A_769 : memref<128x32xf32, #tpu.memory_space<vmem>>[vector<16xi32>, vector<16xi32>], vector<16xf32>,
        %broadcast_in_dim3A_774 = vector.broadcast %add3A_617 : i32 to vector<16xi32>
        %mul3A_775 = arith.mulf %unpack3A_712, %gather3A_636 : vector<16xf32>
        %scatter3A_776 = arith.constant 0 : i32
        %scatter3A_777 = arith.constant 0 : i32
        %scatter3A_778 = tpu.memref_slice %arg11[%scan3A_98, %scatter3A_776, %scatter3A_777] : memref<4x128x32xf32, #tpu.memory_space<vmem>> -> memref<1x128x32xf32, #tpu.memory_space<vmem>>
        %scatter3A_779 = tpu.memref_squeeze %scatter3A_778 : memref<1x128x32xf32, #tpu.memory_space<vmem>> -> memref<128x32xf32, #tpu.memory_space<vmem>>
        tpu.vector_store_idx %scatter3A_779[%broadcast_in_dim3A_774, %mul3A_3], %mul3A_775 : memref<128x32xf32, #tpu.memory_space<vmem>>[vector<16xi32>, vector<16xi32>], vector<16xf32>,
        %mul3A_780 = arith.mulf %unpack3A_713, %gather3A_636 : vector<16xf32>
        %scatter3A_781 = arith.constant 0 : i32
        %scatter3A_782 = arith.constant 0 : i32
        %scatter3A_783 = tpu.memref_slice %arg11[%scan3A_98, %scatter3A_781, %scatter3A_782] : memref<4x128x32xf32, #tpu.memory_space<vmem>> -> memref<1x128x32xf32, #tpu.memory_space<vmem>>
        %scatter3A_784 = tpu.memref_squeeze %scatter3A_783 : memref<1x128x32xf32, #tpu.memory_space<vmem>> -> memref<128x32xf32, #tpu.memory_space<vmem>>
        tpu.vector_store_idx %scatter3A_784[%broadcast_in_dim3A_774, %add3A_5], %mul3A_780 : memref<128x32xf32, #tpu.memory_space<vmem>>[vector<16xi32>, vector<16xi32>], vector<16xf32>,
        %broadcast_in_dim3A_785 = vector.broadcast %add3A_621 : i32 to vector<16xi32>
        %mul3A_786 = arith.mulf %unpack3A_715, %gather3A_638 : vector<16xf32>
        %scatter3A_787 = arith.constant 0 : i32
        %scatter3A_788 = arith.constant 0 : i32
        %scatter3A_789 = tpu.memref_slice %arg11[%scan3A_98, %scatter3A_787, %scatter3A_788] : memref<4x128x32xf32, #tpu.memory_space<vmem>> -> memref<1x128x32xf32, #tpu.memory_space<vmem>>
        %scatter3A_790 = tpu.memref_squeeze %scatter3A_789 : memref<1x128x32xf32, #tpu.memory_space<vmem>> -> memref<128x32xf32, #tpu.memory_space<vmem>>
        tpu.vector_store_idx %scatter3A_790[%broadcast_in_dim3A_785, %mul3A_3], %mul3A_786 : memref<128x32xf32, #tpu.memory_space<vmem>>[vector<16xi32>, vector<16xi32>], vector<16xf32>,
        %mul3A_791 = arith.mulf %unpack3A_716, %gather3A_638 : vector<16xf32>
        %scatter3A_792 = arith.constant 0 : i32
        %scatter3A_793 = arith.constant 0 : i32
        %scatter3A_794 = tpu.memref_slice %arg11[%scan3A_98, %scatter3A_792, %scatter3A_793] : memref<4x128x32xf32, #tpu.memory_space<vmem>> -> memref<1x128x32xf32, #tpu.memory_space<vmem>>
        %scatter3A_795 = tpu.memref_squeeze %scatter3A_794 : memref<1x128x32xf32, #tpu.memory_space<vmem>> -> memref<128x32xf32, #tpu.memory_space<vmem>>
        tpu.vector_store_idx %scatter3A_795[%broadcast_in_dim3A_785, %add3A_5], %mul3A_791 : memref<128x32xf32, #tpu.memory_space<vmem>>[vector<16xi32>, vector<16xi32>], vector<16xf32>,
        %broadcast_in_dim3A_796 = vector.broadcast %add3A_625 : i32 to vector<16xi32>
        %mul3A_797 = arith.mulf %unpack3A_718, %gather3A_640 : vector<16xf32>
        %scatter3A_798 = arith.constant 0 : i32
        %scatter3A_799 = arith.constant 0 : i32
        %scatter3A_800 = tpu.memref_slice %arg11[%scan3A_98, %scatter3A_798, %scatter3A_799] : memref<4x128x32xf32, #tpu.memory_space<vmem>> -> memref<1x128x32xf32, #tpu.memory_space<vmem>>
        %scatter3A_801 = tpu.memref_squeeze %scatter3A_800 : memref<1x128x32xf32, #tpu.memory_space<vmem>> -> memref<128x32xf32, #tpu.memory_space<vmem>>
        tpu.vector_store_idx %scatter3A_801[%broadcast_in_dim3A_796, %mul3A_3], %mul3A_797 : memref<128x32xf32, #tpu.memory_space<vmem>>[vector<16xi32>, vector<16xi32>], vector<16xf32>,
        %mul3A_802 = arith.mulf %unpack3A_719, %gather3A_640 : vector<16xf32>
        %scatter3A_803 = arith.constant 0 : i32
        %scatter3A_804 = arith.constant 0 : i32
        %scatter3A_805 = tpu.memref_slice %arg11[%scan3A_98, %scatter3A_803, %scatter3A_804] : memref<4x128x32xf32, #tpu.memory_space<vmem>> -> memref<1x128x32xf32, #tpu.memory_space<vmem>>
        %scatter3A_806 = tpu.memref_squeeze %scatter3A_805 : memref<1x128x32xf32, #tpu.memory_space<vmem>> -> memref<128x32xf32, #tpu.memory_space<vmem>>
        tpu.vector_store_idx %scatter3A_806[%broadcast_in_dim3A_796, %add3A_5], %mul3A_802 : memref<128x32xf32, #tpu.memory_space<vmem>>[vector<16xi32>, vector<16xi32>], vector<16xf32>,
        %scan3A_807 = arith.constant 0 : i32
        scf.yield %scan3A_807 : i32
      }
      %scan3A_484 = arith.constant 16 : i32
      %dma_start3A_485 = arith.constant 0 : i32
      %dma_start3A_486 = arith.constant 0 : i32
      %dma_start3A_487 = tpu.memref_slice %arg11[%scan3A_98, %dma_start3A_485, %dma_start3A_486] : memref<4x128x32xf32, #tpu.memory_space<vmem>> -> memref<1x128x32xf32, #tpu.memory_space<vmem>>
      %dma_start3A_488 = tpu.memref_squeeze %dma_start3A_487 : memref<1x128x32xf32, #tpu.memory_space<vmem>> -> memref<128x32xf32, #tpu.memory_space<vmem>>
      %dma_start3A_489 = arith.constant 0 : i32
      %dma_start3A_490 = tpu.memref_slice %arg8[%add3A_402, %dma_start3A_489] : memref<160x128xi32, #tpu.memory_space<vmem>> -> memref<1x128xi32, #tpu.memory_space<vmem>>
      %dma_start3A_491 = tpu.memref_squeeze %dma_start3A_490 : memref<1x128xi32, #tpu.memory_space<vmem>> -> memref<128xi32, #tpu.memory_space<vmem>>
      %dma_start3A_492 = arith.constant 0 : i32
      %dma_start3A_493 = arith.constant 0 : i32
      %dma_start3A_494 = tpu.memref_slice %arg14[%dma_start3A_492, %dma_start3A_493] : memref<10112x32xf32, #tpu.memory_space<vmem_shared>> -> memref<10112x32xf32, #tpu.memory_space<vmem_shared>>
      tpu.enqueue_indirect_dma source(%dma_start3A_488 : memref<128x32xf32, #tpu.memory_space<vmem>>) target(%dma_start3A_494 : memref<10112x32xf32, #tpu.memory_space<vmem_shared>>) offsets(%dma_start3A_491 : memref<128xi32, #tpu.memory_space<vmem>>) semaphore(%arg22 : memref<!tpu.dma_semaphore, #tpu.memory_space<semaphore_mem>>) {add = true}
      %mul3A_495 = arith.constant 4 : i32
      %mul3A_496 = arith.muli %mul3A_495, %scan3A_212 : i32
      %add3A_497 = arith.constant 3 : i32
      %add3A_498 = arith.addi %mul3A_496, %add3A_497 : i32
      %dma_wait3A_499 = arith.constant 0 : i32
      %dma_wait3A_500 = arith.constant 0 : i32
      %dma_wait3A_501 = tpu.memref_slice %arg10[%scan3A_93, %dma_wait3A_499, %dma_wait3A_500] : memref<4x128x16xi32, #tpu.memory_space<vmem>> -> memref<1x128x16xi32, #tpu.memory_space<vmem>>
      %dma_wait3A_502 = tpu.memref_squeeze %dma_wait3A_501 : memref<1x128x16xi32, #tpu.memory_space<vmem>> -> memref<128x16xi32, #tpu.memory_space<vmem>>
      %dma_wait3A_503 = arith.constant 0 : i32
      %dma_wait3A_504 = tpu.memref_slice %arg7[%add3A_498, %dma_wait3A_503] : memref<160x128xi32, #tpu.memory_space<vmem>> -> memref<1x128xi32, #tpu.memory_space<vmem>>
      %dma_wait3A_505 = tpu.memref_squeeze %dma_wait3A_504 : memref<1x128xi32, #tpu.memory_space<vmem>> -> memref<128xi32, #tpu.memory_space<vmem>>
      %dma_wait3A_506 = arith.constant 0 : i32
      %dma_wait3A_507 = arith.constant 0 : i32
      %dma_wait3A_508 = tpu.memref_slice %arg15[%dma_wait3A_506, %dma_wait3A_507] : memref<10112x16xi32, #tpu.memory_space<vmem_shared>> -> memref<10112x16xi32, #tpu.memory_space<vmem_shared>>
      tpu.wait_indirect_dma semaphore(%arg19 : memref<!tpu.dma_semaphore, #tpu.memory_space<semaphore_mem>>) src(%dma_wait3A_508 : memref<10112x16xi32, #tpu.memory_space<vmem_shared>>) dst(%dma_wait3A_502 : memref<128x16xi32, #tpu.memory_space<vmem>>)
      %add3A_509 = arith.constant 4 : i32
      %add3A_510 = arith.addi %add3A_498, %add3A_509 : i32
      %sub3A_511 = arith.constant 1 : i32
      %sub3A_512 = arith.subi %add3A_510, %sub3A_511 : i32
      %min3A_513 = arith.constant 159 : i32
      %min3A_514 = arith.minsi %sub3A_512, %min3A_513 : i32
      %dma_start3A_515 = arith.constant 0 : i32
      %dma_start3A_516 = arith.constant 0 : i32
      %dma_start3A_517 = tpu.memref_slice %arg10[%scan3A_97, %dma_start3A_515, %dma_start3A_516] : memref<4x128x16xi32, #tpu.memory_space<vmem>> -> memref<1x128x16xi32, #tpu.memory_space<vmem>>
      %dma_start3A_518 = tpu.memref_squeeze %dma_start3A_517 : memref<1x128x16xi32, #tpu.memory_space<vmem>> -> memref<128x16xi32, #tpu.memory_space<vmem>>
      %dma_start3A_519 = arith.constant 0 : i32
      %dma_start3A_520 = tpu.memref_slice %arg7[%min3A_514, %dma_start3A_519] : memref<160x128xi32, #tpu.memory_space<vmem>> -> memref<1x128xi32, #tpu.memory_space<vmem>>
      %dma_start3A_521 = tpu.memref_squeeze %dma_start3A_520 : memref<1x128xi32, #tpu.memory_space<vmem>> -> memref<128xi32, #tpu.memory_space<vmem>>
      %dma_start3A_522 = arith.constant 0 : i32
      %dma_start3A_523 = arith.constant 0 : i32
      %dma_start3A_524 = tpu.memref_slice %arg15[%dma_start3A_522, %dma_start3A_523] : memref<10112x16xi32, #tpu.memory_space<vmem_shared>> -> memref<10112x16xi32, #tpu.memory_space<vmem_shared>>
      tpu.enqueue_indirect_dma source(%dma_start3A_524 : memref<10112x16xi32, #tpu.memory_space<vmem_shared>>) target(%dma_start3A_518 : memref<128x16xi32, #tpu.memory_space<vmem>>) offsets(%dma_start3A_521 : memref<128xi32, #tpu.memory_space<vmem>>) semaphore(%arg18 : memref<!tpu.dma_semaphore, #tpu.memory_space<semaphore_mem>>)
      %gt3A_525 = arith.constant 0 : i32
      %gt3A_526 = arith.cmpi sgt, %scan3A_212, %gt3A_525 : i32
      %convert_element_type3A_527 = arith.extui %gt3A_526 : i1 to i32
      %cond3A_528 = arith.constant 0 : i32
      %cond3A_529 = arith.cmpi ne, %convert_element_type3A_527, %cond3A_528 : i32
      scf.if %cond3A_529 {
        %dma_wait3A_592 = arith.constant 0 : i32
        %dma_wait3A_593 = arith.constant 0 : i32
        %dma_wait3A_594 = tpu.memref_slice %arg11[%scan3A_99, %dma_wait3A_592, %dma_wait3A_593] : memref<4x128x32xf32, #tpu.memory_space<vmem>> -> memref<1x128x32xf32, #tpu.memory_space<vmem>>
        %dma_wait3A_595 = tpu.memref_squeeze %dma_wait3A_594 : memref<1x128x32xf32, #tpu.memory_space<vmem>> -> memref<128x32xf32, #tpu.memory_space<vmem>>
        %dma_wait3A_596 = arith.constant 0 : i32
        %dma_wait3A_597 = tpu.memref_slice %arg8[%add3A_498, %dma_wait3A_596] : memref<160x128xi32, #tpu.memory_space<vmem>> -> memref<1x128xi32, #tpu.memory_space<vmem>>
        %dma_wait3A_598 = tpu.memref_squeeze %dma_wait3A_597 : memref<1x128xi32, #tpu.memory_space<vmem>> -> memref<128xi32, #tpu.memory_space<vmem>>
        %dma_wait3A_599 = arith.constant 0 : i32
        %dma_wait3A_600 = arith.constant 0 : i32
        %dma_wait3A_601 = tpu.memref_slice %arg14[%dma_wait3A_599, %dma_wait3A_600] : memref<10112x32xf32, #tpu.memory_space<vmem_shared>> -> memref<10112x32xf32, #tpu.memory_space<vmem_shared>>
        tpu.wait_indirect_dma semaphore(%arg23 : memref<!tpu.dma_semaphore, #tpu.memory_space<semaphore_mem>>) src(%dma_wait3A_595 : memref<128x32xf32, #tpu.memory_space<vmem>>) dst(%dma_wait3A_601 : memref<10112x32xf32, #tpu.memory_space<vmem_shared>>)
      } else {
      }
      %get3A_530 = arith.index_cast %add3A_498 : i32 to index
      %get3A_531 = arith.constant 0 : index
      %get3A_532 = tpu.vector_load %arg9[%get3A_530, %get3A_531] {strides = array<i32>} : memref<160x128xbf16, #tpu.memory_space<vmem>>, vector<32xbf16>,
      %unpack3A_533 = tpu.unpack_subelements %get3A_532, 0 {pack_format = #tpu.pack_format<interleaved>} : vector<32xbf16> -> vector<16xf32>
      %unpack3A_534 = tpu.unpack_subelements %get3A_532, 1 {pack_format = #tpu.pack_format<interleaved>} : vector<32xbf16> -> vector<16xf32>
      %add3A_535 = arith.constant 0 : i32
      %add3A_536 = vector.broadcast %add3A_535 : i32 to vector<16xi32>
      %add3A_537 = arith.addi %mul3A_3, %add3A_536 : vector<16xi32>
      tpu.vector_store_idx %arg13[%add3A_537], %unpack3A_533 : memref<128xf32, #tpu.memory_space<vmem>>[vector<16xi32>], vector<16xf32>,
      %add3A_538 = arith.constant 0 : i32
      %add3A_539 = vector.broadcast %add3A_538 : i32 to vector<16xi32>
      %add3A_540 = arith.addi %add3A_5, %add3A_539 : vector<16xi32>
      tpu.vector_store_idx %arg13[%add3A_540], %unpack3A_534 : memref<128xf32, #tpu.memory_space<vmem>>[vector<16xi32>], vector<16xf32>,
      %get3A_541 = arith.index_cast %add3A_498 : i32 to index
      %get3A_542 = arith.constant 32 : index
      %get3A_543 = tpu.vector_load %arg9[%get3A_541, %get3A_542] {strides = array<i32>} : memref<160x128xbf16, #tpu.memory_space<vmem>>, vector<32xbf16>,
      %unpack3A_544 = tpu.unpack_subelements %get3A_543, 0 {pack_format = #tpu.pack_format<interleaved>} : vector<32xbf16> -> vector<16xf32>
      %unpack3A_545 = tpu.unpack_subelements %get3A_543, 1 {pack_format = #tpu.pack_format<interleaved>} : vector<32xbf16> -> vector<16xf32>
      %add3A_546 = arith.constant 32 : i32
      %add3A_547 = vector.broadcast %add3A_546 : i32 to vector<16xi32>
      %add3A_548 = arith.addi %mul3A_3, %add3A_547 : vector<16xi32>
      tpu.vector_store_idx %arg13[%add3A_548], %unpack3A_544 : memref<128xf32, #tpu.memory_space<vmem>>[vector<16xi32>], vector<16xf32>,
      %add3A_549 = arith.constant 32 : i32
      %add3A_550 = vector.broadcast %add3A_549 : i32 to vector<16xi32>
      %add3A_551 = arith.addi %add3A_5, %add3A_550 : vector<16xi32>
      tpu.vector_store_idx %arg13[%add3A_551], %unpack3A_545 : memref<128xf32, #tpu.memory_space<vmem>>[vector<16xi32>], vector<16xf32>,
      %get3A_552 = arith.index_cast %add3A_498 : i32 to index
      %get3A_553 = arith.constant 64 : index
      %get3A_554 = tpu.vector_load %arg9[%get3A_552, %get3A_553] {strides = array<i32>} : memref<160x128xbf16, #tpu.memory_space<vmem>>, vector<32xbf16>,
      %unpack3A_555 = tpu.unpack_subelements %get3A_554, 0 {pack_format = #tpu.pack_format<interleaved>} : vector<32xbf16> -> vector<16xf32>
      %unpack3A_556 = tpu.unpack_subelements %get3A_554, 1 {pack_format = #tpu.pack_format<interleaved>} : vector<32xbf16> -> vector<16xf32>
      %add3A_557 = arith.constant 64 : i32
      %add3A_558 = vector.broadcast %add3A_557 : i32 to vector<16xi32>
      %add3A_559 = arith.addi %mul3A_3, %add3A_558 : vector<16xi32>
      tpu.vector_store_idx %arg13[%add3A_559], %unpack3A_555 : memref<128xf32, #tpu.memory_space<vmem>>[vector<16xi32>], vector<16xf32>,
      %add3A_560 = arith.constant 64 : i32
      %add3A_561 = vector.broadcast %add3A_560 : i32 to vector<16xi32>
      %add3A_562 = arith.addi %add3A_5, %add3A_561 : vector<16xi32>
      tpu.vector_store_idx %arg13[%add3A_562], %unpack3A_556 : memref<128xf32, #tpu.memory_space<vmem>>[vector<16xi32>], vector<16xf32>,
      %get3A_563 = arith.index_cast %add3A_498 : i32 to index
      %get3A_564 = arith.constant 96 : index
      %get3A_565 = tpu.vector_load %arg9[%get3A_563, %get3A_564] {strides = array<i32>} : memref<160x128xbf16, #tpu.memory_space<vmem>>, vector<32xbf16>,
      %unpack3A_566 = tpu.unpack_subelements %get3A_565, 0 {pack_format = #tpu.pack_format<interleaved>} : vector<32xbf16> -> vector<16xf32>
      %unpack3A_567 = tpu.unpack_subelements %get3A_565, 1 {pack_format = #tpu.pack_format<interleaved>} : vector<32xbf16> -> vector<16xf32>
      %add3A_568 = arith.constant 96 : i32
      %add3A_569 = vector.broadcast %add3A_568 : i32 to vector<16xi32>
      %add3A_570 = arith.addi %mul3A_3, %add3A_569 : vector<16xi32>
      tpu.vector_store_idx %arg13[%add3A_570], %unpack3A_566 : memref<128xf32, #tpu.memory_space<vmem>>[vector<16xi32>], vector<16xf32>,
      %add3A_571 = arith.constant 96 : i32
      %add3A_572 = vector.broadcast %add3A_571 : i32 to vector<16xi32>
      %add3A_573 = arith.addi %add3A_5, %add3A_572 : vector<16xi32>
      tpu.vector_store_idx %arg13[%add3A_573], %unpack3A_567 : memref<128xf32, #tpu.memory_space<vmem>>[vector<16xi32>], vector<16xf32>,
      %scan3A_574 = arith.constant 0 : i32
      %scan3A_575 = arith.constant 0 : i32
      %scan3A_576 = arith.constant 16 : i32
      %scan3A_577 = arith.addi %scan3A_575, %scan3A_576 : i32
      %scan3A_578 = arith.constant 1 : i32
      %scan3A_579 = scf.for %scan3A_592 = %scan3A_575 to %scan3A_577 step %scan3A_578 iter_args(%scan3A_593 = %scan3A_574) -> (i32)  : i32 {
        %mul3A_594 = arith.constant 8 : i32
        %mul3A_595 = arith.muli %scan3A_592, %mul3A_594 : i32
        %add3A_596 = arith.constant 0 : i32
        %add3A_597 = arith.addi %mul3A_595, %add3A_596 : i32
        %mul3A_598 = arith.constant 8 : i32
        %mul3A_599 = arith.muli %scan3A_592, %mul3A_598 : i32
        %add3A_600 = arith.constant 1 : i32
        %add3A_601 = arith.addi %mul3A_599, %add3A_600 : i32
        %mul3A_602 = arith.constant 8 : i32
        %mul3A_603 = arith.muli %scan3A_592, %mul3A_602 : i32
        %add3A_604 = arith.constant 2 : i32
        %add3A_605 = arith.addi %mul3A_603, %add3A_604 : i32
        %mul3A_606 = arith.constant 8 : i32
        %mul3A_607 = arith.muli %scan3A_592, %mul3A_606 : i32
        %add3A_608 = arith.constant 3 : i32
        %add3A_609 = arith.addi %mul3A_607, %add3A_608 : i32
        %mul3A_610 = arith.constant 8 : i32
        %mul3A_611 = arith.muli %scan3A_592, %mul3A_610 : i32
        %add3A_612 = arith.constant 4 : i32
        %add3A_613 = arith.addi %mul3A_611, %add3A_612 : i32
        %mul3A_614 = arith.constant 8 : i32
        %mul3A_615 = arith.muli %scan3A_592, %mul3A_614 : i32
        %add3A_616 = arith.constant 5 : i32
        %add3A_617 = arith.addi %mul3A_615, %add3A_616 : i32
        %mul3A_618 = arith.constant 8 : i32
        %mul3A_619 = arith.muli %scan3A_592, %mul3A_618 : i32
        %add3A_620 = arith.constant 6 : i32
        %add3A_621 = arith.addi %mul3A_619, %add3A_620 : i32
        %mul3A_622 = arith.constant 8 : i32
        %mul3A_623 = arith.muli %scan3A_592, %mul3A_622 : i32
        %add3A_624 = arith.constant 7 : i32
        %add3A_625 = arith.addi %mul3A_623, %add3A_624 : i32
        %broadcast_in_dim3A_626 = vector.broadcast %add3A_597 : i32 to vector<16xi32>
        %gather3A = tpu.vector_load_idx %arg13[%broadcast_in_dim3A_626] : memref<128xf32, #tpu.memory_space<vmem>>[vector<16xi32>], vector<16xf32>,
        %broadcast_in_dim3A_627 = vector.broadcast %add3A_601 : i32 to vector<16xi32>
        %gather3A_628 = tpu.vector_load_idx %arg13[%broadcast_in_dim3A_627] : memref<128xf32, #tpu.memory_space<vmem>>[vector<16xi32>], vector<16xf32>,
        %broadcast_in_dim3A_629 = vector.broadcast %add3A_605 : i32 to vector<16xi32>
        %gather3A_630 = tpu.vector_load_idx %arg13[%broadcast_in_dim3A_629] : memref<128xf32, #tpu.memory_space<vmem>>[vector<16xi32>], vector<16xf32>,
        %broadcast_in_dim3A_631 = vector.broadcast %add3A_609 : i32 to vector<16xi32>
        %gather3A_632 = tpu.vector_load_idx %arg13[%broadcast_in_dim3A_631] : memref<128xf32, #tpu.memory_space<vmem>>[vector<16xi32>], vector<16xf32>,
        %broadcast_in_dim3A_633 = vector.broadcast %add3A_613 : i32 to vector<16xi32>
        %gather3A_634 = tpu.vector_load_idx %arg13[%broadcast_in_dim3A_633] : memref<128xf32, #tpu.memory_space<vmem>>[vector<16xi32>], vector<16xf32>,
        %broadcast_in_dim3A_635 = vector.broadcast %add3A_617 : i32 to vector<16xi32>
        %gather3A_636 = tpu.vector_load_idx %arg13[%broadcast_in_dim3A_635] : memref<128xf32, #tpu.memory_space<vmem>>[vector<16xi32>], vector<16xf32>,
        %broadcast_in_dim3A_637 = vector.broadcast %add3A_621 : i32 to vector<16xi32>
        %gather3A_638 = tpu.vector_load_idx %arg13[%broadcast_in_dim3A_637] : memref<128xf32, #tpu.memory_space<vmem>>[vector<16xi32>], vector<16xf32>,
        %broadcast_in_dim3A_639 = vector.broadcast %add3A_625 : i32 to vector<16xi32>
        %gather3A_640 = tpu.vector_load_idx %arg13[%broadcast_in_dim3A_639] : memref<128xf32, #tpu.memory_space<vmem>>[vector<16xi32>], vector<16xf32>,
        %get3A_641 = arith.constant 0 : i32
        %get3A_642 = arith.constant 0 : i32
        %get3A_643 = tpu.memref_slice %arg10[%scan3A_93, %get3A_641, %get3A_642] : memref<4x128x16xi32, #tpu.memory_space<vmem>> -> memref<1x128x16xi32, #tpu.memory_space<vmem>>
        %get3A_644 = tpu.memref_squeeze %get3A_643 : memref<1x128x16xi32, #tpu.memory_space<vmem>> -> memref<128x16xi32, #tpu.memory_space<vmem>>
        %get3A_645 = arith.index_cast %add3A_597 : i32 to index
        %get3A_646 = arith.constant 0 : index
        %get3A_647 = tpu.vector_load %get3A_644[%get3A_645, %get3A_646] {strides = array<i32>} : memref<128x16xi32, #tpu.memory_space<vmem>>, vector<16xi32>,
        %get3A_648 = arith.constant 0 : i32
        %get3A_649 = arith.constant 0 : i32
        %get3A_650 = tpu.memref_slice %arg10[%scan3A_93, %get3A_648, %get3A_649] : memref<4x128x16xi32, #tpu.memory_space<vmem>> -> memref<1x128x16xi32, #tpu.memory_space<vmem>>
        %get3A_651 = tpu.memref_squeeze %get3A_650 : memref<1x128x16xi32, #tpu.memory_space<vmem>> -> memref<128x16xi32, #tpu.memory_space<vmem>>
        %get3A_652 = arith.index_cast %add3A_601 : i32 to index
        %get3A_653 = arith.constant 0 : index
        %get3A_654 = tpu.vector_load %get3A_651[%get3A_652, %get3A_653] {strides = array<i32>} : memref<128x16xi32, #tpu.memory_space<vmem>>, vector<16xi32>,
        %get3A_655 = arith.constant 0 : i32
        %get3A_656 = arith.constant 0 : i32
        %get3A_657 = tpu.memref_slice %arg10[%scan3A_93, %get3A_655, %get3A_656] : memref<4x128x16xi32, #tpu.memory_space<vmem>> -> memref<1x128x16xi32, #tpu.memory_space<vmem>>
        %get3A_658 = tpu.memref_squeeze %get3A_657 : memref<1x128x16xi32, #tpu.memory_space<vmem>> -> memref<128x16xi32, #tpu.memory_space<vmem>>
        %get3A_659 = arith.index_cast %add3A_605 : i32 to index
        %get3A_660 = arith.constant 0 : index
        %get3A_661 = tpu.vector_load %get3A_658[%get3A_659, %get3A_660] {strides = array<i32>} : memref<128x16xi32, #tpu.memory_space<vmem>>, vector<16xi32>,
        %get3A_662 = arith.constant 0 : i32
        %get3A_663 = arith.constant 0 : i32
        %get3A_664 = tpu.memref_slice %arg10[%scan3A_93, %get3A_662, %get3A_663] : memref<4x128x16xi32, #tpu.memory_space<vmem>> -> memref<1x128x16xi32, #tpu.memory_space<vmem>>
        %get3A_665 = tpu.memref_squeeze %get3A_664 : memref<1x128x16xi32, #tpu.memory_space<vmem>> -> memref<128x16xi32, #tpu.memory_space<vmem>>
        %get3A_666 = arith.index_cast %add3A_609 : i32 to index
        %get3A_667 = arith.constant 0 : index
        %get3A_668 = tpu.vector_load %get3A_665[%get3A_666, %get3A_667] {strides = array<i32>} : memref<128x16xi32, #tpu.memory_space<vmem>>, vector<16xi32>,
        %get3A_669 = arith.constant 0 : i32
        %get3A_670 = arith.constant 0 : i32
        %get3A_671 = tpu.memref_slice %arg10[%scan3A_93, %get3A_669, %get3A_670] : memref<4x128x16xi32, #tpu.memory_space<vmem>> -> memref<1x128x16xi32, #tpu.memory_space<vmem>>
        %get3A_672 = tpu.memref_squeeze %get3A_671 : memref<1x128x16xi32, #tpu.memory_space<vmem>> -> memref<128x16xi32, #tpu.memory_space<vmem>>
        %get3A_673 = arith.index_cast %add3A_613 : i32 to index
        %get3A_674 = arith.constant 0 : index
        %get3A_675 = tpu.vector_load %get3A_672[%get3A_673, %get3A_674] {strides = array<i32>} : memref<128x16xi32, #tpu.memory_space<vmem>>, vector<16xi32>,
        %get3A_676 = arith.constant 0 : i32
        %get3A_677 = arith.constant 0 : i32
        %get3A_678 = tpu.memref_slice %arg10[%scan3A_93, %get3A_676, %get3A_677] : memref<4x128x16xi32, #tpu.memory_space<vmem>> -> memref<1x128x16xi32, #tpu.memory_space<vmem>>
        %get3A_679 = tpu.memref_squeeze %get3A_678 : memref<1x128x16xi32, #tpu.memory_space<vmem>> -> memref<128x16xi32, #tpu.memory_space<vmem>>
        %get3A_680 = arith.index_cast %add3A_617 : i32 to index
        %get3A_681 = arith.constant 0 : index
        %get3A_682 = tpu.vector_load %get3A_679[%get3A_680, %get3A_681] {strides = array<i32>} : memref<128x16xi32, #tpu.memory_space<vmem>>, vector<16xi32>,
        %get3A_683 = arith.constant 0 : i32
        %get3A_684 = arith.constant 0 : i32
        %get3A_685 = tpu.memref_slice %arg10[%scan3A_93, %get3A_683, %get3A_684] : memref<4x128x16xi32, #tpu.memory_space<vmem>> -> memref<1x128x16xi32, #tpu.memory_space<vmem>>
        %get3A_686 = tpu.memref_squeeze %get3A_685 : memref<1x128x16xi32, #tpu.memory_space<vmem>> -> memref<128x16xi32, #tpu.memory_space<vmem>>
        %get3A_687 = arith.index_cast %add3A_621 : i32 to index
        %get3A_688 = arith.constant 0 : index
        %get3A_689 = tpu.vector_load %get3A_686[%get3A_687, %get3A_688] {strides = array<i32>} : memref<128x16xi32, #tpu.memory_space<vmem>>, vector<16xi32>,
        %get3A_690 = arith.constant 0 : i32
        %get3A_691 = arith.constant 0 : i32
        %get3A_692 = tpu.memref_slice %arg10[%scan3A_93, %get3A_690, %get3A_691] : memref<4x128x16xi32, #tpu.memory_space<vmem>> -> memref<1x128x16xi32, #tpu.memory_space<vmem>>
        %get3A_693 = tpu.memref_squeeze %get3A_692 : memref<1x128x16xi32, #tpu.memory_space<vmem>> -> memref<128x16xi32, #tpu.memory_space<vmem>>
        %get3A_694 = arith.index_cast %add3A_625 : i32 to index
        %get3A_695 = arith.constant 0 : index
        %get3A_696 = tpu.vector_load %get3A_693[%get3A_694, %get3A_695] {strides = array<i32>} : memref<128x16xi32, #tpu.memory_space<vmem>>, vector<16xi32>,
        %bitcast3A = vector.bitcast %get3A_647 : vector<16xi32> to vector<32xbf16>
        %unpack3A_697 = tpu.unpack_subelements %bitcast3A, 0 {pack_format = #tpu.pack_format<interleaved>} : vector<32xbf16> -> vector<16xf32>
        %unpack3A_698 = tpu.unpack_subelements %bitcast3A, 1 {pack_format = #tpu.pack_format<interleaved>} : vector<32xbf16> -> vector<16xf32>
        %bitcast3A_699 = vector.bitcast %get3A_654 : vector<16xi32> to vector<32xbf16>
        %unpack3A_700 = tpu.unpack_subelements %bitcast3A_699, 0 {pack_format = #tpu.pack_format<interleaved>} : vector<32xbf16> -> vector<16xf32>
        %unpack3A_701 = tpu.unpack_subelements %bitcast3A_699, 1 {pack_format = #tpu.pack_format<interleaved>} : vector<32xbf16> -> vector<16xf32>
        %bitcast3A_702 = vector.bitcast %get3A_661 : vector<16xi32> to vector<32xbf16>
        %unpack3A_703 = tpu.unpack_subelements %bitcast3A_702, 0 {pack_format = #tpu.pack_format<interleaved>} : vector<32xbf16> -> vector<16xf32>
        %unpack3A_704 = tpu.unpack_subelements %bitcast3A_702, 1 {pack_format = #tpu.pack_format<interleaved>} : vector<32xbf16> -> vector<16xf32>
        %bitcast3A_705 = vector.bitcast %get3A_668 : vector<16xi32> to vector<32xbf16>
        %unpack3A_706 = tpu.unpack_subelements %bitcast3A_705, 0 {pack_format = #tpu.pack_format<interleaved>} : vector<32xbf16> -> vector<16xf32>
        %unpack3A_707 = tpu.unpack_subelements %bitcast3A_705, 1 {pack_format = #tpu.pack_format<interleaved>} : vector<32xbf16> -> vector<16xf32>
        %bitcast3A_708 = vector.bitcast %get3A_675 : vector<16xi32> to vector<32xbf16>
        %unpack3A_709 = tpu.unpack_subelements %bitcast3A_708, 0 {pack_format = #tpu.pack_format<interleaved>} : vector<32xbf16> -> vector<16xf32>
        %unpack3A_710 = tpu.unpack_subelements %bitcast3A_708, 1 {pack_format = #tpu.pack_format<interleaved>} : vector<32xbf16> -> vector<16xf32>
        %bitcast3A_711 = vector.bitcast %get3A_682 : vector<16xi32> to vector<32xbf16>
        %unpack3A_712 = tpu.unpack_subelements %bitcast3A_711, 0 {pack_format = #tpu.pack_format<interleaved>} : vector<32xbf16> -> vector<16xf32>
        %unpack3A_713 = tpu.unpack_subelements %bitcast3A_711, 1 {pack_format = #tpu.pack_format<interleaved>} : vector<32xbf16> -> vector<16xf32>
        %bitcast3A_714 = vector.bitcast %get3A_689 : vector<16xi32> to vector<32xbf16>
        %unpack3A_715 = tpu.unpack_subelements %bitcast3A_714, 0 {pack_format = #tpu.pack_format<interleaved>} : vector<32xbf16> -> vector<16xf32>
        %unpack3A_716 = tpu.unpack_subelements %bitcast3A_714, 1 {pack_format = #tpu.pack_format<interleaved>} : vector<32xbf16> -> vector<16xf32>
        %bitcast3A_717 = vector.bitcast %get3A_696 : vector<16xi32> to vector<32xbf16>
        %unpack3A_718 = tpu.unpack_subelements %bitcast3A_717, 0 {pack_format = #tpu.pack_format<interleaved>} : vector<32xbf16> -> vector<16xf32>
        %unpack3A_719 = tpu.unpack_subelements %bitcast3A_717, 1 {pack_format = #tpu.pack_format<interleaved>} : vector<32xbf16> -> vector<16xf32>
        %broadcast_in_dim3A_720 = vector.broadcast %add3A_597 : i32 to vector<16xi32>
        %mul3A_721 = arith.mulf %unpack3A_697, %gather3A : vector<16xf32>
        %scatter3A = arith.constant 0 : i32
        %scatter3A_722 = arith.constant 0 : i32
        %scatter3A_723 = tpu.memref_slice %arg11[%scan3A_99, %scatter3A, %scatter3A_722] : memref<4x128x32xf32, #tpu.memory_space<vmem>> -> memref<1x128x32xf32, #tpu.memory_space<vmem>>
        %scatter3A_724 = tpu.memref_squeeze %scatter3A_723 : memref<1x128x32xf32, #tpu.memory_space<vmem>> -> memref<128x32xf32, #tpu.memory_space<vmem>>
        tpu.vector_store_idx %scatter3A_724[%broadcast_in_dim3A_720, %mul3A_3], %mul3A_721 : memref<128x32xf32, #tpu.memory_space<vmem>>[vector<16xi32>, vector<16xi32>], vector<16xf32>,
        %mul3A_725 = arith.mulf %unpack3A_698, %gather3A : vector<16xf32>
        %scatter3A_726 = arith.constant 0 : i32
        %scatter3A_727 = arith.constant 0 : i32
        %scatter3A_728 = tpu.memref_slice %arg11[%scan3A_99, %scatter3A_726, %scatter3A_727] : memref<4x128x32xf32, #tpu.memory_space<vmem>> -> memref<1x128x32xf32, #tpu.memory_space<vmem>>
        %scatter3A_729 = tpu.memref_squeeze %scatter3A_728 : memref<1x128x32xf32, #tpu.memory_space<vmem>> -> memref<128x32xf32, #tpu.memory_space<vmem>>
        tpu.vector_store_idx %scatter3A_729[%broadcast_in_dim3A_720, %add3A_5], %mul3A_725 : memref<128x32xf32, #tpu.memory_space<vmem>>[vector<16xi32>, vector<16xi32>], vector<16xf32>,
        %broadcast_in_dim3A_730 = vector.broadcast %add3A_601 : i32 to vector<16xi32>
        %mul3A_731 = arith.mulf %unpack3A_700, %gather3A_628 : vector<16xf32>
        %scatter3A_732 = arith.constant 0 : i32
        %scatter3A_733 = arith.constant 0 : i32
        %scatter3A_734 = tpu.memref_slice %arg11[%scan3A_99, %scatter3A_732, %scatter3A_733] : memref<4x128x32xf32, #tpu.memory_space<vmem>> -> memref<1x128x32xf32, #tpu.memory_space<vmem>>
        %scatter3A_735 = tpu.memref_squeeze %scatter3A_734 : memref<1x128x32xf32, #tpu.memory_space<vmem>> -> memref<128x32xf32, #tpu.memory_space<vmem>>
        tpu.vector_store_idx %scatter3A_735[%broadcast_in_dim3A_730, %mul3A_3], %mul3A_731 : memref<128x32xf32, #tpu.memory_space<vmem>>[vector<16xi32>, vector<16xi32>], vector<16xf32>,
        %mul3A_736 = arith.mulf %unpack3A_701, %gather3A_628 : vector<16xf32>
        %scatter3A_737 = arith.constant 0 : i32
        %scatter3A_738 = arith.constant 0 : i32
        %scatter3A_739 = tpu.memref_slice %arg11[%scan3A_99, %scatter3A_737, %scatter3A_738] : memref<4x128x32xf32, #tpu.memory_space<vmem>> -> memref<1x128x32xf32, #tpu.memory_space<vmem>>
        %scatter3A_740 = tpu.memref_squeeze %scatter3A_739 : memref<1x128x32xf32, #tpu.memory_space<vmem>> -> memref<128x32xf32, #tpu.memory_space<vmem>>
        tpu.vector_store_idx %scatter3A_740[%broadcast_in_dim3A_730, %add3A_5], %mul3A_736 : memref<128x32xf32, #tpu.memory_space<vmem>>[vector<16xi32>, vector<16xi32>], vector<16xf32>,
        %broadcast_in_dim3A_741 = vector.broadcast %add3A_605 : i32 to vector<16xi32>
        %mul3A_742 = arith.mulf %unpack3A_703, %gather3A_630 : vector<16xf32>
        %scatter3A_743 = arith.constant 0 : i32
        %scatter3A_744 = arith.constant 0 : i32
        %scatter3A_745 = tpu.memref_slice %arg11[%scan3A_99, %scatter3A_743, %scatter3A_744] : memref<4x128x32xf32, #tpu.memory_space<vmem>> -> memref<1x128x32xf32, #tpu.memory_space<vmem>>
        %scatter3A_746 = tpu.memref_squeeze %scatter3A_745 : memref<1x128x32xf32, #tpu.memory_space<vmem>> -> memref<128x32xf32, #tpu.memory_space<vmem>>
        tpu.vector_store_idx %scatter3A_746[%broadcast_in_dim3A_741, %mul3A_3], %mul3A_742 : memref<128x32xf32, #tpu.memory_space<vmem>>[vector<16xi32>, vector<16xi32>], vector<16xf32>,
        %mul3A_747 = arith.mulf %unpack3A_704, %gather3A_630 : vector<16xf32>
        %scatter3A_748 = arith.constant 0 : i32
        %scatter3A_749 = arith.constant 0 : i32
        %scatter3A_750 = tpu.memref_slice %arg11[%scan3A_99, %scatter3A_748, %scatter3A_749] : memref<4x128x32xf32, #tpu.memory_space<vmem>> -> memref<1x128x32xf32, #tpu.memory_space<vmem>>
        %scatter3A_751 = tpu.memref_squeeze %scatter3A_750 : memref<1x128x32xf32, #tpu.memory_space<vmem>> -> memref<128x32xf32, #tpu.memory_space<vmem>>
        tpu.vector_store_idx %scatter3A_751[%broadcast_in_dim3A_741, %add3A_5], %mul3A_747 : memref<128x32xf32, #tpu.memory_space<vmem>>[vector<16xi32>, vector<16xi32>], vector<16xf32>,
        %broadcast_in_dim3A_752 = vector.broadcast %add3A_609 : i32 to vector<16xi32>
        %mul3A_753 = arith.mulf %unpack3A_706, %gather3A_632 : vector<16xf32>
        %scatter3A_754 = arith.constant 0 : i32
        %scatter3A_755 = arith.constant 0 : i32
        %scatter3A_756 = tpu.memref_slice %arg11[%scan3A_99, %scatter3A_754, %scatter3A_755] : memref<4x128x32xf32, #tpu.memory_space<vmem>> -> memref<1x128x32xf32, #tpu.memory_space<vmem>>
        %scatter3A_757 = tpu.memref_squeeze %scatter3A_756 : memref<1x128x32xf32, #tpu.memory_space<vmem>> -> memref<128x32xf32, #tpu.memory_space<vmem>>
        tpu.vector_store_idx %scatter3A_757[%broadcast_in_dim3A_752, %mul3A_3], %mul3A_753 : memref<128x32xf32, #tpu.memory_space<vmem>>[vector<16xi32>, vector<16xi32>], vector<16xf32>,
        %mul3A_758 = arith.mulf %unpack3A_707, %gather3A_632 : vector<16xf32>
        %scatter3A_759 = arith.constant 0 : i32
        %scatter3A_760 = arith.constant 0 : i32
        %scatter3A_761 = tpu.memref_slice %arg11[%scan3A_99, %scatter3A_759, %scatter3A_760] : memref<4x128x32xf32, #tpu.memory_space<vmem>> -> memref<1x128x32xf32, #tpu.memory_space<vmem>>
        %scatter3A_762 = tpu.memref_squeeze %scatter3A_761 : memref<1x128x32xf32, #tpu.memory_space<vmem>> -> memref<128x32xf32, #tpu.memory_space<vmem>>
        tpu.vector_store_idx %scatter3A_762[%broadcast_in_dim3A_752, %add3A_5], %mul3A_758 : memref<128x32xf32, #tpu.memory_space<vmem>>[vector<16xi32>, vector<16xi32>], vector<16xf32>,
        %broadcast_in_dim3A_763 = vector.broadcast %add3A_613 : i32 to vector<16xi32>
        %mul3A_764 = arith.mulf %unpack3A_709, %gather3A_634 : vector<16xf32>
        %scatter3A_765 = arith.constant 0 : i32
        %scatter3A_766 = arith.constant 0 : i32
        %scatter3A_767 = tpu.memref_slice %arg11[%scan3A_99, %scatter3A_765, %scatter3A_766] : memref<4x128x32xf32, #tpu.memory_space<vmem>> -> memref<1x128x32xf32, #tpu.memory_space<vmem>>
        %scatter3A_768 = tpu.memref_squeeze %scatter3A_767 : memref<1x128x32xf32, #tpu.memory_space<vmem>> -> memref<128x32xf32, #tpu.memory_space<vmem>>
        tpu.vector_store_idx %scatter3A_768[%broadcast_in_dim3A_763, %mul3A_3], %mul3A_764 : memref<128x32xf32, #tpu.memory_space<vmem>>[vector<16xi32>, vector<16xi32>], vector<16xf32>,
        %mul3A_769 = arith.mulf %unpack3A_710, %gather3A_634 : vector<16xf32>
        %scatter3A_770 = arith.constant 0 : i32
        %scatter3A_771 = arith.constant 0 : i32
        %scatter3A_772 = tpu.memref_slice %arg11[%scan3A_99, %scatter3A_770, %scatter3A_771] : memref<4x128x32xf32, #tpu.memory_space<vmem>> -> memref<1x128x32xf32, #tpu.memory_space<vmem>>
        %scatter3A_773 = tpu.memref_squeeze %scatter3A_772 : memref<1x128x32xf32, #tpu.memory_space<vmem>> -> memref<128x32xf32, #tpu.memory_space<vmem>>
        tpu.vector_store_idx %scatter3A_773[%broadcast_in_dim3A_763, %add3A_5], %mul3A_769 : memref<128x32xf32, #tpu.memory_space<vmem>>[vector<16xi32>, vector<16xi32>], vector<16xf32>,
        %broadcast_in_dim3A_774 = vector.broadcast %add3A_617 : i32 to vector<16xi32>
        %mul3A_775 = arith.mulf %unpack3A_712, %gather3A_636 : vector<16xf32>
        %scatter3A_776 = arith.constant 0 : i32
        %scatter3A_777 = arith.constant 0 : i32
        %scatter3A_778 = tpu.memref_slice %arg11[%scan3A_99, %scatter3A_776, %scatter3A_777] : memref<4x128x32xf32, #tpu.memory_space<vmem>> -> memref<1x128x32xf32, #tpu.memory_space<vmem>>
        %scatter3A_779 = tpu.memref_squeeze %scatter3A_778 : memref<1x128x32xf32, #tpu.memory_space<vmem>> -> memref<128x32xf32, #tpu.memory_space<vmem>>
        tpu.vector_store_idx %scatter3A_779[%broadcast_in_dim3A_774, %mul3A_3], %mul3A_775 : memref<128x32xf32, #tpu.memory_space<vmem>>[vector<16xi32>, vector<16xi32>], vector<16xf32>,
        %mul3A_780 = arith.mulf %unpack3A_713, %gather3A_636 : vector<16xf32>
        %scatter3A_781 = arith.constant 0 : i32
        %scatter3A_782 = arith.constant 0 : i32
        %scatter3A_783 = tpu.memref_slice %arg11[%scan3A_99, %scatter3A_781, %scatter3A_782] : memref<4x128x32xf32, #tpu.memory_space<vmem>> -> memref<1x128x32xf32, #tpu.memory_space<vmem>>
        %scatter3A_784 = tpu.memref_squeeze %scatter3A_783 : memref<1x128x32xf32, #tpu.memory_space<vmem>> -> memref<128x32xf32, #tpu.memory_space<vmem>>
        tpu.vector_store_idx %scatter3A_784[%broadcast_in_dim3A_774, %add3A_5], %mul3A_780 : memref<128x32xf32, #tpu.memory_space<vmem>>[vector<16xi32>, vector<16xi32>], vector<16xf32>,
        %broadcast_in_dim3A_785 = vector.broadcast %add3A_621 : i32 to vector<16xi32>
        %mul3A_786 = arith.mulf %unpack3A_715, %gather3A_638 : vector<16xf32>
        %scatter3A_787 = arith.constant 0 : i32
        %scatter3A_788 = arith.constant 0 : i32
        %scatter3A_789 = tpu.memref_slice %arg11[%scan3A_99, %scatter3A_787, %scatter3A_788] : memref<4x128x32xf32, #tpu.memory_space<vmem>> -> memref<1x128x32xf32, #tpu.memory_space<vmem>>
        %scatter3A_790 = tpu.memref_squeeze %scatter3A_789 : memref<1x128x32xf32, #tpu.memory_space<vmem>> -> memref<128x32xf32, #tpu.memory_space<vmem>>
        tpu.vector_store_idx %scatter3A_790[%broadcast_in_dim3A_785, %mul3A_3], %mul3A_786 : memref<128x32xf32, #tpu.memory_space<vmem>>[vector<16xi32>, vector<16xi32>], vector<16xf32>,
        %mul3A_791 = arith.mulf %unpack3A_716, %gather3A_638 : vector<16xf32>
        %scatter3A_792 = arith.constant 0 : i32
        %scatter3A_793 = arith.constant 0 : i32
        %scatter3A_794 = tpu.memref_slice %arg11[%scan3A_99, %scatter3A_792, %scatter3A_793] : memref<4x128x32xf32, #tpu.memory_space<vmem>> -> memref<1x128x32xf32, #tpu.memory_space<vmem>>
        %scatter3A_795 = tpu.memref_squeeze %scatter3A_794 : memref<1x128x32xf32, #tpu.memory_space<vmem>> -> memref<128x32xf32, #tpu.memory_space<vmem>>
        tpu.vector_store_idx %scatter3A_795[%broadcast_in_dim3A_785, %add3A_5], %mul3A_791 : memref<128x32xf32, #tpu.memory_space<vmem>>[vector<16xi32>, vector<16xi32>], vector<16xf32>,
        %broadcast_in_dim3A_796 = vector.broadcast %add3A_625 : i32 to vector<16xi32>
        %mul3A_797 = arith.mulf %unpack3A_718, %gather3A_640 : vector<16xf32>
        %scatter3A_798 = arith.constant 0 : i32
        %scatter3A_799 = arith.constant 0 : i32
        %scatter3A_800 = tpu.memref_slice %arg11[%scan3A_99, %scatter3A_798, %scatter3A_799] : memref<4x128x32xf32, #tpu.memory_space<vmem>> -> memref<1x128x32xf32, #tpu.memory_space<vmem>>
        %scatter3A_801 = tpu.memref_squeeze %scatter3A_800 : memref<1x128x32xf32, #tpu.memory_space<vmem>> -> memref<128x32xf32, #tpu.memory_space<vmem>>
        tpu.vector_store_idx %scatter3A_801[%broadcast_in_dim3A_796, %mul3A_3], %mul3A_797 : memref<128x32xf32, #tpu.memory_space<vmem>>[vector<16xi32>, vector<16xi32>], vector<16xf32>,
        %mul3A_802 = arith.mulf %unpack3A_719, %gather3A_640 : vector<16xf32>
        %scatter3A_803 = arith.constant 0 : i32
        %scatter3A_804 = arith.constant 0 : i32
        %scatter3A_805 = tpu.memref_slice %arg11[%scan3A_99, %scatter3A_803, %scatter3A_804] : memref<4x128x32xf32, #tpu.memory_space<vmem>> -> memref<1x128x32xf32, #tpu.memory_space<vmem>>
        %scatter3A_806 = tpu.memref_squeeze %scatter3A_805 : memref<1x128x32xf32, #tpu.memory_space<vmem>> -> memref<128x32xf32, #tpu.memory_space<vmem>>
        tpu.vector_store_idx %scatter3A_806[%broadcast_in_dim3A_796, %add3A_5], %mul3A_802 : memref<128x32xf32, #tpu.memory_space<vmem>>[vector<16xi32>, vector<16xi32>], vector<16xf32>,
        %scan3A_807 = arith.constant 0 : i32
        scf.yield %scan3A_807 : i32
      }
      %scan3A_580 = arith.constant 16 : i32
      %dma_start3A_581 = arith.constant 0 : i32
      %dma_start3A_582 = arith.constant 0 : i32
      %dma_start3A_583 = tpu.memref_slice %arg11[%scan3A_99, %dma_start3A_581, %dma_start3A_582] : memref<4x128x32xf32, #tpu.memory_space<vmem>> -> memref<1x128x32xf32, #tpu.memory_space<vmem>>
      %dma_start3A_584 = tpu.memref_squeeze %dma_start3A_583 : memref<1x128x32xf32, #tpu.memory_space<vmem>> -> memref<128x32xf32, #tpu.memory_space<vmem>>
      %dma_start3A_585 = arith.constant 0 : i32
      %dma_start3A_586 = tpu.memref_slice %arg8[%add3A_498, %dma_start3A_585] : memref<160x128xi32, #tpu.memory_space<vmem>> -> memref<1x128xi32, #tpu.memory_space<vmem>>
      %dma_start3A_587 = tpu.memref_squeeze %dma_start3A_586 : memref<1x128xi32, #tpu.memory_space<vmem>> -> memref<128xi32, #tpu.memory_space<vmem>>
      %dma_start3A_588 = arith.constant 0 : i32
      %dma_start3A_589 = arith.constant 0 : i32
      %dma_start3A_590 = tpu.memref_slice %arg14[%dma_start3A_588, %dma_start3A_589] : memref<10112x32xf32, #tpu.memory_space<vmem_shared>> -> memref<10112x32xf32, #tpu.memory_space<vmem_shared>>
      tpu.enqueue_indirect_dma source(%dma_start3A_584 : memref<128x32xf32, #tpu.memory_space<vmem>>) target(%dma_start3A_590 : memref<10112x32xf32, #tpu.memory_space<vmem_shared>>) offsets(%dma_start3A_587 : memref<128xi32, #tpu.memory_space<vmem>>) semaphore(%arg23 : memref<!tpu.dma_semaphore, #tpu.memory_space<semaphore_mem>>) {add = true}
      %scan3A_591 = arith.constant 0 : i32
      scf.yield %scan3A_591 : i32
    }
    %scan3A_106 = arith.constant 40 : i32
    %dma_wait3A_107 = arith.constant 0 : i32
    %dma_wait3A_108 = arith.constant 0 : i32
    %dma_wait3A_109 = arith.constant 0 : i32
    %dma_wait3A_110 = arith.constant 0 : i32
    %dma_wait3A_111 = tpu.memref_slice %arg11[%dma_wait3A_107, %dma_wait3A_109, %dma_wait3A_110] : memref<4x128x32xf32, #tpu.memory_space<vmem>> -> memref<1x128x32xf32, #tpu.memory_space<vmem>>
    %dma_wait3A_112 = tpu.memref_squeeze %dma_wait3A_111 : memref<1x128x32xf32, #tpu.memory_space<vmem>> -> memref<128x32xf32, #tpu.memory_space<vmem>>
    %dma_wait3A_113 = arith.constant 0 : i32
    %dma_wait3A_114 = tpu.memref_slice %arg8[%dma_wait3A_108, %dma_wait3A_113] : memref<160x128xi32, #tpu.memory_space<vmem>> -> memref<1x128xi32, #tpu.memory_space<vmem>>
    %dma_wait3A_115 = tpu.memref_squeeze %dma_wait3A_114 : memref<1x128xi32, #tpu.memory_space<vmem>> -> memref<128xi32, #tpu.memory_space<vmem>>
    %dma_wait3A_116 = arith.constant 0 : i32
    %dma_wait3A_117 = arith.constant 0 : i32
    %dma_wait3A_118 = tpu.memref_slice %arg14[%dma_wait3A_116, %dma_wait3A_117] : memref<10112x32xf32, #tpu.memory_space<vmem_shared>> -> memref<10112x32xf32, #tpu.memory_space<vmem_shared>>
    tpu.wait_indirect_dma semaphore(%arg20 : memref<!tpu.dma_semaphore, #tpu.memory_space<semaphore_mem>>) src(%dma_wait3A_112 : memref<128x32xf32, #tpu.memory_space<vmem>>) dst(%dma_wait3A_118 : memref<10112x32xf32, #tpu.memory_space<vmem_shared>>)
    %dma_wait3A_119 = arith.constant 1 : i32
    %dma_wait3A_120 = arith.constant 0 : i32
    %dma_wait3A_121 = arith.constant 0 : i32
    %dma_wait3A_122 = arith.constant 0 : i32
    %dma_wait3A_123 = tpu.memref_slice %arg11[%dma_wait3A_119, %dma_wait3A_121, %dma_wait3A_122] : memref<4x128x32xf32, #tpu.memory_space<vmem>> -> memref<1x128x32xf32, #tpu.memory_space<vmem>>
    %dma_wait3A_124 = tpu.memref_squeeze %dma_wait3A_123 : memref<1x128x32xf32, #tpu.memory_space<vmem>> -> memref<128x32xf32, #tpu.memory_space<vmem>>
    %dma_wait3A_125 = arith.constant 0 : i32
    %dma_wait3A_126 = tpu.memref_slice %arg8[%dma_wait3A_120, %dma_wait3A_125] : memref<160x128xi32, #tpu.memory_space<vmem>> -> memref<1x128xi32, #tpu.memory_space<vmem>>
    %dma_wait3A_127 = tpu.memref_squeeze %dma_wait3A_126 : memref<1x128xi32, #tpu.memory_space<vmem>> -> memref<128xi32, #tpu.memory_space<vmem>>
    %dma_wait3A_128 = arith.constant 0 : i32
    %dma_wait3A_129 = arith.constant 0 : i32
    %dma_wait3A_130 = tpu.memref_slice %arg14[%dma_wait3A_128, %dma_wait3A_129] : memref<10112x32xf32, #tpu.memory_space<vmem_shared>> -> memref<10112x32xf32, #tpu.memory_space<vmem_shared>>
    tpu.wait_indirect_dma semaphore(%arg21 : memref<!tpu.dma_semaphore, #tpu.memory_space<semaphore_mem>>) src(%dma_wait3A_124 : memref<128x32xf32, #tpu.memory_space<vmem>>) dst(%dma_wait3A_130 : memref<10112x32xf32, #tpu.memory_space<vmem_shared>>)
    %dma_wait3A_131 = arith.constant 2 : i32
    %dma_wait3A_132 = arith.constant 0 : i32
    %dma_wait3A_133 = arith.constant 0 : i32
    %dma_wait3A_134 = arith.constant 0 : i32
    %dma_wait3A_135 = tpu.memref_slice %arg11[%dma_wait3A_131, %dma_wait3A_133, %dma_wait3A_134] : memref<4x128x32xf32, #tpu.memory_space<vmem>> -> memref<1x128x32xf32, #tpu.memory_space<vmem>>
    %dma_wait3A_136 = tpu.memref_squeeze %dma_wait3A_135 : memref<1x128x32xf32, #tpu.memory_space<vmem>> -> memref<128x32xf32, #tpu.memory_space<vmem>>
    %dma_wait3A_137 = arith.constant 0 : i32
    %dma_wait3A_138 = tpu.memref_slice %arg8[%dma_wait3A_132, %dma_wait3A_137] : memref<160x128xi32, #tpu.memory_space<vmem>> -> memref<1x128xi32, #tpu.memory_space<vmem>>
    %dma_wait3A_139 = tpu.memref_squeeze %dma_wait3A_138 : memref<1x128xi32, #tpu.memory_space<vmem>> -> memref<128xi32, #tpu.memory_space<vmem>>
    %dma_wait3A_140 = arith.constant 0 : i32
    %dma_wait3A_141 = arith.constant 0 : i32
    %dma_wait3A_142 = tpu.memref_slice %arg14[%dma_wait3A_140, %dma_wait3A_141] : memref<10112x32xf32, #tpu.memory_space<vmem_shared>> -> memref<10112x32xf32, #tpu.memory_space<vmem_shared>>
    tpu.wait_indirect_dma semaphore(%arg22 : memref<!tpu.dma_semaphore, #tpu.memory_space<semaphore_mem>>) src(%dma_wait3A_136 : memref<128x32xf32, #tpu.memory_space<vmem>>) dst(%dma_wait3A_142 : memref<10112x32xf32, #tpu.memory_space<vmem_shared>>)
    %dma_wait3A_143 = arith.constant 3 : i32
    %dma_wait3A_144 = arith.constant 0 : i32
    %dma_wait3A_145 = arith.constant 0 : i32
    %dma_wait3A_146 = arith.constant 0 : i32
    %dma_wait3A_147 = tpu.memref_slice %arg11[%dma_wait3A_143, %dma_wait3A_145, %dma_wait3A_146] : memref<4x128x32xf32, #tpu.memory_space<vmem>> -> memref<1x128x32xf32, #tpu.memory_space<vmem>>
    %dma_wait3A_148 = tpu.memref_squeeze %dma_wait3A_147 : memref<1x128x32xf32, #tpu.memory_space<vmem>> -> memref<128x32xf32, #tpu.memory_space<vmem>>
    %dma_wait3A_149 = arith.constant 0 : i32
    %dma_wait3A_150 = tpu.memref_slice %arg8[%dma_wait3A_144, %dma_wait3A_149] : memref<160x128xi32, #tpu.memory_space<vmem>> -> memref<1x128xi32, #tpu.memory_space<vmem>>
    %dma_wait3A_151 = tpu.memref_squeeze %dma_wait3A_150 : memref<1x128xi32, #tpu.memory_space<vmem>> -> memref<128xi32, #tpu.memory_space<vmem>>
    %dma_wait3A_152 = arith.constant 0 : i32
    %dma_wait3A_153 = arith.constant 0 : i32
    %dma_wait3A_154 = tpu.memref_slice %arg14[%dma_wait3A_152, %dma_wait3A_153] : memref<10112x32xf32, #tpu.memory_space<vmem_shared>> -> memref<10112x32xf32, #tpu.memory_space<vmem_shared>>
    tpu.wait_indirect_dma semaphore(%arg23 : memref<!tpu.dma_semaphore, #tpu.memory_space<semaphore_mem>>) src(%dma_wait3A_148 : memref<128x32xf32, #tpu.memory_space<vmem>>) dst(%dma_wait3A_154 : memref<10112x32xf32, #tpu.memory_space<vmem_shared>>)
    %dma_wait3A_155 = arith.constant 0 : i32
    %dma_wait3A_156 = arith.constant 0 : i32
    %dma_wait3A_157 = arith.constant 0 : i32
    %dma_wait3A_158 = arith.constant 0 : i32
    %dma_wait3A_159 = tpu.memref_slice %arg10[%dma_wait3A_156, %dma_wait3A_157, %dma_wait3A_158] : memref<4x128x16xi32, #tpu.memory_space<vmem>> -> memref<1x128x16xi32, #tpu.memory_space<vmem>>
    %dma_wait3A_160 = tpu.memref_squeeze %dma_wait3A_159 : memref<1x128x16xi32, #tpu.memory_space<vmem>> -> memref<128x16xi32, #tpu.memory_space<vmem>>
    %dma_wait3A_161 = arith.constant 0 : i32
    %dma_wait3A_162 = tpu.memref_slice %arg7[%dma_wait3A_155, %dma_wait3A_161] : memref<160x128xi32, #tpu.memory_space<vmem>> -> memref<1x128xi32, #tpu.memory_space<vmem>>
    %dma_wait3A_163 = tpu.memref_squeeze %dma_wait3A_162 : memref<1x128xi32, #tpu.memory_space<vmem>> -> memref<128xi32, #tpu.memory_space<vmem>>
    %dma_wait3A_164 = arith.constant 0 : i32
    %dma_wait3A_165 = arith.constant 0 : i32
    %dma_wait3A_166 = tpu.memref_slice %arg15[%dma_wait3A_164, %dma_wait3A_165] : memref<10112x16xi32, #tpu.memory_space<vmem_shared>> -> memref<10112x16xi32, #tpu.memory_space<vmem_shared>>
    tpu.wait_indirect_dma semaphore(%arg16 : memref<!tpu.dma_semaphore, #tpu.memory_space<semaphore_mem>>) src(%dma_wait3A_166 : memref<10112x16xi32, #tpu.memory_space<vmem_shared>>) dst(%dma_wait3A_160 : memref<128x16xi32, #tpu.memory_space<vmem>>)
    %dma_wait3A_167 = arith.constant 0 : i32
    %dma_wait3A_168 = arith.constant 1 : i32
    %dma_wait3A_169 = arith.constant 0 : i32
    %dma_wait3A_170 = arith.constant 0 : i32
    %dma_wait3A_171 = tpu.memref_slice %arg10[%dma_wait3A_168, %dma_wait3A_169, %dma_wait3A_170] : memref<4x128x16xi32, #tpu.memory_space<vmem>> -> memref<1x128x16xi32, #tpu.memory_space<vmem>>
    %dma_wait3A_172 = tpu.memref_squeeze %dma_wait3A_171 : memref<1x128x16xi32, #tpu.memory_space<vmem>> -> memref<128x16xi32, #tpu.memory_space<vmem>>
    %dma_wait3A_173 = arith.constant 0 : i32
    %dma_wait3A_174 = tpu.memref_slice %arg7[%dma_wait3A_167, %dma_wait3A_173] : memref<160x128xi32, #tpu.memory_space<vmem>> -> memref<1x128xi32, #tpu.memory_space<vmem>>
    %dma_wait3A_175 = tpu.memref_squeeze %dma_wait3A_174 : memref<1x128xi32, #tpu.memory_space<vmem>> -> memref<128xi32, #tpu.memory_space<vmem>>
    %dma_wait3A_176 = arith.constant 0 : i32
    %dma_wait3A_177 = arith.constant 0 : i32
    %dma_wait3A_178 = tpu.memref_slice %arg15[%dma_wait3A_176, %dma_wait3A_177] : memref<10112x16xi32, #tpu.memory_space<vmem_shared>> -> memref<10112x16xi32, #tpu.memory_space<vmem_shared>>
    tpu.wait_indirect_dma semaphore(%arg17 : memref<!tpu.dma_semaphore, #tpu.memory_space<semaphore_mem>>) src(%dma_wait3A_178 : memref<10112x16xi32, #tpu.memory_space<vmem_shared>>) dst(%dma_wait3A_172 : memref<128x16xi32, #tpu.memory_space<vmem>>)
    %dma_wait3A_179 = arith.constant 0 : i32
    %dma_wait3A_180 = arith.constant 2 : i32
    %dma_wait3A_181 = arith.constant 0 : i32
    %dma_wait3A_182 = arith.constant 0 : i32
    %dma_wait3A_183 = tpu.memref_slice %arg10[%dma_wait3A_180, %dma_wait3A_181, %dma_wait3A_182] : memref<4x128x16xi32, #tpu.memory_space<vmem>> -> memref<1x128x16xi32, #tpu.memory_space<vmem>>
    %dma_wait3A_184 = tpu.memref_squeeze %dma_wait3A_183 : memref<1x128x16xi32, #tpu.memory_space<vmem>> -> memref<128x16xi32, #tpu.memory_space<vmem>>
    %dma_wait3A_185 = arith.constant 0 : i32
    %dma_wait3A_186 = tpu.memref_slice %arg7[%dma_wait3A_179, %dma_wait3A_185] : memref<160x128xi32, #tpu.memory_space<vmem>> -> memref<1x128xi32, #tpu.memory_space<vmem>>
    %dma_wait3A_187 = tpu.memref_squeeze %dma_wait3A_186 : memref<1x128xi32, #tpu.memory_space<vmem>> -> memref<128xi32, #tpu.memory_space<vmem>>
    %dma_wait3A_188 = arith.constant 0 : i32
    %dma_wait3A_189 = arith.constant 0 : i32
    %dma_wait3A_190 = tpu.memref_slice %arg15[%dma_wait3A_188, %dma_wait3A_189] : memref<10112x16xi32, #tpu.memory_space<vmem_shared>> -> memref<10112x16xi32, #tpu.memory_space<vmem_shared>>
    tpu.wait_indirect_dma semaphore(%arg18 : memref<!tpu.dma_semaphore, #tpu.memory_space<semaphore_mem>>) src(%dma_wait3A_190 : memref<10112x16xi32, #tpu.memory_space<vmem_shared>>) dst(%dma_wait3A_184 : memref<128x16xi32, #tpu.memory_space<vmem>>)
    %barrier3A_191 = arith.constant 0 : index
    tpu.barrier barrier_id(%barrier3A_191)
    %add3A_192 = arith.constant 0 : i32
    %add3A_193 = arith.addi %mul3A_0, %add3A_192 : i32
    %add3A_194 = arith.constant 0 : i32
    %add3A_195 = arith.addi %mul3A_0, %add3A_194 : i32
    "tpu.region"() ({
      %run_scoped3A = tpu.sem_alloc : memref<!tpu.dma_semaphore, #tpu.memory_space<semaphore_mem>>
      %dma_start3A_212 = arith.constant 0 : i32
      %dma_start3A_213 = tpu.memref_slice %arg5[%arg0, %add3A_195, %dma_start3A_212] : memref<2x10240x32xf32, #tpu.memory_space<hbm>> -> memref<1x128x32xf32, #tpu.memory_space<hbm>>
      %dma_start3A_214 = tpu.memref_squeeze %dma_start3A_213 : memref<1x128x32xf32, #tpu.memory_space<hbm>> -> memref<128x32xf32, #tpu.memory_space<hbm>>
      %dma_start3A_215 = arith.constant 0 : i32
      %dma_start3A_216 = tpu.memref_slice %arg14[%add3A_193, %dma_start3A_215] : memref<10112x32xf32, #tpu.memory_space<vmem_shared>> -> memref<128x32xf32, #tpu.memory_space<vmem_shared>>
      tpu.enqueue_dma source(%dma_start3A_216 : memref<128x32xf32, #tpu.memory_space<vmem_shared>>) target(%dma_start3A_214 : memref<128x32xf32, #tpu.memory_space<hbm>>) target_semaphore(%run_scoped3A : memref<!tpu.dma_semaphore, #tpu.memory_space<semaphore_mem>>)
      %dma_wait3A_217 = arith.constant 0 : i32
      %dma_wait3A_218 = tpu.memref_slice %arg5[%arg0, %add3A_195, %dma_wait3A_217] : memref<2x10240x32xf32, #tpu.memory_space<hbm>> -> memref<1x128x32xf32, #tpu.memory_space<hbm>>
      %dma_wait3A_219 = tpu.memref_squeeze %dma_wait3A_218 : memref<1x128x32xf32, #tpu.memory_space<hbm>> -> memref<128x32xf32, #tpu.memory_space<hbm>>
      %dma_wait3A_220 = arith.constant 0 : i32
      %dma_wait3A_221 = tpu.memref_slice %arg14[%add3A_193, %dma_wait3A_220] : memref<10112x32xf32, #tpu.memory_space<vmem_shared>> -> memref<128x32xf32, #tpu.memory_space<vmem_shared>>
      tpu.wait_dma2 semaphore(%run_scoped3A : memref<!tpu.dma_semaphore, #tpu.memory_space<semaphore_mem>>) src(%dma_wait3A_221 : memref<128x32xf32, #tpu.memory_space<vmem_shared>>) dst(%dma_wait3A_219 : memref<128x32xf32, #tpu.memory_space<hbm>>)
      tpu.yield
    }) : () -> ()
    %add3A_196 = arith.constant 128 : i32
    %add3A_197 = arith.addi %mul3A_0, %add3A_196 : i32
    %add3A_198 = arith.constant 128 : i32
    %add3A_199 = arith.addi %mul3A_0, %add3A_198 : i32
    "tpu.region"() ({
      %run_scoped3A = tpu.sem_alloc : memref<!tpu.dma_semaphore, #tpu.memory_space<semaphore_mem>>
      %dma_start3A_212 = arith.constant 0 : i32
      %dma_start3A_213 = tpu.memref_slice %arg5[%arg0, %add3A_199, %dma_start3A_212] : memref<2x10240x32xf32, #tpu.memory_space<hbm>> -> memref<1x128x32xf32, #tpu.memory_space<hbm>>
      %dma_start3A_214 = tpu.memref_squeeze %dma_start3A_213 : memref<1x128x32xf32, #tpu.memory_space<hbm>> -> memref<128x32xf32, #tpu.memory_space<hbm>>
      %dma_start3A_215 = arith.constant 0 : i32
      %dma_start3A_216 = tpu.memref_slice %arg14[%add3A_197, %dma_start3A_215] : memref<10112x32xf32, #tpu.memory_space<vmem_shared>> -> memref<128x32xf32, #tpu.memory_space<vmem_shared>>
      tpu.enqueue_dma source(%dma_start3A_216 : memref<128x32xf32, #tpu.memory_space<vmem_shared>>) target(%dma_start3A_214 : memref<128x32xf32, #tpu.memory_space<hbm>>) target_semaphore(%run_scoped3A : memref<!tpu.dma_semaphore, #tpu.memory_space<semaphore_mem>>)
      %dma_wait3A_217 = arith.constant 0 : i32
      %dma_wait3A_218 = tpu.memref_slice %arg5[%arg0, %add3A_199, %dma_wait3A_217] : memref<2x10240x32xf32, #tpu.memory_space<hbm>> -> memref<1x128x32xf32, #tpu.memory_space<hbm>>
      %dma_wait3A_219 = tpu.memref_squeeze %dma_wait3A_218 : memref<1x128x32xf32, #tpu.memory_space<hbm>> -> memref<128x32xf32, #tpu.memory_space<hbm>>
      %dma_wait3A_220 = arith.constant 0 : i32
      %dma_wait3A_221 = tpu.memref_slice %arg14[%add3A_197, %dma_wait3A_220] : memref<10112x32xf32, #tpu.memory_space<vmem_shared>> -> memref<128x32xf32, #tpu.memory_space<vmem_shared>>
      tpu.wait_dma2 semaphore(%run_scoped3A : memref<!tpu.dma_semaphore, #tpu.memory_space<semaphore_mem>>) src(%dma_wait3A_221 : memref<128x32xf32, #tpu.memory_space<vmem_shared>>) dst(%dma_wait3A_219 : memref<128x32xf32, #tpu.memory_space<hbm>>)
      tpu.yield
    }) : () -> ()
    %add3A_200 = arith.constant 256 : i32
    %add3A_201 = arith.addi %mul3A_0, %add3A_200 : i32
    %add3A_202 = arith.constant 256 : i32
    %add3A_203 = arith.addi %mul3A_0, %add3A_202 : i32
    "tpu.region"() ({
      %run_scoped3A = tpu.sem_alloc : memref<!tpu.dma_semaphore, #tpu.memory_space<semaphore_mem>>
      %dma_start3A_212 = arith.constant 0 : i32
      %dma_start3A_213 = tpu.memref_slice %arg5[%arg0, %add3A_203, %dma_start3A_212] : memref<2x10240x32xf32, #tpu.memory_space<hbm>> -> memref<1x128x32xf32, #tpu.memory_space<hbm>>
      %dma_start3A_214 = tpu.memref_squeeze %dma_start3A_213 : memref<1x128x32xf32, #tpu.memory_space<hbm>> -> memref<128x32xf32, #tpu.memory_space<hbm>>
      %dma_start3A_215 = arith.constant 0 : i32
      %dma_start3A_216 = tpu.memref_slice %arg14[%add3A_201, %dma_start3A_215] : memref<10112x32xf32, #tpu.memory_space<vmem_shared>> -> memref<128x32xf32, #tpu.memory_space<vmem_shared>>
      tpu.enqueue_dma source(%dma_start3A_216 : memref<128x32xf32, #tpu.memory_space<vmem_shared>>) target(%dma_start3A_214 : memref<128x32xf32, #tpu.memory_space<hbm>>) target_semaphore(%run_scoped3A : memref<!tpu.dma_semaphore, #tpu.memory_space<semaphore_mem>>)
      %dma_wait3A_217 = arith.constant 0 : i32
      %dma_wait3A_218 = tpu.memref_slice %arg5[%arg0, %add3A_203, %dma_wait3A_217] : memref<2x10240x32xf32, #tpu.memory_space<hbm>> -> memref<1x128x32xf32, #tpu.memory_space<hbm>>
      %dma_wait3A_219 = tpu.memref_squeeze %dma_wait3A_218 : memref<1x128x32xf32, #tpu.memory_space<hbm>> -> memref<128x32xf32, #tpu.memory_space<hbm>>
      %dma_wait3A_220 = arith.constant 0 : i32
      %dma_wait3A_221 = tpu.memref_slice %arg14[%add3A_201, %dma_wait3A_220] : memref<10112x32xf32, #tpu.memory_space<vmem_shared>> -> memref<128x32xf32, #tpu.memory_space<vmem_shared>>
      tpu.wait_dma2 semaphore(%run_scoped3A : memref<!tpu.dma_semaphore, #tpu.memory_space<semaphore_mem>>) src(%dma_wait3A_221 : memref<128x32xf32, #tpu.memory_space<vmem_shared>>) dst(%dma_wait3A_219 : memref<128x32xf32, #tpu.memory_space<hbm>>)
      tpu.yield
    }) : () -> ()
    %add3A_204 = arith.constant 384 : i32
    %add3A_205 = arith.addi %mul3A_0, %add3A_204 : i32
    %add3A_206 = arith.constant 384 : i32
    %add3A_207 = arith.addi %mul3A_0, %add3A_206 : i32
    "tpu.region"() ({
      %run_scoped3A = tpu.sem_alloc : memref<!tpu.dma_semaphore, #tpu.memory_space<semaphore_mem>>
      %dma_start3A_212 = arith.constant 0 : i32
      %dma_start3A_213 = tpu.memref_slice %arg5[%arg0, %add3A_207, %dma_start3A_212] : memref<2x10240x32xf32, #tpu.memory_space<hbm>> -> memref<1x128x32xf32, #tpu.memory_space<hbm>>
      %dma_start3A_214 = tpu.memref_squeeze %dma_start3A_213 : memref<1x128x32xf32, #tpu.memory_space<hbm>> -> memref<128x32xf32, #tpu.memory_space<hbm>>
      %dma_start3A_215 = arith.constant 0 : i32
      %dma_start3A_216 = tpu.memref_slice %arg14[%add3A_205, %dma_start3A_215] : memref<10112x32xf32, #tpu.memory_space<vmem_shared>> -> memref<128x32xf32, #tpu.memory_space<vmem_shared>>
      tpu.enqueue_dma source(%dma_start3A_216 : memref<128x32xf32, #tpu.memory_space<vmem_shared>>) target(%dma_start3A_214 : memref<128x32xf32, #tpu.memory_space<hbm>>) target_semaphore(%run_scoped3A : memref<!tpu.dma_semaphore, #tpu.memory_space<semaphore_mem>>)
      %dma_wait3A_217 = arith.constant 0 : i32
      %dma_wait3A_218 = tpu.memref_slice %arg5[%arg0, %add3A_207, %dma_wait3A_217] : memref<2x10240x32xf32, #tpu.memory_space<hbm>> -> memref<1x128x32xf32, #tpu.memory_space<hbm>>
      %dma_wait3A_219 = tpu.memref_squeeze %dma_wait3A_218 : memref<1x128x32xf32, #tpu.memory_space<hbm>> -> memref<128x32xf32, #tpu.memory_space<hbm>>
      %dma_wait3A_220 = arith.constant 0 : i32
      %dma_wait3A_221 = tpu.memref_slice %arg14[%add3A_205, %dma_wait3A_220] : memref<10112x32xf32, #tpu.memory_space<vmem_shared>> -> memref<128x32xf32, #tpu.memory_space<vmem_shared>>
      tpu.wait_dma2 semaphore(%run_scoped3A : memref<!tpu.dma_semaphore, #tpu.memory_space<semaphore_mem>>) src(%dma_wait3A_221 : memref<128x32xf32, #tpu.memory_space<vmem_shared>>) dst(%dma_wait3A_219 : memref<128x32xf32, #tpu.memory_space<hbm>>)
      tpu.yield
    }) : () -> ()
    %add3A_208 = arith.constant 512 : i32
    %add3A_209 = arith.addi %mul3A_0, %add3A_208 : i32
    %add3A_210 = arith.constant 512 : i32
    %add3A_211 = arith.addi %mul3A_0, %add3A_210 : i32
    "tpu.region"() ({
      %run_scoped3A = tpu.sem_alloc : memref<!tpu.dma_semaphore, #tpu.memory_space<semaphore_mem>>
      %dma_start3A_212 = arith.constant 0 : i32
      %dma_start3A_213 = tpu.memref_slice %arg5[%arg0, %add3A_211, %dma_start3A_212] : memref<2x10240x32xf32, #tpu.memory_space<hbm>> -> memref<1x120x32xf32, #tpu.memory_space<hbm>>
      %dma_start3A_214 = tpu.memref_squeeze %dma_start3A_213 : memref<1x120x32xf32, #tpu.memory_space<hbm>> -> memref<120x32xf32, #tpu.memory_space<hbm>>
      %dma_start3A_215 = arith.constant 0 : i32
      %dma_start3A_216 = tpu.memref_slice %arg14[%add3A_209, %dma_start3A_215] : memref<10112x32xf32, #tpu.memory_space<vmem_shared>> -> memref<120x32xf32, #tpu.memory_space<vmem_shared>>
      tpu.enqueue_dma source(%dma_start3A_216 : memref<120x32xf32, #tpu.memory_space<vmem_shared>>) target(%dma_start3A_214 : memref<120x32xf32, #tpu.memory_space<hbm>>) target_semaphore(%run_scoped3A : memref<!tpu.dma_semaphore, #tpu.memory_space<semaphore_mem>>)
      %dma_wait3A_217 = arith.constant 0 : i32
      %dma_wait3A_218 = tpu.memref_slice %arg5[%arg0, %add3A_211, %dma_wait3A_217] : memref<2x10240x32xf32, #tpu.memory_space<hbm>> -> memref<1x120x32xf32, #tpu.memory_space<hbm>>
      %dma_wait3A_219 = tpu.memref_squeeze %dma_wait3A_218 : memref<1x120x32xf32, #tpu.memory_space<hbm>> -> memref<120x32xf32, #tpu.memory_space<hbm>>
      %dma_wait3A_220 = arith.constant 0 : i32
      %dma_wait3A_221 = tpu.memref_slice %arg14[%add3A_209, %dma_wait3A_220] : memref<10112x32xf32, #tpu.memory_space<vmem_shared>> -> memref<120x32xf32, #tpu.memory_space<vmem_shared>>
      tpu.wait_dma2 semaphore(%run_scoped3A : memref<!tpu.dma_semaphore, #tpu.memory_space<semaphore_mem>>) src(%dma_wait3A_221 : memref<120x32xf32, #tpu.memory_space<vmem_shared>>) dst(%dma_wait3A_219 : memref<120x32xf32, #tpu.memory_space<hbm>>)
      tpu.yield
    }) : () -> ()
    return
  }
}

</mosaic_0001>

<sc_bundles>
// kernel: _spmm_sc.3.cloned.1.call-start
scs
__scs_entry_jumppad:
0x0: {  	(pc) =	sbr.rel $0x88, $3  }
0x1: {  	(tag) =	ssettag $0x0;
	lr =	simm.s32 $0x1  }
0x2: {  	[smem:$0x3F9E] =	sst lr;
	_ =	strace $0xD0000000  }
0x3: {  	_ = 	snop  }
0x4: {  	_ = 	snop  }
0x5: {  	_ = 	snop  }
0x6: {  	_ = 	snop  }
0x7: {  	_ = 	snop  }
__scs_overlays_trampoline_lowered:
0x8: {  	[smem:$0x3FAD] =	sst s0  }
0x9: {  	[smem:$0x3FAE] =	sst s1  }
0xa: {  	[smem:$0x3FAF] =	sst s2  }
0xb: {  	[smem:$0x3FB0] =	sst s3  }
0xc: {  	[smem:$0x3FB1] =	sst s4  }
0xd: {  	[smem:$0x3FB2] =	sst s5  }
0xe: {  	[smem:$0x3FB3] =	sst s6  }
0xf: {  	[smem:$0x3FB4] =	sst s7  }
0x10: {  	[smem:$0x3FB5] =	sst s8  }
0x11: {  	[smem:$0x3FB6] =	sst s9;
	s0 =	simm.s32 @!p0 $0x0  }
0x12: {  	s1 =	sld [smem:$0x3F9C];
	s0 =	simm.s32 @p0 $0x1  }
0x13: {  	[smem:$0x3FB7] =	sst s0;
	s0 =	simm.s32 @!p1 $0x0  }
0x14: {  	s2 =	sld [smem:$0x3F9B];
	s0 =	simm.s32 @p1 $0x1  }
0x15: {  	[smem:$0x3FB8] =	sst s0;
	s0 =	simm.s32 @!p2 $0x0  }
0x16: {  	s3 =	sld [smem:$0x3FDB];
	s0 =	simm.s32 @p2 $0x1  }
0x17: {  	s4 =	simm.s32 $0x1BF5;
	[smem:$0x3FBA] =	sst s0  }
0x18: {  	s0 =	sld [smem:$0x3F9D];
	_ =	swait.ge [sflag:s4], $0x0  }
0x19: {  	s7 =	sld [smem:$0x3F9E]  }
0x1a: {  	s8 =	sadd.s32 $0xFFFFE003, lr  }
0x1b: {  	s9 =	sadd.s32 $0xFFFFFEF7, lr;
	s5 =	simm.s32 $0xFFFFFFFF;
	p2 =	slt.u32 s8, $0xFFFFF086  }
0x1c: {  	p1 =	slt.u32 s9, $0xF7A;
	s5 =	simm.s32 @!p2 $0x0  }
0x1d: {  	s5 =	simm.s32 @p1 $0x1;
	p0 =	seq.s32 s7, s2  }
0x1e: {  	s7 =	smul.u32 @!p0 $0xF7A, s2;
	p2 =	seq.s32 @!p0 s5, $0x0  }
0x1f: {  	s9 =	smul.u32 $0xF7A, s1;
	s8 =	simm.s32 @!p0 $0x1BF5;
	p2 =	por !p2, p0  }
0x20: {  	[sflag:s8] =	ssyncset.s32 @!p0 $0xFFFFF086;
	s6 =	sadd.s32 @!p0 s3, s7;
	s7 =	simm.s32 @!p0 $0x108  }
0x21: {  	s3 =	sadd.s32 s3, s9;
	s6 =	sadd.s32 @!p0 $0x88, s6;
	s7 =	simm.s32 @p2 $0x1082  }
0x22: {  	[simem:s7], [sflag:s8] =	dma.local @!p0 [hbm:s6], $0xF7A  }
0x23: {  	s9 =	sor.u32 $0xD0000000, s2;
	s6 =	simm.s32 $0x108;
	_ =	swait.ge @!p0 [sflag:s8], $0x0  }
0x24: {  	s3 =	sadd.s32 $0x88, s3;
	s6 =	simm.s32 @!p1 $0x1082;
	[sflag:s4] =	ssyncset.s32 $0xFFFFF086  }
0x25: {  	[simem:s6], [sflag:s4] =	dma.local [hbm:s3], $0xF7A  }
0x26: {  	[smem:$0x3F9E] =	sst s1;
	(tag) =	ssettag s2;
	_ =	strace s9  }
0x27: {  	s1 =	sld [smem:$0x3FAE]  }
0x28: {  	s2 =	sld [smem:$0x3FAF]  }
0x29: {  	s4 =	sld [smem:$0x3FB1]  }
0x2a: {  	p0 =	seq.s32 s5, $0x0;
	s5 =	sld [smem:$0x3FB2]  }
0x2b: {  	s6 =	sld [smem:$0x3FB3]  }
0x2c: {  	s7 =	sld [smem:$0x3FB4]  }
0x2d: {  	s3 =	simm.s32 $0x108;
	s8 =	sld [smem:$0x3FB5]  }
0x2e: {  	s3 =	simm.s32 @!p0 $0x1082;
	s9 =	sld [smem:$0x3FB6]  }
0x2f: {  	lr =	sadd.s32 s0, s3;
	s0 =	sld [smem:$0x3FAD]  }
0x30: {  	s3 =	sld [smem:$0x3FB0]  }
0x31: {  	[smem:$0x3FB9] =	sst s10  }
0x32: {  	s10 =	sld [smem:$0x3FB7];
	_ =	sdelay $0x3  }
0x33: {  	p0 =	seq.s32 s10, $0x1;
	s10 =	sld [smem:$0x3FB9];
	_ =	sdelay $0x3  }
0x34: {  	[smem:$0x3FB9] =	sst s10  }
0x35: {  	s10 =	sld [smem:$0x3FB8];
	_ =	sdelay $0x3  }
0x36: {  	p1 =	seq.s32 s10, $0x1;
	s10 =	sld [smem:$0x3FB9];
	_ =	sdelay $0x3  }
0x37: {  	[smem:$0x3FB9] =	sst s10  }
0x38: {  	s10 =	sld [smem:$0x3FBA]  }
0x39: {  	_ = 	snop;
	(pc) =	sbr.ind lr, $3  }
0x3a: {  	_ = 	snop  }
0x3b: {  	_ = 	snop  }
0x3c: {  	p2 =	seq.s32 s10, $0x1;
	s10 =	sld [smem:$0x3FB9]  }
0x3d: {  	_ =	shalt  }
0x3e: {  	_ =	shalt  }
0x3f: {  	_ =	shalt  }
0x40: {  	_ =	shalt  }
0x41: {  	_ =	shalt  }
0x42: {  	_ =	shalt  }
0x43: {  	_ =	shalt  }
0x44: {  	_ =	shalt  }
0x45: {  	_ =	shalt  }
0x46: {  	_ =	shalt  }
0x47: {  	_ =	shalt  }
0x48: {  	_ =	shalt  }
0x49: {  	_ =	shalt  }
0x4a: {  	_ =	shalt  }
0x4b: {  	_ =	shalt  }
0x4c: {  	_ =	shalt  }
0x4d: {  	_ =	shalt  }
0x4e: {  	_ =	shalt  }
0x4f: {  	_ =	shalt  }
0x50: {  	_ =	shalt  }
0x51: {  	_ =	shalt  }
0x52: {  	_ =	shalt  }
0x53: {  	_ =	shalt  }
0x54: {  	_ =	shalt  }
0x55: {  	_ =	shalt  }
0x56: {  	_ =	shalt  }
0x57: {  	_ =	shalt  }
0x58: {  	_ =	shalt  }
0x59: {  	_ =	shalt  }
0x5a: {  	_ =	shalt  }
0x5b: {  	_ =	shalt  }
0x5c: {  	_ =	shalt  }
0x5d: {  	_ =	shalt  }
0x5e: {  	_ =	shalt  }
0x5f: {  	_ =	shalt  }
0x60: {  	_ =	shalt  }
0x61: {  	_ =	shalt  }
0x62: {  	_ =	shalt  }
0x63: {  	_ =	shalt  }
0x64: {  	_ =	shalt  }
0x65: {  	_ =	shalt  }
0x66: {  	_ =	shalt  }
0x67: {  	_ =	shalt  }
0x68: {  	_ =	shalt  }
0x69: {  	_ =	shalt  }
0x6a: {  	_ =	shalt  }
0x6b: {  	_ =	shalt  }
0x6c: {  	_ =	shalt  }
0x6d: {  	_ =	shalt  }
0x6e: {  	_ =	shalt  }
0x6f: {  	_ =	shalt  }
0x70: {  	_ =	shalt  }
0x71: {  	_ =	shalt  }
0x72: {  	_ =	shalt  }
0x73: {  	_ =	shalt  }
0x74: {  	_ =	shalt  }
0x75: {  	_ =	shalt  }
0x76: {  	_ =	shalt  }
0x77: {  	_ =	shalt  }
0x78: {  	_ =	shalt  }
0x79: {  	_ =	shalt  }
0x7a: {  	_ =	shalt  }
0x7b: {  	_ =	shalt  }
0x7c: {  	_ =	shalt  }
0x7d: {  	_ =	shalt  }
0x7e: {  	_ =	shalt  }
0x7f: {  	_ =	shalt  }
0x80: {  	_ =	shalt  }
0x81: {  	_ =	shalt  }
0x82: {  	_ =	shalt  }
0x83: {  	_ =	shalt  }
0x84: {  	_ =	shalt  }
0x85: {  	_ =	shalt  }
0x86: {  	_ =	shalt  }
0x87: {  	_ =	shalt  }
.Lfunc_end0:
.L_simem_size_0:
called_computation_lowered:
.L_overlay_start_0:
0x88: {  	s2 =	sld [smem:$0x3FD9]  }
0x89: {  	s3 =	sld [smem:$0x3FFE];
	_ =	sdelay $0x1  }
0x8a: {  	s1 =	srdreg.scid  }
0x8b: {  	s0 =	sand.u32 $0x1, s1  }
0x8c: {  	s17 =	sshll.u32 s0, $0xA;
	s2 =	sadd.s32 s3, s2  }
0x8d: {  	s2 =	sadd.s32 s2, s17  }
0x8e: {  	[smem:$0x3FC5] =	sst s2  }
0x8f: {  	_ = 	snop  }
0x90: {  	s2 =	sld [smem:$0x3FC8]  }
0x91: {  	s18 =	sld [smem:$0x3FD0];
	(tm) =	ssettm $0x1  }
0x92: {  	s4 =	sld [smem:$0x3FFB];
	_ =	sdelay $0x3  }
0x93: {  	_ =	strace s4  }
0x94: {  	s4 =	sld [smem:$0x3FFC];
	_ =	sdelay $0x3  }
0x95: {  	_ =	strace s4  }
0x96: {  	s4 =	sld [smem:$0x3FFD];
	_ =	sdelay $0x3  }
0x97: {  	_ =	strace s4  }
0x98: {  	_ =	strace $0x8FFFFFFF  }
0x99: {  	s19 =	sld [smem:$0x3FDB];
	_ =	sdelay $0x1  }
0x9a: {  	s5 =	simm.s32 $_scs_section_size  }
0x9b: {  	s6 =	simm.s32 $_size__tile_overlayer_lowered;
	s7 =	simm.s32 $_tile_overlayer_lowered  }
0x9c: {  	s22 =	simm.s32 $0x1BFF;
	s21 =	sshll.u32 s7, $0x1;
	s4 =	sadd.s32 s5, s19  }
0x9d: {  	s8 =	simm.s32 $0x0;
	s20 =	sshll.u32 s6, $0x1;
	s6 =	sadd.s32 s21, s4  }
0x9e: {  	[timem:s8], [sflag:s22] =	dma.local [hbm:s6], s20  }
0x9f: {  	_ =	swait.ge [sflag:s22], s20  }
0xa0: {  	s5 =	ssub.s32 $0x0, s20;
	[sflag:s22] =	ssyncset.done $0x0  }
0xa1: {  	[sflag:s22] =	ssyncadd.s32 s5;
	_ =	sdelay $0x1  }
0xa2: {  	s23 =	simm.s32 $0x1B8B  }
0xa3: {  	_ =	swait.ge [sflag:s23], $0x1  }
0xa4: {  	[sflag:s23] =	ssyncset.done $0x0  }
0xa5: {  	s25 =	simm.s32 $0x1B8E;
	s24 =	sld [smem:$0x3FFE];
	[sflag:s23] =	ssyncadd.s32 $0xFFFFFFFF  }
0xa6: {  	s26 =	simm.s32 $execute0_lowered;
	[smem:$0x3FD2] =	sst s25  }
0xa7: {  	s6 =	sshll.u32 s26, $0x1;
	_ =	strace $0x80000046;
	[dreg:$0x1] =	wrdreg $0xFFFFFFFF  }
0xa8: {  	s28 =	simm.s32 $_size_execute0_lowered;
	s4 =	sadd.s32 s4, s6;
	[dreg:$0x0] =	wrdreg $0x0  }
0xa9: {  	s6 =	sshll.u32 s28, $0x1;
	[dreg:$0x2] =	wrdreg s4  }
0xaa: {  	[dreg:$0x3] =	wrdreg s6  }
0xab: {  	[dreg:$0x4] =	wrdreg $0xC0  }
0xac: {  	_ =	task [dreg:s8], $0x5FFFF  }
0xad: {  	[dreg:$0x1] =	wrdreg $0xFFFFFFFF  }
0xae: {  	[dreg:$0x0] =	wrdreg $0x60  }
0xaf: {  	[dreg:$0x2] =	wrdreg s24  }
0xb0: {  	[dreg:$0x3] =	wrdreg s2  }
0xb1: {  	[dreg:$0x4] =	wrdreg s18  }
0xb2: {  	[dreg:$0x5] =	wrdreg $0x1D7800  }
0xb3: {  	[dreg:$0x6] =	wrdreg $0x188800  }
0xb4: {  	[dreg:$0x7] =	wrdreg $0x9  }
0xb5: {  	_ =	task.clear_ibuf [dreg:s8], $0x8FFFF;
	_ =	strace $0x90000046  }
0xb6: {  	s29 =	simm.s32 $0x9;
	_ =	strace $0x80000048  }
0xb7: {  	_ =	swait.ge [sflag:s29], $0x1  }
0xb8: {  	[sflag:s29] =	ssyncadd.s32 $0xFFFFFFFF  }
0xb9: {  	_ =	strace $0x90000048  }
0xba: {  	_ =	sfence  }
0xbb: {  	s30 =	sld [smem:$0x0];
	_ =	sdelay $0x2  }
0xbc: {  	s31 =	sshll.u32 s1, $0xD;
	s1 =	sshrl.u32 s1, $0x2  }
0xbd: {  	s3 =	sand.u32 $0x4000, s31;
	s1 =	sadd.s32 s1, s30  }
0xbe: {  	s0 =	sor.u32 s3, s0;
	s1 =	sshll.u32 s1, $0x11  }
0xbf: {  	s0 =	sor.u32 s1, s0  }
0xc0: {  	s0 =	sadd.s32 $0x8F2B, s0  }
0xc1: {  	[sflag:s0] =	ssyncadd.remote.s32 $0x1  }
0xc2: {  	_ =	sfence.sel $0xFFFF  }
0xc3: {  	[dreg:$0x0] =	wrdreg $0xFFFFFFFF;
	(pc) =	sbr.abs _section_cstart, $3  }
0xc4: {  	[dreg:$0x1] =	wrdreg $0xFFFFFFFF  }
0xc5: {  	_ =	task.clear_ibuf [dreg:s8], $0x2FFFF;
	_ =	strace $0x9FFFFFFF  }
0xc6: {  	(tm) =	ssettm $0x7FFFFFFF  }
0xc7: {  	_ =	shalt  }
tec
execute0_lowered:
.L_overlay_start_1:
0x0: {  	(tag) =	ssettag $0x1  }
0x1: {  	s0 =	rddreg [dreg:$0x0]  }
0x2: {  	s1 =	rddreg [dreg:$0x1]  }
0x3: {  	s4 =	rddreg [dreg:$0x2];
	s3 =	srdreg.scid  }
0x4: {  	s12 =	stileid.u32;
	s2 =	rddreg [dreg:$0x3]  }
0x5: {  	s8 =	simm.s32 $0x0;
	s28 =	simm.s32 $0x9;
	s6 =	smul.u32 $0x4F00, s12  }
0x6: {  	s5 =	sand.u32 $0x1, s3;
	s3 =	rddreg [dreg:$0x4];
	s13 =	smul.u32 $0x5000, s12  }
0x7: {  	s31 =	simm.s32 $0x80;
	[smem:$0x7FF] =	sst s8;
	s11 =	smul.u32 $0x9E00, s12  }
0x8: {  	s18 =	sshll.u32 s12, $0x6;
	s7 =	sshll.u32 s5, $0x4;
	_ =	strace $0x80000047  }
0x9: {  	s10 =	ssub.s32 $0x2, s5;
	[dreg:$0x8] =	wrdreg s18;
	s5 =	smul.u32 $0x50000, s5  }
0xa: {  	s7 =	sor.u32 s7, s6;
	s9 =	sshrl.u32 s13, $0x4;
	s14 =	sshrl.u32 s10, $0x1  }
0xb: {  	s8 =	sshrl.u32 s13, $0x3;
	s15 =	sshrl.u32 s11, $0x2;
	s12 =	sadd.s32 s6, s3  }
0xc: {  	s19 =	sadd.s32 $0x1000, s6;
	s20 =	sadd.s32 $0x2000, s6;
	s21 =	sadd.s32 $0x3000, s6  }
0xd: {  	s7 =	sshrl.u32 s7, $0x3;
	s1 =	sadd.s32 s1, s8;
	s16 =	sadd.s32 s15, s2  }
0xe: {  	s13 =	sadd.s32 s19, s3;
	s17 =	sadd.s32 s21, s3;
	s22 =	sadd.s32 s6, s5  }
0xf: {  	s6 =	sadd.s32 $0x4000, s6;
	s23 =	sadd.s32 s5, s20;
	s24 =	sadd.s32 s5, s21  }
0x10: {  	s21 =	simm.s32 $0x12800;
	s8 =	simm.s32 $0x14800;
	s15 =	simm.s32 $0x15800  }
0x11: {  	[dreg:$0xb] =	wrdreg s12;
	s7 =	sadd.s32 s7, s0;
	s0 =	sadd.s32 s9, s0  }
0x12: {  	s9 =	ssub.s32 s10, s14;
	[dreg:$0x6] =	wrdreg s1;
	s1 =	sor.u32 $0x1C06, s18  }
0x13: {  	s14 =	sadd.s32 s20, s3;
	s10 =	sshrl.u32 s22, $0x3;
	[dreg:$0xc] =	wrdreg s13  }
0x14: {  	s18 =	sadd.s32 s6, s3;
	s25 =	sshrl.u32 s24, $0x3;
	[dreg:$0xe] =	wrdreg s17  }
0x15: {  	s24 =	simm.s32 $0x2;
	s20 =	simm.s32 $0x5;
	[dreg:$0xa] =	wrdreg s1  }
0x16: {  	s22 =	simm.s32 $0x6;
	s0 =	sadd.s32 $0x600, s0;
	[dreg:$0xd] =	wrdreg s14  }
0x17: {  	s7 =	sadd.s32 $0x5600, s7;
	s1 =	sadd.s32 s5, s19;
	[dreg:$0xf] =	wrdreg s18  }
0x18: {  	s10 =	sadd.s32 s4, s10;
	s5 =	sadd.s32 s5, s6;
	[dreg:$0x7] =	wrdreg s0  }
0x19: {  	s26 =	sadd.s32 s4, s25;
	s30 =	smax.u32 s9, $0x1;
	[dreg:$0x9] =	wrdreg s7  }
0x1a: {  	s25 =	simm.s32 $0x4;
	s6 =	simm.s32 $0x13800;
	[dreg:$0x10] =	wrdreg s10  }
0x1b: {  	s9 =	simm.s32 $0x3;
	s19 =	simm.s32 $0x0;
	[dreg:$0x13] =	wrdreg s26  }
0x1c: {  	v0 =	vlaneseq.u32;
	s1 =	sshrl.u32 s1, $0x3;
	s5 =	sshrl.u32 s5, $0x3;
	[dreg:$0x15] =	wrdreg s30  }
0x1d: {  	v0 =	vmul.u32 $0x2, v0;
	s0 =	sshrl.u32 s16, $0x3;
	s16 =	simm.s32 $0x16800;
	s1 =	sadd.s32 s4, s1  }
0x1e: {  	s29 =	sadd.s32 s4, s5;
	[dreg:$0x16] =	wrdreg s0;
	s0 =	simm.s32 $0x11800  }
0x1f: {  	v1 =	vimm.f32 $0.0e+00;
	v2 =	vor.u32 $0x1, v0;
	s5 =	simm.s32 $0x18800;
	[dreg:$0x11] =	wrdreg s1;
	s1 =	sshrl.u32 s23, $0x3  }
0x20: {  	v3 =	vor.u32 $0x20, v0;
	v4 =	vor.u32 $0x21, v0;
	v5 =	vor.u32 $0x40, v0;
	[dreg:$0x14] =	wrdreg s29;
	s23 =	simm.s32 $0x1;
	s1 =	sadd.s32 s4, s1  }
0x21: {  	v6 =	vor.u32 $0x41, v0;
	v7 =	vor.u32 $0x60, v0;
	v8 =	vor.u32 $0x61, v0;
	s4 =	simm.s32 $0x13000;
	[dreg:$0x12] =	wrdreg s1;
	s1 =	simm.s32 $0x12000  }
.LBB2_1:
0x22: {  	s10 =	rddreg [dreg:$0x6]  }
0x23: {  	s30 =	rddreg [dreg:$0x7]  }
0x24: {  	s7 =	simm.s32 $0x0;
	s26 =	rddreg [dreg:$0x9]  }
0x25: {  	[tilespmem:s7], [sflag:$0x1] =	stream.linear.gather [hbm4b:s10+s7], $0x5000, $0x38;
	[tilespmem:$0x1FF00] =	vst v63  }
0x26: {  	s11 =	simm.s32 $0xF000;
	s29 =	rddreg [dreg:$0xa]  }
0x27: {  	[tilespmem:s11], [sflag:$0x5] =	stream.linear.gather [hbm4b:s30+s7], $0x2800, $0x38;
	[tilespmem:$0x1FF00] =	vst v63  }
0x28: {  	s10 =	simm.s32 $0x0;
	s30 =	rddreg [dreg:$0x16];
	s7 =	simm.s32 $0x80  }
0x29: {  	[spmem:s30@s24], [sflag:s29] =	dma.strided [hbm:s26@s25], $0x4F0, s23, $0x2   }
.LBB2_2:
0x2a: {  	p0 =	sne.s32 s7, $0x3F80;
	[tilespmem:s10+$0x17800] =	vst v1;
	s11 =	smov.u32 s7;
	s7 =	sadd.s32 $0x80, s7  }
.Ltmp0:
0x2b: {  	[tilespmem:s10+$0x17810] =	vst v1;
	(pc) =	sbr.rel @p0 .LBB2_2-.Ltmp0, $2  }
0x2c: {  	_ =	sdelay $0x2  }
0x2d: {  	s10 =	sshra.s32 s11, $0x2  }
0x2e: {  	[tilespmem:s10+$0x17800] =	vst v1  }
0x2f: {  	[tilespmem:s10+$0x17810] =	vst v1;
	s7 =	simm.s32 $0x17800  }
0x30: {  	[spmem:s12] =	stream.linear.scatter [tilespmem:s7], [sflag:$0x9], $0x1000, $0x38;
	[tilespmem:$0x1FF00] =	vst v63  }
0x31: {  	_ =	swait.ge [sflag:s28], $0x1000  }
0x32: {  	[sflag:s28] =	ssyncset.done $0x0  }
0x33: {  	[sflag:s28] =	ssyncadd.s32 $0xFFFFF000  }
0x34: {  	[spmem:s13] =	stream.linear.scatter [tilespmem:s7], [sflag:$0x9], $0x1000, $0x38;
	[tilespmem:$0x1FF00] =	vst v63  }
0x35: {  	_ =	swait.ge [sflag:s28], $0x1000  }
0x36: {  	[sflag:s28] =	ssyncset.done $0x0  }
0x37: {  	[sflag:s28] =	ssyncadd.s32 $0xFFFFF000  }
0x38: {  	[spmem:s14] =	stream.linear.scatter [tilespmem:s7], [sflag:$0x9], $0x1000, $0x38;
	[tilespmem:$0x1FF00] =	vst v63  }
0x39: {  	_ =	swait.ge [sflag:s28], $0x1000  }
0x3a: {  	[sflag:s28] =	ssyncset.done $0x0  }
0x3b: {  	[sflag:s28] =	ssyncadd.s32 $0xFFFFF000  }
0x3c: {  	[spmem:s17] =	stream.linear.scatter [tilespmem:s7], [sflag:$0x9], $0x1000, $0x38;
	[tilespmem:$0x1FF00] =	vst v63  }
0x3d: {  	_ =	swait.ge [sflag:s28], $0x1000  }
0x3e: {  	[sflag:s28] =	ssyncset.done $0x0  }
0x3f: {  	[sflag:s28] =	ssyncadd.s32 $0xFFFFF000  }
0x40: {  	[spmem:s18] =	stream.linear.scatter [tilespmem:s7], [sflag:$0x9], $0xF00, $0x38;
	[tilespmem:$0x1FF00] =	vst v63  }
0x41: {  	_ =	swait.ge [sflag:s28], $0xF00  }
0x42: {  	[sflag:s28] =	ssyncset.done $0x0  }
0x43: {  	[sflag:s28] =	ssyncadd.s32 $0xFFFFF100  }
0x44: {  	_ =	swait.ge [sflag:s23], $0x5000  }
0x45: {  	[sflag:s23] =	ssyncset.done $0x0  }
0x46: {  	s7 =	simm.s32 $0x0;
	[sflag:s23] =	ssyncadd.s32 $0xFFFFB000  }
0x47: {  	v9 =	vld [tilespmem:s7+$0x70]  }
0x48: {  	v10 =	vld [tilespmem:s7+$0x0];
	_ =	sdelay $0x1  }
0x49: {  	v11 =	vld [tilespmem:s7+$0x10]  }
0x4a: {  	v14 =	vld [tilespmem:s7+$0x40]  }
0x4b: {  	v15 =	vshrl.u32 v9, $0xE  }
0x4c: {  	v12 =	vld [tilespmem:s7+$0x20];
	v17 =	vand.u32 $0x3FFF, v10;
	[tilespmem:s7+$0xA070] =	vst v15  }
0x4d: {  	v10 =	vshrl.u32 v10, $0xE;
	[tilespmem:s7+$0x5000] =	vst v17  }
0x4e: {  	v13 =	vld [tilespmem:s7+$0x30];
	v62 =	vand.u32 $0x3FFF, v11;
	[tilespmem:s7+$0xA000] =	vst v10  }
0x4f: {  	v16 =	vld [tilespmem:s7+$0x50];
	v63 =	vand.u32 $0x3FFF, v14;
	[tilespmem:s7+$0x5010] =	vst v62  }
0x50: {  	v15 =	vld [tilespmem:s7+$0x60];
	v10 =	vshrl.u32 v11, $0xE;
	[tilespmem:s7+$0x5040] =	vst v63  }
0x51: {  	v11 =	vand.u32 $0x3FFF, v12;
	[tilespmem:s7+$0xA010] =	vst v10  }
0x52: {  	v10 =	vshrl.u32 v12, $0xE;
	[tilespmem:s7+$0x5020] =	vst v11  }
0x53: {  	v9 =	vand.u32 $0x3FFF, v9;
	v11 =	vand.u32 $0x3FFF, v13;
	[tilespmem:s7+$0xA020] =	vst v10  }
0x54: {  	v14 =	vshrl.u32 v14, $0xE;
	v12 =	vshrl.u32 v16, $0xE;
	v10 =	vshrl.u32 v13, $0xE;
	[tilespmem:s7+$0x5030] =	vst v11  }
0x55: {  	s10 =	simm.s32 $0x80;
	s11 =	simm.s32 $0x400;
	v13 =	vand.u32 $0x3FFF, v16;
	[tilespmem:s7+$0xA030] =	vst v10;
	v11 =	vand.u32 $0x3FFF, v15;
	v10 =	vshrl.u32 v15, $0xE  }
.LBB2_4:
0x56: {  	p0 =	sne.s32 s11, $0x13E00;
	v15 =	vld [tilespmem:s10+$0x70];
	[tilespmem:s7+$0xA040] =	vst v14  }
0x57: {  	v14 =	vld [tilespmem:s10+$0x0];
	[tilespmem:s7+$0x5050] =	vst v13  }
0x58: {  	v13 =	vld [tilespmem:s10+$0x10];
	[tilespmem:s7+$0xA050] =	vst v12  }
0x59: {  	v12 =	vld [tilespmem:s10+$0x20];
	[tilespmem:s7+$0x5060] =	vst v11  }
0x5a: {  	v11 =	vld [tilespmem:s10+$0x30];
	[tilespmem:s7+$0xA060] =	vst v10  }
0x5b: {  	v10 =	vld [tilespmem:s10+$0x40];
	v16 =	vshrl.u32 v15, $0xE;
	[tilespmem:s7+$0x5070] =	vst v9;
	v9 =	vand.u32 $0x3FFF, v15;
	s7 =	smov.u32 s10  }
0x5c: {  	v15 =	vand.u32 $0x3FFF, v14;
	v14 =	vshrl.u32 v14, $0xE;
	v17 =	vld [tilespmem:s7+$0x50];
	[tilespmem:s7+$0xA070] =	vst v16  }
0x5d: {  	[tilespmem:s7+$0x5000] =	vst v15;
	v15 =	vand.u32 $0x3FFF, v13;
	v13 =	vshrl.u32 v13, $0xE;
	v16 =	vld [tilespmem:s7+$0x60]  }
0x5e: {  	[tilespmem:s7+$0xA000] =	vst v14;
	v18 =	vand.u32 $0x3FFF, v12;
	v19 =	vshrl.u32 v12, $0xE  }
0x5f: {  	[tilespmem:s7+$0x5010] =	vst v15;
	v15 =	vand.u32 $0x3FFF, v11;
	v20 =	vshrl.u32 v11, $0xE  }
0x60: {  	[tilespmem:s7+$0xA010] =	vst v13;
	v21 =	vand.u32 $0x3FFF, v10;
	v14 =	vshrl.u32 v10, $0xE  }
.Ltmp1:
0x61: {  	[tilespmem:s7+$0x5020] =	vst v18;
	v13 =	vand.u32 $0x3FFF, v17;
	v12 =	vshrl.u32 v17, $0xE;
	(pc) =	sbr.rel @p0 .LBB2_4-.Ltmp1, $4  }
0x62: {  	[tilespmem:s7+$0xA020] =	vst v19;
	v11 =	vand.u32 $0x3FFF, v16;
	v10 =	vshrl.u32 v16, $0xE  }
0x63: {  	[tilespmem:s7+$0x5030] =	vst v15  }
0x64: {  	[tilespmem:s7+$0xA030] =	vst v20  }
0x65: {  	s10 =	sshra.s32 s11, $0x2;
	s11 =	sadd.s32 $0x200, s11;
	[tilespmem:s7+$0x5040] =	vst v21  }
0x66: {  	v15 =	vld [tilespmem:s10+$0x70];
	[tilespmem:s7+$0xA040] =	vst v14  }
0x67: {  	v14 =	vld [tilespmem:s10+$0x0];
	[tilespmem:s7+$0x5050] =	vst v13  }
0x68: {  	v13 =	vld [tilespmem:s10+$0x10];
	[tilespmem:s7+$0xA050] =	vst v12  }
0x69: {  	v12 =	vld [tilespmem:s10+$0x20];
	[tilespmem:s7+$0x5060] =	vst v11  }
0x6a: {  	v11 =	vld [tilespmem:s10+$0x30];
	[tilespmem:s7+$0xA060] =	vst v10  }
0x6b: {  	v10 =	vld [tilespmem:s10+$0x40];
	[tilespmem:s7+$0x5070] =	vst v9;
	v9 =	vshrl.u32 v15, $0xE  }
0x6c: {  	v17 =	vand.u32 $0x3FFF, v14;
	[tilespmem:s10+$0xA070] =	vst v9  }
0x6d: {  	v9 =	vshrl.u32 v14, $0xE;
	[tilespmem:s10+$0x5000] =	vst v17  }
0x6e: {  	v61 =	vand.u32 $0x3FFF, v13;
	[tilespmem:s10+$0xA000] =	vst v9  }
0x6f: {  	v9 =	vshrl.u32 v13, $0xE;
	[tilespmem:s10+$0x5010] =	vst v61  }
0x70: {  	v62 =	vand.u32 $0x3FFF, v12;
	[tilespmem:s10+$0xA010] =	vst v9  }
0x71: {  	v16 =	vld [tilespmem:s10+$0x50];
	v9 =	vshrl.u32 v12, $0xE;
	[tilespmem:s10+$0x5020] =	vst v62  }
0x72: {  	v63 =	vand.u32 $0x3FFF, v11;
	[tilespmem:s10+$0xA020] =	vst v9  }
0x73: {  	v60 =	vld [tilespmem:s10+$0x60];
	v9 =	vshrl.u32 v11, $0xE;
	[tilespmem:s10+$0x5030] =	vst v63  }
0x74: {  	v11 =	vand.u32 $0x3FFF, v10;
	[tilespmem:s10+$0xA030] =	vst v9  }
0x75: {  	v9 =	vshrl.u32 v10, $0xE;
	[tilespmem:s10+$0x5040] =	vst v11  }
0x76: {  	v10 =	vand.u32 $0x3FFF, v16;
	[tilespmem:s10+$0xA040] =	vst v9  }
0x77: {  	v9 =	vshrl.u32 v16, $0xE;
	[tilespmem:s10+$0x5050] =	vst v10  }
0x78: {  	v10 =	vand.u32 $0x3FFF, v60;
	[tilespmem:s10+$0xA050] =	vst v9  }
0x79: {  	v9 =	vshrl.u32 v60, $0xE;
	[tilespmem:s10+$0x5060] =	vst v10  }
0x7a: {  	v10 =	vand.u32 $0x3FFF, v15;
	[tilespmem:s10+$0xA060] =	vst v9  }
0x7b: {  	[tilespmem:s10+$0x5070] =	vst v10  }
0x7c: {  	_ =	swait.ge [sflag:s20], $0x2800  }
0x7d: {  	[sflag:s20] =	ssyncset.done $0x0  }
0x7e: {  	[sflag:s20] =	ssyncadd.s32 $0xFFFFD800  }
0x7f: {  	_ =	swait.ge [sflag:s22], $0x4F0  }
0x80: {  	[sflag:s22] =	ssyncset.done $0x0  }
0x81: {  	[sflag:s22] =	ssyncadd.s32 $0xFFFFFB10  }
0x82: {  	s26 =	simm.s32 $0x5000;
	[bflag:$0x0] =	sbarrier.arrive $0xFFFF  }
0x83: {  	[tilespmem:s0], [sflag:$0x1] =	stream.indirect.gather [spmem:s2], $0x10, s26, s31, $0xb8;
	[tilespmem:$0x1FF00] =	vst v63  }
0x84: {  	s29 =	simm.s32 $0x5080  }
0x85: {  	[tilespmem:s1], [sflag:$0x2] =	stream.indirect.gather [spmem:s2], $0x10, s29, s31, $0xb8;
	[tilespmem:$0x1FF00] =	vst v63  }
0x86: {  	s30 =	simm.s32 $0x5100;
	s20 =	simm.s32 $0x0  }
0x87: {  	[tilespmem:s21], [sflag:$0x3] =	stream.indirect.gather [spmem:s2], $0x10, s30, s31, $0xb8;
	[tilespmem:$0x1FF00] =	vst v63  }
.LBB2_6:
0x88: {  	s7 =	sshllo.u32 s20, $0x2  }
0x89: {  	_ =	swait.ge [sflag:s23], $0x800;
	s22 =	sshll.u32 s7, $0x7  }
0x8a: {  	[sflag:s23] =	ssyncset.done $0x0;
	s7 =	sand.u32 $0x3FFFFF80, s22  }
0x8b: {  	p0 =	seq.s32 s20, $0x0;
	[sflag:s23] =	ssyncadd.s32 $0xFFFFF800;
	s7 =	sadd.s32 $0x5000, s7  }
0x8c: {  	[tilespmem:s4], [sflag:$0x4] =	stream.indirect.gather [spmem:s2], $0x10, s7, s31, $0xb8;
	[tilespmem:$0x1FF00] =	vst v63  }
0x8d: {  	s7 =	simm.s32 @!p0 $0x5  }
0x8e: {  	_ =	swait.ge @!p0 [sflag:s7], $0x1000  }
0x8f: {  	s18 =	sshll.u32 s20, $0x9;
	[sflag:s7] =	ssyncset.done @!p0 $0x0  }
0x90: {  	s17 =	sshrl.u32 s18, $0x1;
	[sflag:s7] =	ssyncadd.s32 @!p0 $0xFFFFF000  }
0x91: {  	v9 =	vld [tilespmem:s17+$0xF000];
	_ =	sdelay $0x4  }
0x92: {  	v10 =	vunpack.i.l.bf16.f32 v9  }
0x93: {  	v9 =	vunpack.i.u.bf16.f32 v9;
	[tilespmem:v0+s5+$0x0] =	vst.idx.msk $0xffff, v10  }
0x94: {  	[tilespmem:v2+s5+$0x0] =	vst.idx.msk $0xffff, v9  }
0x95: {  	v9 =	vld [tilespmem:s17+$0xF010];
	_ =	sdelay $0x4  }
0x96: {  	v10 =	vunpack.i.l.bf16.f32 v9  }
0x97: {  	v9 =	vunpack.i.u.bf16.f32 v9;
	[tilespmem:v3+s5+$0x0] =	vst.idx.msk $0xffff, v10  }
0x98: {  	[tilespmem:v4+s5+$0x0] =	vst.idx.msk $0xffff, v9  }
0x99: {  	v9 =	vld [tilespmem:s17+$0xF020];
	_ =	sdelay $0x4  }
0x9a: {  	v10 =	vunpack.i.l.bf16.f32 v9  }
0x9b: {  	v9 =	vunpack.i.u.bf16.f32 v9;
	[tilespmem:v5+s5+$0x0] =	vst.idx.msk $0xffff, v10  }
0x9c: {  	[tilespmem:v6+s5+$0x0] =	vst.idx.msk $0xffff, v9  }
0x9d: {  	v9 =	vld [tilespmem:s17+$0xF030];
	_ =	sdelay $0x4  }
0x9e: {  	v10 =	vunpack.i.l.bf16.f32 v9  }
0x9f: {  	v9 =	vunpack.i.u.bf16.f32 v9;
	[tilespmem:v7+s5+$0x0] =	vst.idx.msk $0xffff, v10  }
0xa0: {  	s10 =	simm.s32 $0x11840;
	[tilespmem:v8+s5+$0x0] =	vst.idx.msk $0xffff, v9  }
0xa1: {  	v12 =	vld [tilespmem:s10+$0x20]  }
0xa2: {  	s13 =	simm.s32 $0x2;
	v11 =	vld [tilespmem:s10+$0x10]  }
0xa3: {  	s11 =	simm.s32 $0x0;
	v15 =	vmov s13;
	v13 =	vld [tilespmem:s10+$0x0]  }
0xa4: {  	v9 =	vmov s11;
	v14 =	vld [tilespmem:s10+$0x30]  }
0xa5: {  	s12 =	simm.s32 $0x1;
	v16 =	vld [tilespmem:s10+$0xFFFFFFC0]  }
0xa6: {  	s14 =	simm.s32 $0x3;
	s26 =	simm.s32 $0x7;
	v10 =	vmov s12;
	v19 =	vld [tilespmem:s10+$0xFFFFFFD0]  }
0xa7: {  	s29 =	simm.s32 $0x5;
	s30 =	simm.s32 $0x4;
	v18 =	vmov s14;
	v23 =	vmov s26;
	v24 =	vld [tilespmem:s10+$0xFFFFFFE0]  }
0xa8: {  	v26 =	vmov s29;
	v27 =	vmov s30;
	v22 =	vshll.u32 v15, $0x5;
	v15 =	vld.idx.msk [tilespmem:v15+s5+$0x0], $0xffff  }
0xa9: {  	v25 =	vshll.u32 v18, $0x5;
	v30 =	vshll.u32 v27, $0x5;
	v31 =	vshll.u32 v26, $0x5;
	s11 =	simm.s32 $0x6;
	v17 =	vld.idx.msk [tilespmem:v9+s5+$0x0], $0xffff  }
0xaa: {  	v36 =	vor.u32 v0, v22;
	v21 =	vmov s11;
	v29 =	vld [tilespmem:s10+$0xFFFFFFF0];
	v9 =	vshll.u32 v9, $0x5  }
0xab: {  	v22 =	vor.u32 v2, v22;
	v56 =	vor.u32 v0, v25;
	v20 =	vld.idx.msk [tilespmem:v10+s5+$0x0], $0xffff;
	v28 =	vor.u32 v0, v9  }
0xac: {  	v25 =	vor.u32 v2, v25;
	v18 =	vld.idx.msk [tilespmem:v18+s5+$0x0], $0xffff;
	v10 =	vshll.u32 v10, $0x5;
	v9 =	vor.u32 v2, v9  }
0xad: {  	v59 =	vor.u32 v0, v30;
	v26 =	vld.idx.msk [tilespmem:v26+s5+$0x0], $0xffff;
	v33 =	vor.u32 v0, v10;
	v32 =	vunpack.i.l.bf16.f32 v16  }
0xae: {  	v55 =	vld.idx.msk [tilespmem:v27+s5+$0x0], $0xffff;
	v10 =	vor.u32 v2, v10;
	v16 =	vunpack.i.u.bf16.f32 v16;
	v32 =	vmul.f32 v32, v17  }
0xaf: {  	v60 =	vor.u32 v2, v31;
	v34 =	vld.idx.msk [tilespmem:v21+s5+$0x0], $0xffff;
	v35 =	vunpack.i.l.bf16.f32 v19;
	v16 =	vmul.f32 v16, v17  }
0xb0: {  	v19 =	vunpack.i.u.bf16.f32 v19;
	v37 =	vunpack.i.l.bf16.f32 v24;
	v35 =	vmul.f32 v35, v20;
	v17 =	vld.idx.msk [tilespmem:v23+s5+$0x0], $0xffff;
	[tilespmem:v28+s6+$0x0] =	vst.idx.msk $0xffff, v32  }
0xb1: {  	v24 =	vunpack.i.u.bf16.f32 v24;
	v57 =	vunpack.i.l.bf16.f32 v29;
	v19 =	vmul.f32 v19, v20;
	[tilespmem:v9+s6+$0x0] =	vst.idx.msk $0xffff, v16  }
0xb2: {  	v21 =	vshll.u32 v21, $0x5;
	v61 =	vunpack.i.l.bf16.f32 v13;
	v37 =	vmul.f32 v37, v15;
	[tilespmem:v33+s6+$0x0] =	vst.idx.msk $0xffff, v35  }
0xb3: {  	v62 =	vunpack.i.l.bf16.f32 v11;
	v13 =	vunpack.i.u.bf16.f32 v13;
	v15 =	vmul.f32 v24, v15;
	[tilespmem:v10+s6+$0x0] =	vst.idx.msk $0xffff, v19  }
0xb4: {  	v58 =	vmul.f32 v57, v18;
	v16 =	vor.u32 v2, v30;
	v9 =	vunpack.i.u.bf16.f32 v29;
	[tilespmem:v36+s6+$0x0] =	vst.idx.msk $0xffff, v37  }
0xb5: {  	v11 =	vunpack.i.u.bf16.f32 v11;
	v18 =	vmul.f32 v9, v18;
	v19 =	vor.u32 v0, v31;
	[tilespmem:v22+s6+$0x0] =	vst.idx.msk $0xffff, v15  }
0xb6: {  	v20 =	vmul.f32 v13, v55;
	v13 =	vunpack.i.l.bf16.f32 v12;
	v15 =	vmul.f32 v61, v55;
	[tilespmem:v56+s6+$0x0] =	vst.idx.msk $0xffff, v58  }
0xb7: {  	v63 =	vmul.f32 v62, v26;
	v13 =	vmul.f32 v13, v34;
	v9 =	vunpack.i.u.bf16.f32 v14;
	[tilespmem:v25+s6+$0x0] =	vst.idx.msk $0xffff, v18  }
0xb8: {  	v23 =	vshll.u32 v23, $0x5;
	v9 =	vmul.f32 v9, v17;
	v10 =	vor.u32 v0, v21;
	[tilespmem:v59+s6+$0x0] =	vst.idx.msk $0xffff, v15  }
0xb9: {  	v18 =	vmul.f32 v11, v26;
	v11 =	vor.u32 v2, v21;
	v15 =	vunpack.i.u.bf16.f32 v12;
	[tilespmem:v16+s6+$0x0] =	vst.idx.msk $0xffff, v20  }
0xba: {  	v12 =	vor.u32 v0, v23;
	v15 =	vmul.f32 v15, v34;
	v16 =	vunpack.i.l.bf16.f32 v14;
	[tilespmem:v19+s6+$0x0] =	vst.idx.msk $0xffff, v63  }
0xbb: {  	s7 =	sshll.u32 s20, $0x2;
	s11 =	simm.s32 $0xF;
	v14 =	vor.u32 v2, v23;
	v16 =	vmul.f32 v16, v17;
	[tilespmem:v60+s6+$0x0] =	vst.idx.msk $0xffff, v18  }
.LBB2_7:
0xbc: {  	p1 =	sne.s32 s11, $0x7F  }
0xbd: {  	[tilespmem:v10+s6+$0x0] =	vst.idx.msk $0xffff, v13;
	s10 =	sadd.s32 $0x80, s10;
	s12 =	smov.u32 s11;
	s11 =	sadd.s32 $0x8, s11  }
0xbe: {  	[tilespmem:v11+s6+$0x0] =	vst.idx.msk $0xffff, v15  }
0xbf: {  	[tilespmem:v12+s6+$0x0] =	vst.idx.msk $0xffff, v16  }
0xc0: {  	s13 =	sadd.s32 $0xFFFFFFF9, s12;
	[tilespmem:v14+s6+$0x0] =	vst.idx.msk $0xffff, v9  }
0xc1: {  	v9 =	vmov s13;
	v12 =	vld [tilespmem:s10+$0x20]  }
0xc2: {  	s13 =	sadd.s32 $0xFFFFFFFA, s12;
	v10 =	vld [tilespmem:s10+$0x10]  }
0xc3: {  	v11 =	vmov s13;
	v13 =	vld [tilespmem:s10+$0x0]  }
0xc4: {  	s13 =	sadd.s32 $0xFFFFFFFB, s12;
	v14 =	vshll.u32 v11, $0x5;
	v16 =	vld [tilespmem:s10+$0x30]  }
0xc5: {  	v15 =	vmov s13;
	v17 =	vld [tilespmem:s10+$0xFFFFFFC0]  }
0xc6: {  	s13 =	sadd.s32 $0xFFFFFFFC, s12;
	v19 =	vshll.u32 v15, $0x5;
	v18 =	vld.idx.msk [tilespmem:v9+s5+$0x0], $0xffff  }
0xc7: {  	s14 =	sadd.s32 $0xFFFFFFFD, s12;
	s26 =	sadd.s32 $0xFFFFFFFE, s12;
	s29 =	sadd.s32 $0xFFFFFFFF, s12;
	v21 =	vmov s12;
	v20 =	vmov s13;
	v22 =	vld [tilespmem:s10+$0xFFFFFFD0]  }
0xc8: {  	v23 =	vmov s29;
	v24 =	vshll.u32 v20, $0x5;
	v9 =	vshll.u32 v9, $0x5;
	v11 =	vld.idx.msk [tilespmem:v11+s5+$0x0], $0xffff  }
0xc9: {  	v25 =	vmov s14;
	v26 =	vmov s26;
	v28 =	vor.u32 v0, v9;
	v27 =	vld [tilespmem:s10+$0xFFFFFFE0]  }
0xca: {  	v29 =	vshll.u32 v25, $0x5;
	v30 =	vshll.u32 v26, $0x5;
	v9 =	vor.u32 v2, v9;
	v15 =	vld.idx.msk [tilespmem:v15+s5+$0x0], $0xffff  }
0xcb: {  	v34 =	vshll.u32 v23, $0x5;
	v33 =	vor.u32 v0, v14;
	v32 =	vunpack.i.l.bf16.f32 v17;
	v31 =	vld [tilespmem:s10+$0xFFFFFFF0]  }
0xcc: {  	v14 =	vor.u32 v2, v14;
	v17 =	vunpack.i.u.bf16.f32 v17;
	v32 =	vmul.f32 v32, v18;
	v20 =	vld.idx.msk [tilespmem:v20+s5+$0x0], $0xffff  }
0xcd: {  	v17 =	vmul.f32 v17, v18;
	v18 =	vor.u32 v0, v19;
	v35 =	vunpack.i.l.bf16.f32 v22;
	v23 =	vld.idx.msk [tilespmem:v23+s5+$0x0], $0xffff  }
0xce: {  	v19 =	vor.u32 v2, v19;
	v22 =	vunpack.i.u.bf16.f32 v22;
	v35 =	vmul.f32 v35, v11;
	v36 =	vld.idx.msk [tilespmem:v21+s5+$0x0], $0xffff  }
0xcf: {  	v11 =	vmul.f32 v22, v11;
	v22 =	vor.u32 v0, v24;
	v37 =	vunpack.i.l.bf16.f32 v27;
	v26 =	vld.idx.msk [tilespmem:v26+s5+$0x0], $0xffff  }
0xd0: {  	v24 =	vor.u32 v2, v24;
	v27 =	vunpack.i.u.bf16.f32 v27;
	v37 =	vmul.f32 v37, v15;
	v25 =	vld.idx.msk [tilespmem:v25+s5+$0x0], $0xffff  }
0xd1: {  	v15 =	vmul.f32 v27, v15;
	v27 =	vor.u32 v2, v29;
	v38 =	vunpack.i.l.bf16.f32 v31;
	[tilespmem:v28+s6+$0x0] =	vst.idx.msk $0xffff, v32  }
0xd2: {  	v29 =	vor.u32 v0, v29;
	v28 =	vunpack.i.u.bf16.f32 v31;
	[tilespmem:v9+s6+$0x0] =	vst.idx.msk $0xffff, v17;
	v17 =	vmul.f32 v38, v20  }
0xd3: {  	v9 =	vunpack.i.u.bf16.f32 v16;
	v20 =	vmul.f32 v28, v20;
	v28 =	vor.u32 v0, v30;
	[tilespmem:v33+s6+$0x0] =	vst.idx.msk $0xffff, v35  }
0xd4: {  	v31 =	vunpack.i.u.bf16.f32 v10;
	v30 =	vor.u32 v2, v30;
	v9 =	vmul.f32 v9, v36;
	[tilespmem:v14+s6+$0x0] =	vst.idx.msk $0xffff, v11  }
0xd5: {  	v11 =	vunpack.i.l.bf16.f32 v13;
	v14 =	vunpack.i.l.bf16.f32 v10;
	v10 =	vor.u32 v0, v34;
	[tilespmem:v18+s6+$0x0] =	vst.idx.msk $0xffff, v37  }
0xd6: {  	v13 =	vunpack.i.u.bf16.f32 v13;
	v18 =	vmul.f32 v14, v26;
	[tilespmem:v19+s6+$0x0] =	vst.idx.msk $0xffff, v15;
	v15 =	vmul.f32 v11, v25  }
0xd7: {  	v14 =	vmul.f32 v13, v25;
	v19 =	vshll.u32 v21, $0x5;
	[tilespmem:v22+s6+$0x0] =	vst.idx.msk $0xffff, v17;
	v17 =	vmul.f32 v31, v26  }
.Ltmp2:
0xd8: {  	v13 =	vunpack.i.l.bf16.f32 v12;
	v11 =	vor.u32 v2, v34;
	[tilespmem:v24+s6+$0x0] =	vst.idx.msk $0xffff, v20;
	(pc) =	sbr.rel @p1 .LBB2_7-.Ltmp2, $4  }
0xd9: {  	v13 =	vmul.f32 v13, v23;
	v20 =	vunpack.i.u.bf16.f32 v12;
	v12 =	vor.u32 v0, v19;
	[tilespmem:v29+s6+$0x0] =	vst.idx.msk $0xffff, v15  }
0xda: {  	v15 =	vmul.f32 v20, v23;
	[tilespmem:v27+s6+$0x0] =	vst.idx.msk $0xffff, v14;
	v14 =	vor.u32 v2, v19  }
0xdb: {  	v16 =	vunpack.i.l.bf16.f32 v16;
	[tilespmem:v28+s6+$0x0] =	vst.idx.msk $0xffff, v18  }
0xdc: {  	v16 =	vmul.f32 v16, v36;
	[tilespmem:v30+s6+$0x0] =	vst.idx.msk $0xffff, v17  }
0xdd: {  	_ =	sdelay $0x3  }
0xde: {  	[tilespmem:v10+s6+$0x0] =	vst.idx.msk $0xffff, v13  }
0xdf: {  	[tilespmem:v11+s6+$0x0] =	vst.idx.msk $0xffff, v15  }
0xe0: {  	[tilespmem:v12+s6+$0x0] =	vst.idx.msk $0xffff, v16  }
0xe1: {  	s10 =	sadd.s32 $0xA000, s18;
	[tilespmem:v14+s6+$0x0] =	vst.idx.msk $0xffff, v9  }
0xe2: {  	[spmem:s3] =	stream.indirect.scatter.add.f32 [tilespmem:s6], [sflag:$0x5], $0x20, s10, s31, $0xb8;
	[tilespmem:$0x1FF00] =	vst v63  }
0xe3: {  	s26 =	smin.u32 s7, $0x9B;
	_ =	swait.ge [sflag:s24], $0x800  }
0xe4: {  	s10 =	sshll.u32 s26, $0x7;
	[sflag:s24] =	ssyncset.done $0x0  }
0xe5: {  	s11 =	simm.s32 @!p0 $0x6;
	s10 =	sadd.s32 $0x5200, s10;
	[sflag:s24] =	ssyncadd.s32 $0xFFFFF800  }
0xe6: {  	[tilespmem:s0], [sflag:$0x1] =	stream.indirect.gather [spmem:s2], $0x10, s10, s31, $0xb8;
	[tilespmem:$0x1FF00] =	vst v63  }
0xe7: {  	_ =	swait.ge @!p0 [sflag:s11], $0x1000  }
0xe8: {  	s10 =	sor.u32 $0x80, s18;
	[sflag:s11] =	ssyncset.done @!p0 $0x0  }
0xe9: {  	s29 =	sshrl.u32 s10, $0x1;
	[sflag:s11] =	ssyncadd.s32 @!p0 $0xFFFFF000  }
0xea: {  	v9 =	vld [tilespmem:s29+$0xF000];
	_ =	sdelay $0x4  }
0xeb: {  	v10 =	vunpack.i.l.bf16.f32 v9  }
0xec: {  	v9 =	vunpack.i.u.bf16.f32 v9;
	[tilespmem:v0+s5+$0x0] =	vst.idx.msk $0xffff, v10  }
0xed: {  	[tilespmem:v2+s5+$0x0] =	vst.idx.msk $0xffff, v9  }
0xee: {  	v9 =	vld [tilespmem:s17+$0xF050];
	_ =	sdelay $0x4  }
0xef: {  	v10 =	vunpack.i.l.bf16.f32 v9  }
0xf0: {  	v9 =	vunpack.i.u.bf16.f32 v9;
	[tilespmem:v3+s5+$0x0] =	vst.idx.msk $0xffff, v10  }
0xf1: {  	[tilespmem:v4+s5+$0x0] =	vst.idx.msk $0xffff, v9  }
0xf2: {  	v9 =	vld [tilespmem:s17+$0xF060];
	_ =	sdelay $0x4  }
0xf3: {  	v10 =	vunpack.i.l.bf16.f32 v9  }
0xf4: {  	v9 =	vunpack.i.u.bf16.f32 v9;
	[tilespmem:v5+s5+$0x0] =	vst.idx.msk $0xffff, v10  }
0xf5: {  	[tilespmem:v6+s5+$0x0] =	vst.idx.msk $0xffff, v9  }
0xf6: {  	v9 =	vld [tilespmem:s17+$0xF070];
	_ =	sdelay $0x4  }
0xf7: {  	v10 =	vunpack.i.l.bf16.f32 v9  }
0xf8: {  	v9 =	vunpack.i.u.bf16.f32 v9;
	[tilespmem:v7+s5+$0x0] =	vst.idx.msk $0xffff, v10  }
0xf9: {  	s11 =	simm.s32 $0x12070;
	[tilespmem:v8+s5+$0x0] =	vst.idx.msk $0xffff, v9  }
0xfa: {  	v12 =	vld [tilespmem:s11+$0xFFFFFFF0]  }
0xfb: {  	s13 =	simm.s32 $0x2;
	v11 =	vld [tilespmem:s11+$0xFFFFFFE0]  }
0xfc: {  	s12 =	simm.s32 $0x0;
	v14 =	vmov s13;
	v13 =	vld [tilespmem:s11+$0xFFFFFFD0]  }
0xfd: {  	s14 =	simm.s32 $0x3;
	v9 =	vmov s12;
	v16 =	vld [tilespmem:s11+$0x0]  }
0xfe: {  	s30 =	simm.s32 $0x1;
	v18 =	vmov s14;
	v15 =	vld [tilespmem:s11+$0xFFFFFF90]  }
0xff: {  	v25 =	vshll.u32 v18, $0x5;
	v10 =	vmov s30;
	v19 =	vld [tilespmem:s11+$0xFFFFFFA0]  }
0x100: {  	s13 =	simm.s32 $0x6;
	v53 =	vor.u32 v0, v25;
	v24 =	vld [tilespmem:s11+$0xFFFFFFB0]  }
0x101: {  	v25 =	vor.u32 v2, v25;
	s26 =	simm.s32 $0x7;
	v21 =	vmov s13;
	v22 =	vshll.u32 v14, $0x5;
	s29 =	simm.s32 $0x5;
	v14 =	vld.idx.msk [tilespmem:v14+s5+$0x0], $0xffff  }
0x102: {  	v23 =	vmov s26;
	v36 =	vor.u32 v0, v22;
	v26 =	vmov s29;
	s30 =	simm.s32 $0x4;
	v17 =	vld.idx.msk [tilespmem:v9+s5+$0x0], $0xffff  }
0x103: {  	v22 =	vor.u32 v2, v22;
	v27 =	vmov s30;
	v29 =	vld [tilespmem:s11+$0xFFFFFFC0];
	v9 =	vshll.u32 v9, $0x5  }
0x104: {  	v61 =	vshll.u32 v23, $0x5;
	v31 =	vshll.u32 v26, $0x5;
	v20 =	vld.idx.msk [tilespmem:v10+s5+$0x0], $0xffff;
	v28 =	vor.u32 v0, v9  }
0x105: {  	v57 =	vor.u32 v2, v31;
	v18 =	vld.idx.msk [tilespmem:v18+s5+$0x0], $0xffff;
	v10 =	vshll.u32 v10, $0x5;
	v9 =	vor.u32 v2, v9  }
0x106: {  	v30 =	vshll.u32 v27, $0x5;
	v34 =	vld.idx.msk [tilespmem:v21+s5+$0x0], $0xffff;
	v33 =	vor.u32 v0, v10;
	v32 =	vunpack.i.l.bf16.f32 v15  }
0x107: {  	v26 =	vld.idx.msk [tilespmem:v26+s5+$0x0], $0xffff;
	v10 =	vor.u32 v2, v10;
	v15 =	vunpack.i.u.bf16.f32 v15;
	v32 =	vmul.f32 v32, v17  }
0x108: {  	v56 =	vor.u32 v0, v30;
	v52 =	vld.idx.msk [tilespmem:v27+s5+$0x0], $0xffff;
	v35 =	vunpack.i.l.bf16.f32 v19;
	v15 =	vmul.f32 v15, v17  }
0x109: {  	v21 =	vshll.u32 v21, $0x5;
	v19 =	vunpack.i.u.bf16.f32 v19;
	v35 =	vmul.f32 v35, v20;
	v17 =	vld.idx.msk [tilespmem:v23+s5+$0x0], $0xffff;
	[tilespmem:v28+s8+$0x0] =	vst.idx.msk $0xffff, v32  }
0x10a: {  	v37 =	vunpack.i.l.bf16.f32 v24;
	v24 =	vunpack.i.u.bf16.f32 v24;
	v19 =	vmul.f32 v19, v20;
	[tilespmem:v9+s8+$0x0] =	vst.idx.msk $0xffff, v15  }
0x10b: {  	v54 =	vunpack.i.l.bf16.f32 v29;
	v58 =	vunpack.i.l.bf16.f32 v13;
	v37 =	vmul.f32 v37, v14;
	[tilespmem:v33+s8+$0x0] =	vst.idx.msk $0xffff, v35  }
0x10c: {  	v59 =	vunpack.i.l.bf16.f32 v11;
	v13 =	vunpack.i.u.bf16.f32 v13;
	v14 =	vmul.f32 v24, v14;
	[tilespmem:v10+s8+$0x0] =	vst.idx.msk $0xffff, v19  }
0x10d: {  	v55 =	vmul.f32 v54, v18;
	v15 =	vor.u32 v2, v30;
	v9 =	vunpack.i.u.bf16.f32 v29;
	[tilespmem:v36+s8+$0x0] =	vst.idx.msk $0xffff, v37  }
0x10e: {  	v62 =	vunpack.i.l.bf16.f32 v12;
	v18 =	vmul.f32 v9, v18;
	v19 =	vor.u32 v0, v31;
	[tilespmem:v22+s8+$0x0] =	vst.idx.msk $0xffff, v14  }
0x10f: {  	v63 =	vunpack.i.u.bf16.f32 v12;
	v12 =	vor.u32 v0, v61;
	v14 =	vmul.f32 v58, v52;
	[tilespmem:v53+s8+$0x0] =	vst.idx.msk $0xffff, v55  }
0x110: {  	v60 =	vmul.f32 v59, v26;
	v13 =	vmul.f32 v13, v52;
	v9 =	vunpack.i.u.bf16.f32 v16;
	[tilespmem:v25+s8+$0x0] =	vst.idx.msk $0xffff, v18  }
0x111: {  	v11 =	vunpack.i.u.bf16.f32 v11;
	v9 =	vmul.f32 v9, v17;
	v10 =	vor.u32 v0, v21;
	[tilespmem:v56+s8+$0x0] =	vst.idx.msk $0xffff, v14  }
0x112: {  	v16 =	vunpack.i.l.bf16.f32 v16;
	v18 =	vmul.f32 v11, v26;
	v11 =	vor.u32 v2, v21;
	[tilespmem:v15+s8+$0x0] =	vst.idx.msk $0xffff, v13  }
0x113: {  	v16 =	vmul.f32 v16, v17;
	v14 =	vmul.f32 v62, v34;
	[tilespmem:v19+s8+$0x0] =	vst.idx.msk $0xffff, v60  }
0x114: {  	s12 =	simm.s32 $0xF;
	v15 =	vmul.f32 v63, v34;
	v13 =	vor.u32 v2, v61;
	[tilespmem:v57+s8+$0x0] =	vst.idx.msk $0xffff, v18  }
.LBB2_9:
0x115: {  	p1 =	sne.s32 s12, $0x7F  }
0x116: {  	[tilespmem:v10+s8+$0x0] =	vst.idx.msk $0xffff, v14;
	s11 =	sadd.s32 $0x80, s11;
	s13 =	smov.u32 s12;
	s12 =	sadd.s32 $0x8, s12  }
0x117: {  	[tilespmem:v11+s8+$0x0] =	vst.idx.msk $0xffff, v15  }
0x118: {  	[tilespmem:v12+s8+$0x0] =	vst.idx.msk $0xffff, v16  }
0x119: {  	s14 =	sadd.s32 $0xFFFFFFF9, s13;
	[tilespmem:v13+s8+$0x0] =	vst.idx.msk $0xffff, v9  }
0x11a: {  	v9 =	vmov s14;
	v12 =	vld [tilespmem:s11+$0xFFFFFFF0]  }
0x11b: {  	s14 =	sadd.s32 $0xFFFFFFFA, s13;
	v10 =	vld [tilespmem:s11+$0xFFFFFFE0]  }
0x11c: {  	v11 =	vmov s14;
	v13 =	vld [tilespmem:s11+$0xFFFFFFD0]  }
0x11d: {  	s14 =	sadd.s32 $0xFFFFFFFB, s13;
	v14 =	vshll.u32 v11, $0x5;
	v16 =	vld [tilespmem:s11+$0x0]  }
0x11e: {  	v15 =	vmov s14;
	v17 =	vld [tilespmem:s11+$0xFFFFFF90]  }
0x11f: {  	s14 =	sadd.s32 $0xFFFFFFFC, s13;
	v19 =	vshll.u32 v15, $0x5;
	v18 =	vld.idx.msk [tilespmem:v9+s5+$0x0], $0xffff  }
0x120: {  	s26 =	sadd.s32 $0xFFFFFFFD, s13;
	s29 =	sadd.s32 $0xFFFFFFFE, s13;
	s30 =	sadd.s32 $0xFFFFFFFF, s13;
	v21 =	vmov s13;
	v20 =	vmov s14;
	v22 =	vld [tilespmem:s11+$0xFFFFFFA0]  }
0x121: {  	v23 =	vmov s30;
	v24 =	vshll.u32 v20, $0x5;
	v9 =	vshll.u32 v9, $0x5;
	v11 =	vld.idx.msk [tilespmem:v11+s5+$0x0], $0xffff  }
0x122: {  	v25 =	vmov s26;
	v26 =	vmov s29;
	v28 =	vor.u32 v0, v9;
	v27 =	vld [tilespmem:s11+$0xFFFFFFB0]  }
0x123: {  	v29 =	vshll.u32 v25, $0x5;
	v30 =	vshll.u32 v26, $0x5;
	v9 =	vor.u32 v2, v9;
	v15 =	vld.idx.msk [tilespmem:v15+s5+$0x0], $0xffff  }
0x124: {  	v34 =	vshll.u32 v23, $0x5;
	v33 =	vor.u32 v0, v14;
	v32 =	vunpack.i.l.bf16.f32 v17;
	v31 =	vld [tilespmem:s11+$0xFFFFFFC0]  }
0x125: {  	v14 =	vor.u32 v2, v14;
	v17 =	vunpack.i.u.bf16.f32 v17;
	v32 =	vmul.f32 v32, v18;
	v20 =	vld.idx.msk [tilespmem:v20+s5+$0x0], $0xffff  }
0x126: {  	v17 =	vmul.f32 v17, v18;
	v18 =	vor.u32 v0, v19;
	v35 =	vunpack.i.l.bf16.f32 v22;
	v23 =	vld.idx.msk [tilespmem:v23+s5+$0x0], $0xffff  }
0x127: {  	v19 =	vor.u32 v2, v19;
	v22 =	vunpack.i.u.bf16.f32 v22;
	v35 =	vmul.f32 v35, v11;
	v36 =	vld.idx.msk [tilespmem:v21+s5+$0x0], $0xffff  }
0x128: {  	v11 =	vmul.f32 v22, v11;
	v22 =	vor.u32 v0, v24;
	v37 =	vunpack.i.l.bf16.f32 v27;
	v26 =	vld.idx.msk [tilespmem:v26+s5+$0x0], $0xffff  }
0x129: {  	v24 =	vor.u32 v2, v24;
	v27 =	vunpack.i.u.bf16.f32 v27;
	v37 =	vmul.f32 v37, v15;
	v25 =	vld.idx.msk [tilespmem:v25+s5+$0x0], $0xffff  }
0x12a: {  	v15 =	vmul.f32 v27, v15;
	v27 =	vor.u32 v2, v29;
	v38 =	vunpack.i.l.bf16.f32 v31;
	[tilespmem:v28+s8+$0x0] =	vst.idx.msk $0xffff, v32  }
0x12b: {  	v29 =	vor.u32 v0, v29;
	v28 =	vunpack.i.u.bf16.f32 v31;
	[tilespmem:v9+s8+$0x0] =	vst.idx.msk $0xffff, v17;
	v17 =	vmul.f32 v38, v20  }
0x12c: {  	v9 =	vunpack.i.u.bf16.f32 v16;
	v20 =	vmul.f32 v28, v20;
	v28 =	vor.u32 v0, v30;
	[tilespmem:v33+s8+$0x0] =	vst.idx.msk $0xffff, v35  }
0x12d: {  	v31 =	vunpack.i.u.bf16.f32 v10;
	v30 =	vor.u32 v2, v30;
	v9 =	vmul.f32 v9, v36;
	[tilespmem:v14+s8+$0x0] =	vst.idx.msk $0xffff, v11  }
0x12e: {  	v11 =	vunpack.i.l.bf16.f32 v13;
	v14 =	vunpack.i.l.bf16.f32 v10;
	v10 =	vor.u32 v0, v34;
	[tilespmem:v18+s8+$0x0] =	vst.idx.msk $0xffff, v37  }
0x12f: {  	v13 =	vunpack.i.u.bf16.f32 v13;
	v18 =	vmul.f32 v14, v26;
	[tilespmem:v19+s8+$0x0] =	vst.idx.msk $0xffff, v15;
	v15 =	vmul.f32 v11, v25  }
0x130: {  	v13 =	vmul.f32 v13, v25;
	v19 =	vshll.u32 v21, $0x5;
	[tilespmem:v22+s8+$0x0] =	vst.idx.msk $0xffff, v17;
	v17 =	vmul.f32 v31, v26  }
.Ltmp3:
0x131: {  	v14 =	vunpack.i.l.bf16.f32 v12;
	v11 =	vor.u32 v2, v34;
	[tilespmem:v24+s8+$0x0] =	vst.idx.msk $0xffff, v20;
	(pc) =	sbr.rel @p1 .LBB2_9-.Ltmp3, $4  }
0x132: {  	v14 =	vmul.f32 v14, v23;
	v20 =	vunpack.i.u.bf16.f32 v12;
	v12 =	vor.u32 v0, v19;
	[tilespmem:v29+s8+$0x0] =	vst.idx.msk $0xffff, v15  }
0x133: {  	v15 =	vmul.f32 v20, v23;
	[tilespmem:v27+s8+$0x0] =	vst.idx.msk $0xffff, v13;
	v13 =	vor.u32 v2, v19  }
0x134: {  	v16 =	vunpack.i.l.bf16.f32 v16;
	[tilespmem:v28+s8+$0x0] =	vst.idx.msk $0xffff, v18  }
0x135: {  	v16 =	vmul.f32 v16, v36;
	[tilespmem:v30+s8+$0x0] =	vst.idx.msk $0xffff, v17  }
0x136: {  	_ =	sdelay $0x3  }
0x137: {  	[tilespmem:v10+s8+$0x0] =	vst.idx.msk $0xffff, v14  }
0x138: {  	[tilespmem:v11+s8+$0x0] =	vst.idx.msk $0xffff, v15  }
0x139: {  	[tilespmem:v12+s8+$0x0] =	vst.idx.msk $0xffff, v16  }
0x13a: {  	s10 =	sadd.s32 $0xA000, s10;
	[tilespmem:v13+s8+$0x0] =	vst.idx.msk $0xffff, v9  }
0x13b: {  	[spmem:s3] =	stream.indirect.scatter.add.f32 [tilespmem:s8], [sflag:$0x6], $0x20, s10, s31, $0xb8;
	[tilespmem:$0x1FF00] =	vst v63  }
0x13c: {  	s12 =	smin.u32 s7, $0x9A;
	_ =	swait.ge [sflag:s9], $0x800  }
0x13d: {  	s10 =	sshll.u32 s12, $0x7;
	[sflag:s9] =	ssyncset.done $0x0  }
0x13e: {  	s11 =	simm.s32 @!p0 $0x7;
	s10 =	sadd.s32 $0x5280, s10;
	[sflag:s9] =	ssyncadd.s32 $0xFFFFF800  }
0x13f: {  	[tilespmem:s1], [sflag:$0x2] =	stream.indirect.gather [spmem:s2], $0x10, s10, s31, $0xb8;
	[tilespmem:$0x1FF00] =	vst v63  }
0x140: {  	_ =	swait.ge @!p0 [sflag:s11], $0x1000  }
0x141: {  	s10 =	sor.u32 $0x100, s18;
	[sflag:s11] =	ssyncset.done @!p0 $0x0  }
0x142: {  	s13 =	sshrl.u32 s10, $0x1;
	[sflag:s11] =	ssyncadd.s32 @!p0 $0xFFFFF000  }
0x143: {  	v9 =	vld [tilespmem:s13+$0xF000];
	_ =	sdelay $0x4  }
0x144: {  	v10 =	vunpack.i.l.bf16.f32 v9  }
0x145: {  	v9 =	vunpack.i.u.bf16.f32 v9;
	[tilespmem:v0+s5+$0x0] =	vst.idx.msk $0xffff, v10  }
0x146: {  	[tilespmem:v2+s5+$0x0] =	vst.idx.msk $0xffff, v9  }
0x147: {  	v9 =	vld [tilespmem:s17+$0xF090];
	_ =	sdelay $0x4  }
0x148: {  	v10 =	vunpack.i.l.bf16.f32 v9  }
0x149: {  	v9 =	vunpack.i.u.bf16.f32 v9;
	[tilespmem:v3+s5+$0x0] =	vst.idx.msk $0xffff, v10  }
0x14a: {  	[tilespmem:v4+s5+$0x0] =	vst.idx.msk $0xffff, v9  }
0x14b: {  	v9 =	vld [tilespmem:s17+$0xF0A0];
	_ =	sdelay $0x4  }
0x14c: {  	v10 =	vunpack.i.l.bf16.f32 v9  }
0x14d: {  	v9 =	vunpack.i.u.bf16.f32 v9;
	[tilespmem:v5+s5+$0x0] =	vst.idx.msk $0xffff, v10  }
0x14e: {  	[tilespmem:v6+s5+$0x0] =	vst.idx.msk $0xffff, v9  }
0x14f: {  	v9 =	vld [tilespmem:s17+$0xF0B0];
	_ =	sdelay $0x4  }
0x150: {  	v10 =	vunpack.i.l.bf16.f32 v9  }
0x151: {  	v9 =	vunpack.i.u.bf16.f32 v9;
	[tilespmem:v7+s5+$0x0] =	vst.idx.msk $0xffff, v10  }
0x152: {  	s11 =	simm.s32 $0x12870;
	[tilespmem:v8+s5+$0x0] =	vst.idx.msk $0xffff, v9  }
0x153: {  	v12 =	vld [tilespmem:s11+$0xFFFFFFF0]  }
0x154: {  	s17 =	simm.s32 $0x2;
	v11 =	vld [tilespmem:s11+$0xFFFFFFE0]  }
0x155: {  	s12 =	simm.s32 $0x0;
	v14 =	vmov s17;
	v13 =	vld [tilespmem:s11+$0xFFFFFFD0]  }
0x156: {  	v9 =	vmov s12;
	v16 =	vld [tilespmem:s11+$0x0]  }
0x157: {  	s14 =	simm.s32 $0x1;
	v15 =	vld [tilespmem:s11+$0xFFFFFF90]  }
0x158: {  	s26 =	simm.s32 $0x7;
	s29 =	simm.s32 $0x5;
	s18 =	simm.s32 $0x3;
	v10 =	vmov s14;
	v19 =	vld [tilespmem:s11+$0xFFFFFFA0]  }
0x159: {  	s30 =	simm.s32 $0x4;
	v23 =	vmov s26;
	v26 =	vmov s29;
	v18 =	vmov s18;
	s13 =	simm.s32 $0x6;
	v24 =	vld [tilespmem:s11+$0xFFFFFFB0]  }
0x15a: {  	v27 =	vmov s30;
	v21 =	vmov s13;
	v22 =	vshll.u32 v14, $0x5;
	v14 =	vld.idx.msk [tilespmem:v14+s5+$0x0], $0xffff  }
0x15b: {  	v30 =	vshll.u32 v27, $0x5;
	v31 =	vshll.u32 v26, $0x5;
	v61 =	vshll.u32 v23, $0x5;
	v17 =	vld.idx.msk [tilespmem:v9+s5+$0x0], $0xffff  }
0x15c: {  	v56 =	vor.u32 v0, v30;
	v25 =	vshll.u32 v18, $0x5;
	v29 =	vld [tilespmem:s11+$0xFFFFFFC0];
	v9 =	vshll.u32 v9, $0x5  }
0x15d: {  	v57 =	vor.u32 v2, v31;
	v53 =	vor.u32 v0, v25;
	v20 =	vld.idx.msk [tilespmem:v10+s5+$0x0], $0xffff;
	v28 =	vor.u32 v0, v9  }
0x15e: {  	v25 =	vor.u32 v2, v25;
	v18 =	vld.idx.msk [tilespmem:v18+s5+$0x0], $0xffff;
	v10 =	vshll.u32 v10, $0x5;
	v9 =	vor.u32 v2, v9  }
0x15f: {  	v36 =	vor.u32 v0, v22;
	v34 =	vld.idx.msk [tilespmem:v21+s5+$0x0], $0xffff;
	v33 =	vor.u32 v0, v10;
	v32 =	vunpack.i.l.bf16.f32 v15  }
0x160: {  	v26 =	vld.idx.msk [tilespmem:v26+s5+$0x0], $0xffff;
	v10 =	vor.u32 v2, v10;
	v15 =	vunpack.i.u.bf16.f32 v15;
	v32 =	vmul.f32 v32, v17  }
0x161: {  	v22 =	vor.u32 v2, v22;
	v52 =	vld.idx.msk [tilespmem:v27+s5+$0x0], $0xffff;
	v35 =	vunpack.i.l.bf16.f32 v19;
	v15 =	vmul.f32 v15, v17  }
0x162: {  	v21 =	vshll.u32 v21, $0x5;
	v19 =	vunpack.i.u.bf16.f32 v19;
	v35 =	vmul.f32 v35, v20;
	v17 =	vld.idx.msk [tilespmem:v23+s5+$0x0], $0xffff;
	[tilespmem:v28+s15+$0x0] =	vst.idx.msk $0xffff, v32  }
0x163: {  	v37 =	vunpack.i.l.bf16.f32 v24;
	v24 =	vunpack.i.u.bf16.f32 v24;
	v19 =	vmul.f32 v19, v20;
	[tilespmem:v9+s15+$0x0] =	vst.idx.msk $0xffff, v15  }
0x164: {  	v54 =	vunpack.i.l.bf16.f32 v29;
	v58 =	vunpack.i.l.bf16.f32 v13;
	v37 =	vmul.f32 v37, v14;
	[tilespmem:v33+s15+$0x0] =	vst.idx.msk $0xffff, v35  }
0x165: {  	v59 =	vunpack.i.l.bf16.f32 v11;
	v13 =	vunpack.i.u.bf16.f32 v13;
	v14 =	vmul.f32 v24, v14;
	[tilespmem:v10+s15+$0x0] =	vst.idx.msk $0xffff, v19  }
0x166: {  	v55 =	vmul.f32 v54, v18;
	v15 =	vor.u32 v2, v30;
	v9 =	vunpack.i.u.bf16.f32 v29;
	[tilespmem:v36+s15+$0x0] =	vst.idx.msk $0xffff, v37  }
0x167: {  	v62 =	vunpack.i.l.bf16.f32 v12;
	v18 =	vmul.f32 v9, v18;
	v19 =	vor.u32 v0, v31;
	[tilespmem:v22+s15+$0x0] =	vst.idx.msk $0xffff, v14  }
0x168: {  	v63 =	vunpack.i.u.bf16.f32 v12;
	v12 =	vor.u32 v0, v61;
	v14 =	vmul.f32 v58, v52;
	[tilespmem:v53+s15+$0x0] =	vst.idx.msk $0xffff, v55  }
0x169: {  	v60 =	vmul.f32 v59, v26;
	v13 =	vmul.f32 v13, v52;
	v9 =	vunpack.i.u.bf16.f32 v16;
	[tilespmem:v25+s15+$0x0] =	vst.idx.msk $0xffff, v18  }
0x16a: {  	v11 =	vunpack.i.u.bf16.f32 v11;
	v9 =	vmul.f32 v9, v17;
	v10 =	vor.u32 v0, v21;
	[tilespmem:v56+s15+$0x0] =	vst.idx.msk $0xffff, v14  }
0x16b: {  	v16 =	vunpack.i.l.bf16.f32 v16;
	v18 =	vmul.f32 v11, v26;
	v11 =	vor.u32 v2, v21;
	[tilespmem:v15+s15+$0x0] =	vst.idx.msk $0xffff, v13  }
0x16c: {  	v16 =	vmul.f32 v16, v17;
	v14 =	vmul.f32 v62, v34;
	[tilespmem:v19+s15+$0x0] =	vst.idx.msk $0xffff, v60  }
0x16d: {  	s12 =	simm.s32 $0xF;
	v15 =	vmul.f32 v63, v34;
	v13 =	vor.u32 v2, v61;
	[tilespmem:v57+s15+$0x0] =	vst.idx.msk $0xffff, v18  }
.LBB2_11:
0x16e: {  	p1 =	sne.s32 s12, $0x7F  }
0x16f: {  	[tilespmem:v10+s15+$0x0] =	vst.idx.msk $0xffff, v14;
	s11 =	sadd.s32 $0x80, s11;
	s13 =	smov.u32 s12;
	s12 =	sadd.s32 $0x8, s12  }
0x170: {  	[tilespmem:v11+s15+$0x0] =	vst.idx.msk $0xffff, v15  }
0x171: {  	[tilespmem:v12+s15+$0x0] =	vst.idx.msk $0xffff, v16  }
0x172: {  	s14 =	sadd.s32 $0xFFFFFFF9, s13;
	[tilespmem:v13+s15+$0x0] =	vst.idx.msk $0xffff, v9  }
0x173: {  	v9 =	vmov s14;
	v12 =	vld [tilespmem:s11+$0xFFFFFFF0]  }
0x174: {  	s14 =	sadd.s32 $0xFFFFFFFA, s13;
	v10 =	vld [tilespmem:s11+$0xFFFFFFE0]  }
0x175: {  	v11 =	vmov s14;
	v13 =	vld [tilespmem:s11+$0xFFFFFFD0]  }
0x176: {  	s14 =	sadd.s32 $0xFFFFFFFB, s13;
	v14 =	vshll.u32 v11, $0x5;
	v16 =	vld [tilespmem:s11+$0x0]  }
0x177: {  	v15 =	vmov s14;
	v17 =	vld [tilespmem:s11+$0xFFFFFF90]  }
0x178: {  	s14 =	sadd.s32 $0xFFFFFFFC, s13;
	v19 =	vshll.u32 v15, $0x5;
	v18 =	vld.idx.msk [tilespmem:v9+s5+$0x0], $0xffff  }
0x179: {  	s17 =	sadd.s32 $0xFFFFFFFD, s13;
	s18 =	sadd.s32 $0xFFFFFFFE, s13;
	s26 =	sadd.s32 $0xFFFFFFFF, s13;
	v21 =	vmov s13;
	v20 =	vmov s14;
	v22 =	vld [tilespmem:s11+$0xFFFFFFA0]  }
0x17a: {  	v23 =	vmov s26;
	v24 =	vshll.u32 v20, $0x5;
	v9 =	vshll.u32 v9, $0x5;
	v11 =	vld.idx.msk [tilespmem:v11+s5+$0x0], $0xffff  }
0x17b: {  	v25 =	vmov s17;
	v26 =	vmov s18;
	v28 =	vor.u32 v0, v9;
	v27 =	vld [tilespmem:s11+$0xFFFFFFB0]  }
0x17c: {  	v29 =	vshll.u32 v25, $0x5;
	v30 =	vshll.u32 v26, $0x5;
	v9 =	vor.u32 v2, v9;
	v15 =	vld.idx.msk [tilespmem:v15+s5+$0x0], $0xffff  }
0x17d: {  	v34 =	vshll.u32 v23, $0x5;
	v33 =	vor.u32 v0, v14;
	v32 =	vunpack.i.l.bf16.f32 v17;
	v31 =	vld [tilespmem:s11+$0xFFFFFFC0]  }
0x17e: {  	v14 =	vor.u32 v2, v14;
	v17 =	vunpack.i.u.bf16.f32 v17;
	v32 =	vmul.f32 v32, v18;
	v20 =	vld.idx.msk [tilespmem:v20+s5+$0x0], $0xffff  }
0x17f: {  	v17 =	vmul.f32 v17, v18;
	v18 =	vor.u32 v0, v19;
	v35 =	vunpack.i.l.bf16.f32 v22;
	v23 =	vld.idx.msk [tilespmem:v23+s5+$0x0], $0xffff  }
0x180: {  	v19 =	vor.u32 v2, v19;
	v22 =	vunpack.i.u.bf16.f32 v22;
	v35 =	vmul.f32 v35, v11;
	v36 =	vld.idx.msk [tilespmem:v21+s5+$0x0], $0xffff  }
0x181: {  	v11 =	vmul.f32 v22, v11;
	v22 =	vor.u32 v0, v24;
	v37 =	vunpack.i.l.bf16.f32 v27;
	v26 =	vld.idx.msk [tilespmem:v26+s5+$0x0], $0xffff  }
0x182: {  	v24 =	vor.u32 v2, v24;
	v27 =	vunpack.i.u.bf16.f32 v27;
	v37 =	vmul.f32 v37, v15;
	v25 =	vld.idx.msk [tilespmem:v25+s5+$0x0], $0xffff  }
0x183: {  	v15 =	vmul.f32 v27, v15;
	v27 =	vor.u32 v2, v29;
	v38 =	vunpack.i.l.bf16.f32 v31;
	[tilespmem:v28+s15+$0x0] =	vst.idx.msk $0xffff, v32  }
0x184: {  	v29 =	vor.u32 v0, v29;
	v28 =	vunpack.i.u.bf16.f32 v31;
	[tilespmem:v9+s15+$0x0] =	vst.idx.msk $0xffff, v17;
	v17 =	vmul.f32 v38, v20  }
0x185: {  	v9 =	vunpack.i.u.bf16.f32 v16;
	v20 =	vmul.f32 v28, v20;
	v28 =	vor.u32 v0, v30;
	[tilespmem:v33+s15+$0x0] =	vst.idx.msk $0xffff, v35  }
0x186: {  	v31 =	vunpack.i.u.bf16.f32 v10;
	v30 =	vor.u32 v2, v30;
	v9 =	vmul.f32 v9, v36;
	[tilespmem:v14+s15+$0x0] =	vst.idx.msk $0xffff, v11  }
0x187: {  	v11 =	vunpack.i.l.bf16.f32 v13;
	v14 =	vunpack.i.l.bf16.f32 v10;
	v10 =	vor.u32 v0, v34;
	[tilespmem:v18+s15+$0x0] =	vst.idx.msk $0xffff, v37  }
0x188: {  	v13 =	vunpack.i.u.bf16.f32 v13;
	v18 =	vmul.f32 v14, v26;
	[tilespmem:v19+s15+$0x0] =	vst.idx.msk $0xffff, v15;
	v15 =	vmul.f32 v11, v25  }
0x189: {  	v13 =	vmul.f32 v13, v25;
	v19 =	vshll.u32 v21, $0x5;
	[tilespmem:v22+s15+$0x0] =	vst.idx.msk $0xffff, v17;
	v17 =	vmul.f32 v31, v26  }
.Ltmp4:
0x18a: {  	v14 =	vunpack.i.l.bf16.f32 v12;
	v11 =	vor.u32 v2, v34;
	[tilespmem:v24+s15+$0x0] =	vst.idx.msk $0xffff, v20;
	(pc) =	sbr.rel @p1 .LBB2_11-.Ltmp4, $4  }
0x18b: {  	v14 =	vmul.f32 v14, v23;
	v20 =	vunpack.i.u.bf16.f32 v12;
	v12 =	vor.u32 v0, v19;
	[tilespmem:v29+s15+$0x0] =	vst.idx.msk $0xffff, v15  }
0x18c: {  	v15 =	vmul.f32 v20, v23;
	[tilespmem:v27+s15+$0x0] =	vst.idx.msk $0xffff, v13;
	v13 =	vor.u32 v2, v19  }
0x18d: {  	v16 =	vunpack.i.l.bf16.f32 v16;
	[tilespmem:v28+s15+$0x0] =	vst.idx.msk $0xffff, v18  }
0x18e: {  	v16 =	vmul.f32 v16, v36;
	[tilespmem:v30+s15+$0x0] =	vst.idx.msk $0xffff, v17  }
0x18f: {  	_ =	sdelay $0x3  }
0x190: {  	[tilespmem:v10+s15+$0x0] =	vst.idx.msk $0xffff, v14  }
0x191: {  	[tilespmem:v11+s15+$0x0] =	vst.idx.msk $0xffff, v15  }
0x192: {  	[tilespmem:v12+s15+$0x0] =	vst.idx.msk $0xffff, v16  }
0x193: {  	s10 =	sadd.s32 $0xA000, s10;
	[tilespmem:v13+s15+$0x0] =	vst.idx.msk $0xffff, v9  }
0x194: {  	[spmem:s3] =	stream.indirect.scatter.add.f32 [tilespmem:s15], [sflag:$0x7], $0x20, s10, s31, $0xb8;
	[tilespmem:$0x1FF00] =	vst v63  }
0x195: {  	s7 =	smin.u32 s7, $0x99;
	_ =	swait.ge [sflag:s25], $0x800  }
0x196: {  	s7 =	sshll.u32 s7, $0x7;
	[sflag:s25] =	ssyncset.done $0x0  }
0x197: {  	s7 =	sadd.s32 $0x5300, s7;
	[sflag:s25] =	ssyncadd.s32 $0xFFFFF800  }
0x198: {  	[tilespmem:s21], [sflag:$0x3] =	stream.indirect.gather [spmem:s2], $0x10, s7, s31, $0xb8;
	[tilespmem:$0x1FF00] =	vst v63  }
0x199: {  	s7 =	simm.s32 @!p0 $0x8  }
0x19a: {  	_ =	swait.ge @!p0 [sflag:s7], $0x1000  }
0x19b: {  	[sflag:s7] =	ssyncset.done @!p0 $0x0  }
0x19c: {  	s12 =	sshrl.u32 s22, $0x1;
	[sflag:s7] =	ssyncadd.s32 @!p0 $0xFFFFF000  }
0x19d: {  	v9 =	vld [tilespmem:s12+$0xF000];
	_ =	sdelay $0x4  }
0x19e: {  	v10 =	vunpack.i.l.bf16.f32 v9  }
0x19f: {  	v9 =	vunpack.i.u.bf16.f32 v9;
	[tilespmem:v0+s5+$0x0] =	vst.idx.msk $0xffff, v10  }
0x1a0: {  	[tilespmem:v2+s5+$0x0] =	vst.idx.msk $0xffff, v9  }
0x1a1: {  	v9 =	vld [tilespmem:s12+$0xF010];
	_ =	sdelay $0x4  }
0x1a2: {  	v10 =	vunpack.i.l.bf16.f32 v9  }
0x1a3: {  	v9 =	vunpack.i.u.bf16.f32 v9;
	[tilespmem:v3+s5+$0x0] =	vst.idx.msk $0xffff, v10  }
0x1a4: {  	[tilespmem:v4+s5+$0x0] =	vst.idx.msk $0xffff, v9  }
0x1a5: {  	v9 =	vld [tilespmem:s12+$0xF020];
	_ =	sdelay $0x4  }
0x1a6: {  	v10 =	vunpack.i.l.bf16.f32 v9  }
0x1a7: {  	v9 =	vunpack.i.u.bf16.f32 v9;
	[tilespmem:v5+s5+$0x0] =	vst.idx.msk $0xffff, v10  }
0x1a8: {  	[tilespmem:v6+s5+$0x0] =	vst.idx.msk $0xffff, v9  }
0x1a9: {  	v9 =	vld [tilespmem:s12+$0xF030];
	_ =	sdelay $0x4  }
0x1aa: {  	v10 =	vunpack.i.l.bf16.f32 v9  }
0x1ab: {  	v9 =	vunpack.i.u.bf16.f32 v9;
	[tilespmem:v7+s5+$0x0] =	vst.idx.msk $0xffff, v10  }
0x1ac: {  	s7 =	simm.s32 $0x13070;
	[tilespmem:v8+s5+$0x0] =	vst.idx.msk $0xffff, v9  }
0x1ad: {  	v12 =	vld [tilespmem:s7+$0xFFFFFFF0]  }
0x1ae: {  	s17 =	simm.s32 $0x2;
	v11 =	vld [tilespmem:s7+$0xFFFFFFE0]  }
0x1af: {  	s13 =	simm.s32 $0x0;
	v14 =	vmov s17;
	v13 =	vld [tilespmem:s7+$0xFFFFFFD0]  }
0x1b0: {  	v9 =	vmov s13;
	v16 =	vld [tilespmem:s7+$0x0]  }
0x1b1: {  	s14 =	simm.s32 $0x1;
	v15 =	vld [tilespmem:s7+$0xFFFFFF90]  }
0x1b2: {  	s18 =	simm.s32 $0x3;
	s11 =	simm.s32 $0x6;
	s26 =	simm.s32 $0x7;
	v10 =	vmov s14;
	v19 =	vld [tilespmem:s7+$0xFFFFFFA0]  }
0x1b3: {  	s29 =	simm.s32 $0x5;
	s30 =	simm.s32 $0x4;
	v18 =	vmov s18;
	v21 =	vmov s11;
	v23 =	vmov s26;
	v24 =	vld [tilespmem:s7+$0xFFFFFFB0]  }
0x1b4: {  	v26 =	vmov s29;
	v27 =	vmov s30;
	v22 =	vshll.u32 v14, $0x5;
	v14 =	vld.idx.msk [tilespmem:v14+s5+$0x0], $0xffff  }
0x1b5: {  	v25 =	vshll.u32 v18, $0x5;
	v30 =	vshll.u32 v27, $0x5;
	v31 =	vshll.u32 v26, $0x5;
	v17 =	vld.idx.msk [tilespmem:v9+s5+$0x0], $0xffff  }
0x1b6: {  	v61 =	vshll.u32 v23, $0x5;
	v36 =	vor.u32 v0, v22;
	v29 =	vld [tilespmem:s7+$0xFFFFFFC0];
	v9 =	vshll.u32 v9, $0x5  }
0x1b7: {  	v22 =	vor.u32 v2, v22;
	v53 =	vor.u32 v0, v25;
	v20 =	vld.idx.msk [tilespmem:v10+s5+$0x0], $0xffff;
	v28 =	vor.u32 v0, v9  }
0x1b8: {  	v25 =	vor.u32 v2, v25;
	v18 =	vld.idx.msk [tilespmem:v18+s5+$0x0], $0xffff;
	v10 =	vshll.u32 v10, $0x5;
	v9 =	vor.u32 v2, v9  }
0x1b9: {  	v56 =	vor.u32 v0, v30;
	v34 =	vld.idx.msk [tilespmem:v21+s5+$0x0], $0xffff;
	v33 =	vor.u32 v0, v10;
	v32 =	vunpack.i.l.bf16.f32 v15  }
0x1ba: {  	v26 =	vld.idx.msk [tilespmem:v26+s5+$0x0], $0xffff;
	v10 =	vor.u32 v2, v10;
	v15 =	vunpack.i.u.bf16.f32 v15;
	v32 =	vmul.f32 v32, v17  }
0x1bb: {  	v57 =	vor.u32 v2, v31;
	v52 =	vld.idx.msk [tilespmem:v27+s5+$0x0], $0xffff;
	v35 =	vunpack.i.l.bf16.f32 v19;
	v15 =	vmul.f32 v15, v17  }
0x1bc: {  	v21 =	vshll.u32 v21, $0x5;
	v19 =	vunpack.i.u.bf16.f32 v19;
	v35 =	vmul.f32 v35, v20;
	v17 =	vld.idx.msk [tilespmem:v23+s5+$0x0], $0xffff;
	[tilespmem:v28+s16+$0x0] =	vst.idx.msk $0xffff, v32  }
0x1bd: {  	v37 =	vunpack.i.l.bf16.f32 v24;
	v24 =	vunpack.i.u.bf16.f32 v24;
	v19 =	vmul.f32 v19, v20;
	[tilespmem:v9+s16+$0x0] =	vst.idx.msk $0xffff, v15  }
0x1be: {  	v54 =	vunpack.i.l.bf16.f32 v29;
	v58 =	vunpack.i.l.bf16.f32 v13;
	v37 =	vmul.f32 v37, v14;
	[tilespmem:v33+s16+$0x0] =	vst.idx.msk $0xffff, v35  }
0x1bf: {  	v59 =	vunpack.i.l.bf16.f32 v11;
	v13 =	vunpack.i.u.bf16.f32 v13;
	v14 =	vmul.f32 v24, v14;
	[tilespmem:v10+s16+$0x0] =	vst.idx.msk $0xffff, v19  }
0x1c0: {  	v55 =	vmul.f32 v54, v18;
	v15 =	vor.u32 v2, v30;
	v9 =	vunpack.i.u.bf16.f32 v29;
	[tilespmem:v36+s16+$0x0] =	vst.idx.msk $0xffff, v37  }
0x1c1: {  	v62 =	vunpack.i.l.bf16.f32 v12;
	v18 =	vmul.f32 v9, v18;
	v19 =	vor.u32 v0, v31;
	[tilespmem:v22+s16+$0x0] =	vst.idx.msk $0xffff, v14  }
0x1c2: {  	v63 =	vunpack.i.u.bf16.f32 v12;
	v12 =	vor.u32 v0, v61;
	v14 =	vmul.f32 v58, v52;
	[tilespmem:v53+s16+$0x0] =	vst.idx.msk $0xffff, v55  }
0x1c3: {  	v60 =	vmul.f32 v59, v26;
	v13 =	vmul.f32 v13, v52;
	v9 =	vunpack.i.u.bf16.f32 v16;
	[tilespmem:v25+s16+$0x0] =	vst.idx.msk $0xffff, v18  }
0x1c4: {  	v11 =	vunpack.i.u.bf16.f32 v11;
	v9 =	vmul.f32 v9, v17;
	v10 =	vor.u32 v0, v21;
	[tilespmem:v56+s16+$0x0] =	vst.idx.msk $0xffff, v14  }
0x1c5: {  	v16 =	vunpack.i.l.bf16.f32 v16;
	v18 =	vmul.f32 v11, v26;
	v11 =	vor.u32 v2, v21;
	[tilespmem:v15+s16+$0x0] =	vst.idx.msk $0xffff, v13  }
0x1c6: {  	v16 =	vmul.f32 v16, v17;
	v14 =	vmul.f32 v62, v34;
	[tilespmem:v19+s16+$0x0] =	vst.idx.msk $0xffff, v60  }
0x1c7: {  	s10 =	simm.s32 $0xF;
	v15 =	vmul.f32 v63, v34;
	v13 =	vor.u32 v2, v61;
	[tilespmem:v57+s16+$0x0] =	vst.idx.msk $0xffff, v18  }
.LBB2_13:
0x1c8: {  	p0 =	sne.s32 s10, $0x7F  }
0x1c9: {  	[tilespmem:v10+s16+$0x0] =	vst.idx.msk $0xffff, v14;
	s7 =	sadd.s32 $0x80, s7;
	s11 =	smov.u32 s10;
	s10 =	sadd.s32 $0x8, s10  }
0x1ca: {  	[tilespmem:v11+s16+$0x0] =	vst.idx.msk $0xffff, v15  }
0x1cb: {  	[tilespmem:v12+s16+$0x0] =	vst.idx.msk $0xffff, v16  }
0x1cc: {  	s12 =	sadd.s32 $0xFFFFFFF9, s11;
	[tilespmem:v13+s16+$0x0] =	vst.idx.msk $0xffff, v9  }
0x1cd: {  	v9 =	vmov s12;
	v12 =	vld [tilespmem:s7+$0xFFFFFFF0]  }
0x1ce: {  	s12 =	sadd.s32 $0xFFFFFFFA, s11;
	v10 =	vld [tilespmem:s7+$0xFFFFFFE0]  }
0x1cf: {  	v11 =	vmov s12;
	v13 =	vld [tilespmem:s7+$0xFFFFFFD0]  }
0x1d0: {  	s12 =	sadd.s32 $0xFFFFFFFB, s11;
	v14 =	vshll.u32 v11, $0x5;
	v16 =	vld [tilespmem:s7+$0x0]  }
0x1d1: {  	v15 =	vmov s12;
	v17 =	vld [tilespmem:s7+$0xFFFFFF90]  }
0x1d2: {  	s12 =	sadd.s32 $0xFFFFFFFC, s11;
	v19 =	vshll.u32 v15, $0x5;
	v18 =	vld.idx.msk [tilespmem:v9+s5+$0x0], $0xffff  }
0x1d3: {  	s13 =	sadd.s32 $0xFFFFFFFD, s11;
	s14 =	sadd.s32 $0xFFFFFFFE, s11;
	s17 =	sadd.s32 $0xFFFFFFFF, s11;
	v21 =	vmov s11;
	v20 =	vmov s12;
	v22 =	vld [tilespmem:s7+$0xFFFFFFA0]  }
0x1d4: {  	v23 =	vmov s17;
	v24 =	vshll.u32 v20, $0x5;
	v9 =	vshll.u32 v9, $0x5;
	v11 =	vld.idx.msk [tilespmem:v11+s5+$0x0], $0xffff  }
0x1d5: {  	v25 =	vmov s13;
	v26 =	vmov s14;
	v28 =	vor.u32 v0, v9;
	v27 =	vld [tilespmem:s7+$0xFFFFFFB0]  }
0x1d6: {  	v29 =	vshll.u32 v25, $0x5;
	v30 =	vshll.u32 v26, $0x5;
	v9 =	vor.u32 v2, v9;
	v15 =	vld.idx.msk [tilespmem:v15+s5+$0x0], $0xffff  }
0x1d7: {  	v34 =	vshll.u32 v23, $0x5;
	v33 =	vor.u32 v0, v14;
	v32 =	vunpack.i.l.bf16.f32 v17;
	v31 =	vld [tilespmem:s7+$0xFFFFFFC0]  }
0x1d8: {  	v14 =	vor.u32 v2, v14;
	v17 =	vunpack.i.u.bf16.f32 v17;
	v32 =	vmul.f32 v32, v18;
	v20 =	vld.idx.msk [tilespmem:v20+s5+$0x0], $0xffff  }
0x1d9: {  	v17 =	vmul.f32 v17, v18;
	v18 =	vor.u32 v0, v19;
	v35 =	vunpack.i.l.bf16.f32 v22;
	v23 =	vld.idx.msk [tilespmem:v23+s5+$0x0], $0xffff  }
0x1da: {  	v19 =	vor.u32 v2, v19;
	v22 =	vunpack.i.u.bf16.f32 v22;
	v35 =	vmul.f32 v35, v11;
	v36 =	vld.idx.msk [tilespmem:v21+s5+$0x0], $0xffff  }
0x1db: {  	v11 =	vmul.f32 v22, v11;
	v22 =	vor.u32 v0, v24;
	v37 =	vunpack.i.l.bf16.f32 v27;
	v26 =	vld.idx.msk [tilespmem:v26+s5+$0x0], $0xffff  }
0x1dc: {  	v24 =	vor.u32 v2, v24;
	v27 =	vunpack.i.u.bf16.f32 v27;
	v37 =	vmul.f32 v37, v15;
	v25 =	vld.idx.msk [tilespmem:v25+s5+$0x0], $0xffff  }
0x1dd: {  	v15 =	vmul.f32 v27, v15;
	v27 =	vor.u32 v2, v29;
	v38 =	vunpack.i.l.bf16.f32 v31;
	[tilespmem:v28+s16+$0x0] =	vst.idx.msk $0xffff, v32  }
0x1de: {  	v29 =	vor.u32 v0, v29;
	v28 =	vunpack.i.u.bf16.f32 v31;
	[tilespmem:v9+s16+$0x0] =	vst.idx.msk $0xffff, v17;
	v17 =	vmul.f32 v38, v20  }
0x1df: {  	v9 =	vunpack.i.u.bf16.f32 v16;
	v20 =	vmul.f32 v28, v20;
	v28 =	vor.u32 v0, v30;
	[tilespmem:v33+s16+$0x0] =	vst.idx.msk $0xffff, v35  }
0x1e0: {  	v31 =	vunpack.i.u.bf16.f32 v10;
	v30 =	vor.u32 v2, v30;
	v9 =	vmul.f32 v9, v36;
	[tilespmem:v14+s16+$0x0] =	vst.idx.msk $0xffff, v11  }
0x1e1: {  	v11 =	vunpack.i.l.bf16.f32 v13;
	v14 =	vunpack.i.l.bf16.f32 v10;
	v10 =	vor.u32 v0, v34;
	[tilespmem:v18+s16+$0x0] =	vst.idx.msk $0xffff, v37  }
0x1e2: {  	v13 =	vunpack.i.u.bf16.f32 v13;
	v18 =	vmul.f32 v14, v26;
	[tilespmem:v19+s16+$0x0] =	vst.idx.msk $0xffff, v15;
	v15 =	vmul.f32 v11, v25  }
0x1e3: {  	v13 =	vmul.f32 v13, v25;
	v19 =	vshll.u32 v21, $0x5;
	[tilespmem:v22+s16+$0x0] =	vst.idx.msk $0xffff, v17;
	v17 =	vmul.f32 v31, v26  }
.Ltmp5:
0x1e4: {  	v14 =	vunpack.i.l.bf16.f32 v12;
	v11 =	vor.u32 v2, v34;
	[tilespmem:v24+s16+$0x0] =	vst.idx.msk $0xffff, v20;
	(pc) =	sbr.rel @p0 .LBB2_13-.Ltmp5, $4  }
0x1e5: {  	v14 =	vmul.f32 v14, v23;
	v20 =	vunpack.i.u.bf16.f32 v12;
	v12 =	vor.u32 v0, v19;
	[tilespmem:v29+s16+$0x0] =	vst.idx.msk $0xffff, v15  }
0x1e6: {  	v15 =	vmul.f32 v20, v23;
	[tilespmem:v27+s16+$0x0] =	vst.idx.msk $0xffff, v13;
	v13 =	vor.u32 v2, v19  }
0x1e7: {  	v16 =	vunpack.i.l.bf16.f32 v16;
	[tilespmem:v28+s16+$0x0] =	vst.idx.msk $0xffff, v18  }
0x1e8: {  	v16 =	vmul.f32 v16, v36;
	[tilespmem:v30+s16+$0x0] =	vst.idx.msk $0xffff, v17  }
0x1e9: {  	_ =	sdelay $0x1  }
0x1ea: {  	s20 =	sadd.s32 $0x1, s20  }
0x1eb: {  	p0 =	sne.s32 s20, $0x28  }
.Ltmp6:
0x1ec: {  	[tilespmem:v10+s16+$0x0] =	vst.idx.msk $0xffff, v14;
	(pc) =	sbr.rel @p0 .LBB2_6-.Ltmp6, $4  }
0x1ed: {  	[tilespmem:v11+s16+$0x0] =	vst.idx.msk $0xffff, v15  }
0x1ee: {  	[tilespmem:v12+s16+$0x0] =	vst.idx.msk $0xffff, v16  }
0x1ef: {  	s7 =	sadd.s32 $0xA000, s22;
	[tilespmem:v13+s16+$0x0] =	vst.idx.msk $0xffff, v9  }
0x1f0: {  	[spmem:s3] =	stream.indirect.scatter.add.f32 [tilespmem:s16], [sflag:$0x8], $0x20, s7, s31, $0xb8;
	[tilespmem:$0x1FF00] =	vst v63  }
0x1f1: {  	s20 =	simm.s32 $0x5  }
0x1f2: {  	_ =	swait.ge [sflag:s20], $0x1000  }
0x1f3: {  	[sflag:s20] =	ssyncset.done $0x0  }
0x1f4: {  	s22 =	simm.s32 $0x6;
	[sflag:s20] =	ssyncadd.s32 $0xFFFFF000  }
0x1f5: {  	_ =	swait.ge [sflag:s22], $0x1000  }
0x1f6: {  	[sflag:s22] =	ssyncset.done $0x0  }
0x1f7: {  	s7 =	simm.s32 $0x7;
	[sflag:s22] =	ssyncadd.s32 $0xFFFFF000  }
0x1f8: {  	_ =	swait.ge [sflag:s7], $0x1000  }
0x1f9: {  	[sflag:s7] =	ssyncset.done $0x0  }
0x1fa: {  	s14 =	simm.s32 $0x8;
	[sflag:s7] =	ssyncadd.s32 $0xFFFFF000  }
0x1fb: {  	_ =	swait.ge [sflag:s14], $0x1000  }
0x1fc: {  	[sflag:s14] =	ssyncset.done $0x0  }
0x1fd: {  	[sflag:s14] =	ssyncadd.s32 $0xFFFFF000  }
0x1fe: {  	_ =	swait.ge [sflag:s23], $0x800  }
0x1ff: {  	[sflag:s23] =	ssyncset.done $0x0  }
0x200: {  	[sflag:s23] =	ssyncadd.s32 $0xFFFFF800  }
0x201: {  	_ =	swait.ge [sflag:s24], $0x800  }
0x202: {  	[sflag:s24] =	ssyncset.done $0x0  }
0x203: {  	[sflag:s24] =	ssyncadd.s32 $0xFFFFF800  }
0x204: {  	_ =	swait.ge [sflag:s9], $0x800  }
0x205: {  	[sflag:s9] =	ssyncset.done $0x0  }
0x206: {  	[sflag:s9] =	ssyncadd.s32 $0xFFFFF800  }
0x207: {  	[bflag:$0x0] =	sbarrier.arrive $0xFFFF  }
0x208: {  	s17 =	rddreg [dreg:$0x8]  }
0x209: {  	s12 =	rddreg [dreg:$0xb]  }
0x20a: {  	s11 =	rddreg [dreg:$0x10];
	s7 =	sor.u32 $0x1C09, s17;
	s10 =	sshrl.u32 s12, $0x3  }
0x20b: {  	[hbm:s11], [sflag:s7] =	dma.local [spmem:s10], $0x200  }
0x20c: {  	_ =	swait.ge [sflag:s28], $0x200  }
0x20d: {  	[sflag:s28] =	ssyncset.done $0x0;
	s13 =	rddreg [dreg:$0xc]  }
0x20e: {  	s26 =	rddreg [dreg:$0x11];
	[sflag:s28] =	ssyncadd.s32 $0xFFFFFE00;
	s18 =	sshrl.u32 s13, $0x3  }
0x20f: {  	[hbm:s26], [sflag:s7] =	dma.local [spmem:s18], $0x200  }
0x210: {  	_ =	swait.ge [sflag:s28], $0x200  }
0x211: {  	[sflag:s28] =	ssyncset.done $0x0;
	s14 =	rddreg [dreg:$0xd]  }
0x212: {  	s30 =	rddreg [dreg:$0x12];
	[sflag:s28] =	ssyncadd.s32 $0xFFFFFE00;
	s29 =	sshrl.u32 s14, $0x3  }
0x213: {  	[hbm:s30], [sflag:s7] =	dma.local [spmem:s29], $0x200  }
0x214: {  	_ =	swait.ge [sflag:s28], $0x200  }
0x215: {  	[sflag:s28] =	ssyncset.done $0x0;
	s17 =	rddreg [dreg:$0xe]  }
0x216: {  	s18 =	rddreg [dreg:$0x13];
	[sflag:s28] =	ssyncadd.s32 $0xFFFFFE00;
	s11 =	sshrl.u32 s17, $0x3  }
0x217: {  	[hbm:s18], [sflag:s7] =	dma.local [spmem:s11], $0x200  }
0x218: {  	_ =	swait.ge [sflag:s28], $0x200  }
0x219: {  	[sflag:s28] =	ssyncset.done $0x0;
	s18 =	rddreg [dreg:$0xf]  }
0x21a: {  	s29 =	rddreg [dreg:$0x14];
	[sflag:s28] =	ssyncadd.s32 $0xFFFFFE00;
	s26 =	sshrl.u32 s18, $0x3  }
0x21b: {  	[hbm:s29], [sflag:s7] =	dma.local [spmem:s26], $0x1E0  }
0x21c: {  	_ =	swait.ge [sflag:s28], $0x1E0  }
0x21d: {  	s19 =	sadd.s32 $0x1, s19;
	s30 =	rddreg [dreg:$0x15]  }
0x21e: {  	p0 =	sne.s32 s19, s30  }
.Ltmp7:
0x21f: {  	_ = 	snop;
	(pc) =	sbr.rel @p0 .LBB2_1-.Ltmp7, $3  }
0x220: {  	_ =	sdelay $0x1  }
0x221: {  	[sflag:s28] =	ssyncset.done $0x0  }
0x222: {  	[sflag:s28] =	ssyncadd.s32 $0xFFFFFE20  }
0x223: {  	_ =	sfence.sel $0x180000  }
0x224: {  	[bflag:$0x0] =	sbarrier.arrive $0xFFFF  }
0x225: {  	_ =	strace $0x90000047  }
0x226: {  	s0 =	stileid.u32;
	[bflag:$0x2] =	sbarrier.arrive $0xFFFF  }
0x227: {  	p0 =	sne.s32 s0, $0x0;
	s0 =	rddreg [dreg:$0x5]  }
0x228: {  	s0 =	sadd.s32 @!p0 $0x100000, s0  }
0x229: {  	[sflag:s0] =	ssyncadd.tile.s32 @!p0 $0x1;
	_ =	shalt  }
.Lfunc_end2:
_tile_overlayer_lowered:
.L_overlay_start_2:
0x22a: {  	(tag) =	ssettag $0x2  }
0x22b: {  	s0 =	rddreg [dreg:$0x0];
	s2 =	stileid.u32  }
0x22c: {  	s1 =	rddreg [dreg:$0x1];
	p0 =	sne.s32 s2, $0x0  }
0x22d: {  	s3 =	rddreg [dreg:$0x2];
	[bflag:$0x3] =	sbarrier.arrive $0xFFFF;
	s2 =	simm.s32 @!p0 $0x1C09  }
0x22e: {  	[timem:s3], [sflag:s2] =	dma.local @!p0 [hbm:s0], s1  }
0x22f: {  	s0 =	simm.s32 @!p0 $0x9  }
0x230: {  	_ =	swait.ge @!p0 [sflag:s0], s1  }
0x231: {  	s1 =	ssub.s32 @!p0 $0x0, s1;
	[sflag:s0] =	ssyncset.done @!p0 $0x0  }
0x232: {  	[sflag:s0] =	ssyncadd.s32 @!p0 s1  }
0x233: {  	[bflag:$0x3] =	sbarrier.arrive $0xFFFF  }
0x234: {  	_ =	shalt  }

</sc_bundles>
